<compile_context>
chip_gen: v7x
topology: tpu7x:2x2x1
jax: 0.10.2.dev20260603
libtpu: 0.0.44.dev20260713+nightly
codegen_flags: <defaults>
</compile_context>

<pallas_src>
import functools
import jax
import jax.numpy as jnp
from jax.experimental import pallas as pl
from jax.experimental.pallas import tpu as pltpu

NX = 512
NY = 512
VS = 0.2
X0 = -51.2
NSEG = NX * NY
FEAT = 64
NB = 2048
NPTS = 100000
NPAD = 102400


def _voxel_f(p):
    return jnp.clip(jnp.floor((p - X0) / VS), 0.0, 511.0)


def _x_linear(pts, fea, gath, W1, W2, W3, b):
    cnt = jnp.maximum(gath[:, 0:1], 1.0)
    mean = gath[:, 1:4] / cnt
    fcl = pts - mean
    px = pts[:, 0:1]
    py = pts[:, 1:2]
    vxf = _voxel_f(px)
    vyf = _voxel_f(py)
    cx = (vxf + 0.5) * VS + X0
    cy = (vyf + 0.5) * VS + X0
    fcen = jnp.concatenate([px - cx, py - cy], axis=1)
    x = fea @ W1 + fcl @ W2 + fcen @ W3 + b
    return x


def _valid_mask(i):
    row = jax.lax.broadcasted_iota(jnp.int32, (NB, 1), 0) + i * NB
    return row < NPTS


def _stats_kernel(pts_ref, fea_ref, gath_ref, W1_ref, W2_ref, W3_ref, b_ref,
                  out_ref):
    i = pl.program_id(1)
    x = _x_linear(pts_ref[0], fea_ref[0], gath_ref[0], W1_ref[...],
                  W2_ref[...], W3_ref[...], b_ref[...])
    x = jnp.where(_valid_mask(i), x, 0.0)
    blk = jnp.concatenate([jnp.sum(x, 0, keepdims=True),
                           jnp.sum(x * x, 0, keepdims=True)], axis=0)

    @pl.when(i == 0)
    def _():
        out_ref[0] = blk

    @pl.when(i != 0)
    def _():
        out_ref[0] += blk


def _norm_kernel(pts_ref, fea_ref, gath_ref, W1_ref, W2_ref, W3_ref, b_ref,
                 stats_ref, gamma_ref, beta_ref, pf_ref, scaledT_ref):
    i = pl.program_id(1)
    x = _x_linear(pts_ref[0], fea_ref[0], gath_ref[0], W1_ref[...],
                  W2_ref[...], W3_ref[...], b_ref[...])
    n = jnp.float32(NPTS)
    mu = stats_ref[0, 0:1, :] / n
    var = stats_ref[0, 1:2, :] / n - mu * mu
    scale = gamma_ref[...] * jax.lax.rsqrt(var + 1e-5)
    pf = jnp.maximum(x * scale + (beta_ref[...] - mu * scale), 0.0)
    pf_ref[0] = pf
    inv_cnt = 1.0 / jnp.maximum(gath_ref[0][:, 0:1], 1.0)
    scaled = jnp.where(_valid_mask(i), pf * inv_cnt, 0.0)
    scaledT_ref[0] = scaled.T


def _tc_passes(points, points_in_fea, gath, W, b, gamma, beta):
    B, N = points.shape[0], points.shape[1]
    nblk = N // NB
    W1 = W[:FEAT]
    W2 = W[FEAT:FEAT + 3]
    W3 = W[FEAT + 3:FEAT + 5]
    b2 = b[None, :]
    g2 = gamma[None, :]
    be2 = beta[None, :]
    grid = (B, nblk)
    in_specs = [
        pl.BlockSpec((1, NB, 3), lambda bi, i: (bi, i, 0)),
        pl.BlockSpec((1, NB, FEAT), lambda bi, i: (bi, i, 0)),
        pl.BlockSpec((1, NB, 4), lambda bi, i: (bi, i, 0)),
        pl.BlockSpec((FEAT, FEAT), lambda bi, i: (0, 0)),
        pl.BlockSpec((3, FEAT), lambda bi, i: (0, 0)),
        pl.BlockSpec((2, FEAT), lambda bi, i: (0, 0)),
        pl.BlockSpec((1, FEAT), lambda bi, i: (0, 0)),
    ]
    stats = pl.pallas_call(
        _stats_kernel,
        grid=grid,
        in_specs=in_specs,
        out_specs=pl.BlockSpec((1, 2, FEAT), lambda bi, i: (bi, 0, 0)),
        out_shape=jax.ShapeDtypeStruct((B, 2, FEAT), jnp.float32),
    )(points, points_in_fea, gath, W1, W2, W3, b2)

    pf, scaledT = pl.pallas_call(
        _norm_kernel,
        grid=grid,
        in_specs=in_specs + [
            pl.BlockSpec((1, 2, FEAT), lambda bi, i: (bi, 0, 0)),
            pl.BlockSpec((1, FEAT), lambda bi, i: (0, 0)),
            pl.BlockSpec((1, FEAT), lambda bi, i: (0, 0)),
        ],
        out_specs=[
            pl.BlockSpec((1, NB, FEAT), lambda bi, i: (bi, i, 0)),
            pl.BlockSpec((1, FEAT, NB), lambda bi, i: (bi, 0, i)),
        ],
        out_shape=[
            jax.ShapeDtypeStruct((B, N, FEAT), jnp.float32),
            jax.ShapeDtypeStruct((B, FEAT, N), jnp.float32),
        ],
    )(points, points_in_fea, gath, W1, W2, W3, b2, stats, g2, be2)
    return pf, scaledT


def kernel(points, points_in_fea, W, b, gamma, beta):
    B, N = points.shape[0], points.shape[1]
    vx = jnp.clip(jnp.floor((points[..., 0] - X0) / VS).astype(jnp.int32), 0, NX - 1)
    vy = jnp.clip(jnp.floor((points[..., 1] - X0) / VS).astype(jnp.int32), 0, NY - 1)
    seg = vy * NX + vx

    def seg_sums(seg_b, pts_b):
        ones = jnp.ones((N, 1), jnp.float32)
        rows = jnp.concatenate([ones, pts_b], axis=1)
        tab = jax.ops.segment_sum(rows, seg_b, num_segments=NSEG)
        return tab[seg_b]

    gath = jax.vmap(seg_sums)(seg, points)

    pad = [(0, 0), (0, NPAD - N), (0, 0)]
    pf, scaledT = _tc_passes(jnp.pad(points, pad), jnp.pad(points_in_fea, pad),
                             jnp.pad(gath, pad), W, b, gamma, beta)
    pf = pf[:, :N]

    def seg_scatter(seg_b, scaledT_b):
        vox = jax.ops.segment_sum(scaledT_b.T[:N], seg_b, num_segments=NSEG)
        return vox.T.reshape(FEAT, NY, NX)

    pseudo = jax.vmap(seg_scatter)(seg, scaledT)
    return pseudo, pf

# --- scband reference (transcript-rebuilt; emitter-appended) ---
"""Pipeline reference for scband-my-dynamic-embedder-90950227460797 (READ-ONLY COPY).

The authoritative reference and input builder live on the scoring server;
editing this copy changes nothing except your own understanding.
"""

import jax, jax.numpy as jnp
import numpy as np

VOXEL_SIZE = (0.2, 0.2, 6.0)
PC_RANGE = (-51.2, -51.2, -3.0, 51.2, 51.2, 3.0)
NX, NY = 512, 512
IN_CH = 64
FEAT_CH = 64
B, N = 2, 100000


def setup_inputs(seed: int = 0) -> dict:
    key = jax.random.key(seed)
    k1, k2, k3, k4 = jax.random.split(key, 4)
    xy = jax.random.uniform(k1, (B, N, 2), minval=-51.2, maxval=51.2 - 1e-3)
    z = jax.random.uniform(k2, (B, N, 1), minval=-3.0, maxval=3.0 - 1e-3)
    points = jnp.concatenate([xy, z], axis=-1).astype(jnp.float32)
    points_in_fea = jax.random.normal(k3, (B, N, IN_CH), dtype=jnp.float32)
    W = (jax.random.normal(k4, (IN_CH + 5, FEAT_CH), dtype=jnp.float32) * 0.02)
    b = jnp.zeros((FEAT_CH,), dtype=jnp.float32)
    gamma = jnp.ones((FEAT_CH,), dtype=jnp.float32)
    beta = jnp.zeros((FEAT_CH,), dtype=jnp.float32)
    return {"points": points, "points_in_fea": points_in_fea, "W": W, "b": b, "gamma": gamma, "beta": beta}


def _embed_one(pts, fea, W, b, gamma, beta):
    # DynamicVoxelizer: voxel coords per point (all points inside range by construction)
    vx = jnp.floor((pts[:, 0] - PC_RANGE[0]) / VOXEL_SIZE[0]).astype(jnp.int32)
    vy = jnp.floor((pts[:, 1] - PC_RANGE[1]) / VOXEL_SIZE[1]).astype(jnp.int32)
    vx = jnp.clip(vx, 0, NX - 1)
    vy = jnp.clip(vy, 0, NY - 1)
    seg = vy * NX + vx
    nseg = NX * NY
    ones = jnp.ones((pts.shape[0],), jnp.float32)
    cnt = jax.ops.segment_sum(ones, seg, num_segments=nseg)
    cnt_safe = jnp.maximum(cnt, 1.0)
    # PillarFeatureNet: cluster-center and pillar-center offsets
    mean_xyz = jax.ops.segment_sum(pts, seg, num_segments=nseg) / cnt_safe[:, None]
    f_cluster = pts - mean_xyz[seg]
    cx = (vx.astype(jnp.float32) + 0.5) * VOXEL_SIZE[0] + PC_RANGE[0]
    cy = (vy.astype(jnp.float32) + 0.5) * VOXEL_SIZE[1] + PC_RANGE[1]
    f_center = jnp.stack([pts[:, 0] - cx, pts[:, 1] - cy], axis=1)
    feats = jnp.concatenate([fea, f_cluster, f_center], axis=1)
    # PFN layer: linear + BN (training-mode over points) + ReLU
    x = feats @ W + b
    mu = jnp.mean(x, axis=0)
    var = jnp.var(x, axis=0)
    x = (x - mu) / jnp.sqrt(var + 1e-5) * gamma + beta
    point_feats = jax.nn.relu(x)
    # mode='avg' pillar pooling (scatter-add + divide by count)
    voxel_feats = jax.ops.segment_sum(point_feats, seg, num_segments=nseg) / cnt_safe[:, None]
    # PointPillarsScatter: dense pseudo-image [C, NY, NX]
    pseudo = voxel_feats.T.reshape(FEAT_CH, NY, NX)
    return pseudo, point_feats


def reference(points, points_in_fea, W, b, gamma, beta):
    pseudo, point_feats = jax.vmap(_embed_one, in_axes=(0, 0, None, None, None, None))(
        points, points_in_fea, W, b, gamma, beta)
    return pseudo, point_feats

if __name__ == "__main__":
    import jax
    _d = setup_inputs()
    print(jax.jit(kernel)(*tuple(_d.values())))

</pallas_src>

<mosaic_0001>
module attributes {stable_mosaic.version = 14 : i64} {
  func.func @_stats_kernel(%arg0: i32, %arg1: i32, %arg2: memref<1x2048x3xf32, #tpu.memory_space<vmem>>, %arg3: memref<1x2048x64xf32, #tpu.memory_space<vmem>>, %arg4: memref<1x2048x4xf32, #tpu.memory_space<vmem>>, %arg5: memref<64x64xf32, #tpu.memory_space<vmem>>, %arg6: memref<3x64xf32, #tpu.memory_space<vmem>>, %arg7: memref<2x64xf32, #tpu.memory_space<vmem>>, %arg8: memref<1x64xf32, #tpu.memory_space<vmem>>, %arg9: memref<1x2x64xf32, #tpu.memory_space<vmem>>) attributes {dimension_semantics = [#tpu.dimension_semantics<arbitrary>, #tpu.dimension_semantics<arbitrary>], iteration_bounds = array<i64: 2, 50>, scalar_prefetch = 0 : i64, scratch_operands = 0 : i64, tpu.core_type = #tpu.core_type<tc>, window_params = [{transform_indices = @transform_0, window_bounds = array<i64: 1, 2048, 3>}, {transform_indices = @transform_1, window_bounds = array<i64: 1, 2048, 64>}, {transform_indices = @transform_2, window_bounds = array<i64: 1, 2048, 4>}, {pipeline_mode = #tpu.pipeline_mode<synchronous>, transform_indices = @transform_3, window_bounds = array<i64: 64, 64>}, {pipeline_mode = #tpu.pipeline_mode<synchronous>, transform_indices = @transform_4, window_bounds = array<i64: 3, 64>}, {pipeline_mode = #tpu.pipeline_mode<synchronous>, transform_indices = @transform_5, window_bounds = array<i64: 2, 64>}, {pipeline_mode = #tpu.pipeline_mode<synchronous>, transform_indices = @transform_6, window_bounds = array<i64: 1, 64>}, {transform_indices = @transform_7, window_bounds = array<i64: 1, 2, 64>}]} {
    %get3A = arith.constant 0 : index
    %get3A_0 = arith.constant 0 : index
    %get3A_1 = arith.constant 0 : index
    %get3A_2 = vector.load %arg2[%get3A, %get3A_0, %get3A_1] : memref<1x2048x3xf32, #tpu.memory_space<vmem>>, vector<1x2048x3xf32>
    %get3A_3 = vector.shape_cast %get3A_2 : vector<1x2048x3xf32> to vector<2048x3xf32>
    %get3A_4 = arith.constant 0 : index
    %get3A_5 = arith.constant 0 : index
    %get3A_6 = arith.constant 0 : index
    %get3A_7 = vector.load %arg3[%get3A_4, %get3A_5, %get3A_6] : memref<1x2048x64xf32, #tpu.memory_space<vmem>>, vector<1x2048x64xf32>
    %get3A_8 = vector.shape_cast %get3A_7 : vector<1x2048x64xf32> to vector<2048x64xf32>
    %get3A_9 = arith.constant 0 : index
    %get3A_10 = arith.constant 0 : index
    %get3A_11 = arith.constant 0 : index
    %get3A_12 = vector.load %arg4[%get3A_9, %get3A_10, %get3A_11] : memref<1x2048x4xf32, #tpu.memory_space<vmem>>, vector<1x2048x4xf32>
    %get3A_13 = vector.shape_cast %get3A_12 : vector<1x2048x4xf32> to vector<2048x4xf32>
    %get3A_14 = arith.constant 0 : index
    %get3A_15 = arith.constant 0 : index
    %get3A_16 = vector.load %arg5[%get3A_14, %get3A_15] : memref<64x64xf32, #tpu.memory_space<vmem>>, vector<64x64xf32>
    %get3A_17 = arith.constant 0 : index
    %get3A_18 = arith.constant 0 : index
    %get3A_19 = vector.load %arg6[%get3A_17, %get3A_18] : memref<3x64xf32, #tpu.memory_space<vmem>>, vector<3x64xf32>
    %get3A_20 = arith.constant 0 : index
    %get3A_21 = arith.constant 0 : index
    %get3A_22 = vector.load %arg7[%get3A_20, %get3A_21] : memref<2x64xf32, #tpu.memory_space<vmem>>, vector<2x64xf32>
    %get3A_23 = arith.constant 0 : index
    %get3A_24 = arith.constant 0 : index
    %get3A_25 = vector.load %arg8[%get3A_23, %get3A_24] : memref<1x64xf32, #tpu.memory_space<vmem>>, vector<1x64xf32>
    %slice3A = vector.extract_strided_slice %get3A_13 {offsets = [0, 0], sizes = [2048, 1], strides = [1, 1]} : vector<2048x4xf32> to vector<2048x1xf32>
    %max3A = arith.constant 1.000000e+00 : f32
    %max3A_26 = vector.broadcast %max3A : f32 to vector<2048x1xf32>
    %max3A_27 = arith.maximumf %slice3A, %max3A_26 : vector<2048x1xf32>
    %slice3A_28 = vector.extract_strided_slice %get3A_13 {offsets = [0, 1], sizes = [2048, 3], strides = [1, 1]} : vector<2048x4xf32> to vector<2048x3xf32>
    %div3A = vector.broadcast %max3A_27 : vector<2048x1xf32> to vector<2048x3xf32>
    %div3A_29 = arith.divf %slice3A_28, %div3A : vector<2048x3xf32>
    %sub3A = arith.subf %get3A_3, %div3A_29 : vector<2048x3xf32>
    %slice3A_30 = vector.extract_strided_slice %get3A_3 {offsets = [0, 0], sizes = [2048, 1], strides = [1, 1]} : vector<2048x3xf32> to vector<2048x1xf32>
    %slice3A_31 = vector.extract_strided_slice %get3A_3 {offsets = [0, 1], sizes = [2048, 1], strides = [1, 1]} : vector<2048x3xf32> to vector<2048x1xf32>
    %sub3A_32 = arith.constant -5.120000e+01 : f32
    %sub3A_33 = vector.broadcast %sub3A_32 : f32 to vector<2048x1xf32>
    %sub3A_34 = arith.subf %slice3A_30, %sub3A_33 : vector<2048x1xf32>
    %div3A_35 = arith.constant 2.000000e-01 : f32
    %div3A_36 = vector.broadcast %div3A_35 : f32 to vector<2048x1xf32>
    %div3A_37 = arith.divf %sub3A_34, %div3A_36 : vector<2048x1xf32>
    %floor3A = math.floor %div3A_37 : vector<2048x1xf32>
    %jit3A = arith.constant 0.000000e+00 : f32
    %jit3A_38 = arith.constant 5.110000e+02 : f32
    %max3A_39 = vector.broadcast %jit3A : f32 to vector<2048x1xf32>
    %max3A_40 = arith.maximumf %max3A_39, %floor3A : vector<2048x1xf32>
    %min3A = vector.broadcast %jit3A_38 : f32 to vector<2048x1xf32>
    %min3A_41 = arith.minimumf %min3A, %max3A_40 : vector<2048x1xf32>
    %sub3A_42 = arith.constant -5.120000e+01 : f32
    %sub3A_43 = vector.broadcast %sub3A_42 : f32 to vector<2048x1xf32>
    %sub3A_44 = arith.subf %slice3A_31, %sub3A_43 : vector<2048x1xf32>
    %div3A_45 = arith.constant 2.000000e-01 : f32
    %div3A_46 = vector.broadcast %div3A_45 : f32 to vector<2048x1xf32>
    %div3A_47 = arith.divf %sub3A_44, %div3A_46 : vector<2048x1xf32>
    %floor3A_48 = math.floor %div3A_47 : vector<2048x1xf32>
    %jit3A_49 = arith.constant 0.000000e+00 : f32
    %jit3A_50 = arith.constant 5.110000e+02 : f32
    %max3A_51 = vector.broadcast %jit3A_49 : f32 to vector<2048x1xf32>
    %max3A_52 = arith.maximumf %max3A_51, %floor3A_48 : vector<2048x1xf32>
    %min3A_53 = vector.broadcast %jit3A_50 : f32 to vector<2048x1xf32>
    %min3A_54 = arith.minimumf %min3A_53, %max3A_52 : vector<2048x1xf32>
    %add3A = arith.constant 5.000000e-01 : f32
    %add3A_55 = vector.broadcast %add3A : f32 to vector<2048x1xf32>
    %add3A_56 = arith.addf %min3A_41, %add3A_55 : vector<2048x1xf32>
    %mul3A = arith.constant 2.000000e-01 : f32
    %mul3A_57 = vector.broadcast %mul3A : f32 to vector<2048x1xf32>
    %mul3A_58 = arith.mulf %add3A_56, %mul3A_57 : vector<2048x1xf32>
    %add3A_59 = arith.constant -5.120000e+01 : f32
    %add3A_60 = vector.broadcast %add3A_59 : f32 to vector<2048x1xf32>
    %add3A_61 = arith.addf %mul3A_58, %add3A_60 : vector<2048x1xf32>
    %add3A_62 = arith.constant 5.000000e-01 : f32
    %add3A_63 = vector.broadcast %add3A_62 : f32 to vector<2048x1xf32>
    %add3A_64 = arith.addf %min3A_54, %add3A_63 : vector<2048x1xf32>
    %mul3A_65 = arith.constant 2.000000e-01 : f32
    %mul3A_66 = vector.broadcast %mul3A_65 : f32 to vector<2048x1xf32>
    %mul3A_67 = arith.mulf %add3A_64, %mul3A_66 : vector<2048x1xf32>
    %add3A_68 = arith.constant -5.120000e+01 : f32
    %add3A_69 = vector.broadcast %add3A_68 : f32 to vector<2048x1xf32>
    %add3A_70 = arith.addf %mul3A_67, %add3A_69 : vector<2048x1xf32>
    %sub3A_71 = arith.subf %slice3A_30, %add3A_61 : vector<2048x1xf32>
    %sub3A_72 = arith.subf %slice3A_31, %add3A_70 : vector<2048x1xf32>
    %concatenate3A = tpu.concatenate %sub3A_71, %sub3A_72 in 1 : vector<2048x1xf32>, vector<2048x1xf32> -> vector<2048x2xf32>
    %dot_general3A = arith.constant dense<0.000000e+00> : vector<2048x64xf32>
    %dot_general3A_73 = tpu.matmul %get3A_8, %get3A_16, %dot_general3A {dimension_numbers = #tpu.dot_dimension_numbers<[1], [0], [0], [1], [0, 0, 1, 1], [], []>, transpose_lhs_hint = false} : vector<2048x64xf32>, vector<64x64xf32>, vector<2048x64xf32> -> vector<2048x64xf32>
    %dot_general3A_74 = arith.constant dense<0.000000e+00> : vector<2048x64xf32>
    %dot_general3A_75 = tpu.matmul %sub3A, %get3A_19, %dot_general3A_74 {dimension_numbers = #tpu.dot_dimension_numbers<[1], [0], [0], [1], [0, 0, 1, 1], [], []>, transpose_lhs_hint = false} : vector<2048x3xf32>, vector<3x64xf32>, vector<2048x64xf32> -> vector<2048x64xf32>
    %add3A_76 = arith.addf %dot_general3A_73, %dot_general3A_75 : vector<2048x64xf32>
    %dot_general3A_77 = arith.constant dense<0.000000e+00> : vector<2048x64xf32>
    %dot_general3A_78 = tpu.matmul %concatenate3A, %get3A_22, %dot_general3A_77 {dimension_numbers = #tpu.dot_dimension_numbers<[1], [0], [0], [1], [0, 0, 1, 1], [], []>, transpose_lhs_hint = false} : vector<2048x2xf32>, vector<2x64xf32>, vector<2048x64xf32> -> vector<2048x64xf32>
    %add3A_79 = arith.addf %add3A_76, %dot_general3A_78 : vector<2048x64xf32>
    %add3A_80 = vector.broadcast %get3A_25 : vector<1x64xf32> to vector<2048x64xf32>
    %add3A_81 = arith.addf %add3A_79, %add3A_80 : vector<2048x64xf32>
    %iota3A = tpu.iota {dimensions = array<i32: 0>} : vector<2048x1xi32>
    %mul3A_82 = arith.constant 2048 : i32
    %mul3A_83 = arith.muli %arg1, %mul3A_82 : i32
    %add3A_84 = vector.broadcast %mul3A_83 : i32 to vector<2048x1xi32>
    %add3A_85 = arith.addi %iota3A, %add3A_84 : vector<2048x1xi32>
    %lt3A = arith.constant 100000 : i32
    %lt3A_86 = vector.broadcast %lt3A : i32 to vector<2048x1xi32>
    %lt3A_87 = arith.cmpi slt, %add3A_85, %lt3A_86 : vector<2048x1xi32>
    %jit3A_88 = arith.constant 0.000000e+00 : f32
    %broadcast_in_dim3A = vector.shape_cast %lt3A_87 : vector<2048x1xi1> to vector<2048x1xi1>
    %broadcast_in_dim3A_89 = vector.broadcast %broadcast_in_dim3A : vector<2048x1xi1> to vector<2048x64xi1>
    %broadcast_in_dim3A_90 = vector.broadcast %jit3A_88 : f32 to vector<2048x64xf32>
    %select_n3A = arith.select %broadcast_in_dim3A_89, %add3A_81, %broadcast_in_dim3A_90 : vector<2048x64xi1>, vector<2048x64xf32>
    %reduce_sum3A = arith.constant dense<0.000000e+00> : vector<64xf32>
    %reduce_sum3A_91 = vector.multi_reduction <add>, %select_n3A, %reduce_sum3A [0] : vector<2048x64xf32> to vector<64xf32>
    %broadcast_in_dim3A_92 = vector.shape_cast %reduce_sum3A_91 : vector<64xf32> to vector<1x64xf32>
    %mul3A_93 = arith.mulf %select_n3A, %select_n3A : vector<2048x64xf32>
    %reduce_sum3A_94 = arith.constant dense<0.000000e+00> : vector<64xf32>
    %reduce_sum3A_95 = vector.multi_reduction <add>, %mul3A_93, %reduce_sum3A_94 [0] : vector<2048x64xf32> to vector<64xf32>
    %broadcast_in_dim3A_96 = vector.shape_cast %reduce_sum3A_95 : vector<64xf32> to vector<1x64xf32>
    %concatenate3A_97 = tpu.concatenate %broadcast_in_dim3A_92, %broadcast_in_dim3A_96 in 0 : vector<1x64xf32>, vector<1x64xf32> -> vector<2x64xf32>
    %eq3A = arith.constant 0 : i32
    %eq3A_98 = arith.cmpi eq, %arg1, %eq3A : i32
    %convert_element_type3A = arith.extui %eq3A_98 : i1 to i32
    %cond3A = arith.constant 0 : i32
    %cond3A_99 = arith.cmpi ne, %convert_element_type3A, %cond3A : i32
    scf.if %cond3A_99 {
      %swap3A = arith.constant 0 : index
      %swap3A_104 = arith.constant 0 : index
      %swap3A_105 = arith.constant 0 : index
      %swap3A_106 = vector.load %arg9[%swap3A, %swap3A_104, %swap3A_105] : memref<1x2x64xf32, #tpu.memory_space<vmem>>, vector<1x2x64xf32>
      %swap3A_107 = vector.shape_cast %swap3A_106 : vector<1x2x64xf32> to vector<2x64xf32>
      %swap3A_108 = vector.shape_cast %concatenate3A_97 : vector<2x64xf32> to vector<1x2x64xf32>
      tpu.vector_store %arg9[%swap3A, %swap3A_104, %swap3A_105], %swap3A_108 {strides = array<i32>} : memref<1x2x64xf32, #tpu.memory_space<vmem>>, vector<1x2x64xf32>,
    } else {
    }
    %ne3A = arith.constant 0 : i32
    %ne3A_100 = arith.cmpi ne, %arg1, %ne3A : i32
    %convert_element_type3A_101 = arith.extui %ne3A_100 : i1 to i32
    %cond3A_102 = arith.constant 0 : i32
    %cond3A_103 = arith.cmpi ne, %convert_element_type3A_101, %cond3A_102 : i32
    scf.if %cond3A_103 {
      %get3A_104 = arith.constant 0 : index
      %get3A_105 = arith.constant 0 : index
      %get3A_106 = arith.constant 0 : index
      %get3A_107 = vector.load %arg9[%get3A_104, %get3A_105, %get3A_106] : memref<1x2x64xf32, #tpu.memory_space<vmem>>, vector<1x2x64xf32>
      %get3A_108 = vector.shape_cast %get3A_107 : vector<1x2x64xf32> to vector<2x64xf32>
      %add3A_109 = arith.addf %get3A_108, %concatenate3A_97 : vector<2x64xf32>
      %swap3A = arith.constant 0 : index
      %swap3A_110 = arith.constant 0 : index
      %swap3A_111 = arith.constant 0 : index
      %swap3A_112 = vector.load %arg9[%swap3A, %swap3A_110, %swap3A_111] : memref<1x2x64xf32, #tpu.memory_space<vmem>>, vector<1x2x64xf32>
      %swap3A_113 = vector.shape_cast %swap3A_112 : vector<1x2x64xf32> to vector<2x64xf32>
      %swap3A_114 = vector.shape_cast %add3A_109 : vector<2x64xf32> to vector<1x2x64xf32>
      tpu.vector_store %arg9[%swap3A, %swap3A_110, %swap3A_111], %swap3A_114 {strides = array<i32>} : memref<1x2x64xf32, #tpu.memory_space<vmem>>, vector<1x2x64xf32>,
    } else {
    }
    return
  }
  func.func @transform_0(%arg0: i32, %arg1: i32) -> (i32, i32, i32) {
    %c0_i32 = arith.constant 0 : i32
    %c0_i32_0 = arith.constant 0 : i32
    return %arg0, %arg1, %c0_i32 : i32, i32, i32
  }
  func.func @transform_1(%arg0: i32, %arg1: i32) -> (i32, i32, i32) {
    %c0_i32 = arith.constant 0 : i32
    %c0_i32_0 = arith.constant 0 : i32
    return %arg0, %arg1, %c0_i32 : i32, i32, i32
  }
  func.func @transform_2(%arg0: i32, %arg1: i32) -> (i32, i32, i32) {
    %c0_i32 = arith.constant 0 : i32
    %c0_i32_0 = arith.constant 0 : i32
    return %arg0, %arg1, %c0_i32 : i32, i32, i32
  }
  func.func @transform_3(%arg0: i32, %arg1: i32) -> (i32, i32) {
    %c0_i32 = arith.constant 0 : i32
    %c0_i32_0 = arith.constant 0 : i32
    %c0_i32_1 = arith.constant 0 : i32
    return %c0_i32, %c0_i32_0 : i32, i32
  }
  func.func @transform_4(%arg0: i32, %arg1: i32) -> (i32, i32) {
    %c0_i32 = arith.constant 0 : i32
    %c0_i32_0 = arith.constant 0 : i32
    %c0_i32_1 = arith.constant 0 : i32
    return %c0_i32, %c0_i32_0 : i32, i32
  }
  func.func @transform_5(%arg0: i32, %arg1: i32) -> (i32, i32) {
    %c0_i32 = arith.constant 0 : i32
    %c0_i32_0 = arith.constant 0 : i32
    %c0_i32_1 = arith.constant 0 : i32
    return %c0_i32, %c0_i32_0 : i32, i32
  }
  func.func @transform_6(%arg0: i32, %arg1: i32) -> (i32, i32) {
    %c0_i32 = arith.constant 0 : i32
    %c0_i32_0 = arith.constant 0 : i32
    %c0_i32_1 = arith.constant 0 : i32
    return %c0_i32, %c0_i32_0 : i32, i32
  }
  func.func @transform_7(%arg0: i32, %arg1: i32) -> (i32, i32, i32) {
    %c0_i32 = arith.constant 0 : i32
    %c0_i32_0 = arith.constant 0 : i32
    %c0_i32_1 = arith.constant 0 : i32
    return %arg0, %c0_i32, %c0_i32_0 : i32, i32, i32
  }
}

module attributes {stable_mosaic.version = 14 : i64} {
  func.func @_norm_kernel(%arg0: i32, %arg1: i32, %arg2: memref<1x2048x3xf32, #tpu.memory_space<vmem>>, %arg3: memref<1x2048x64xf32, #tpu.memory_space<vmem>>, %arg4: memref<1x2048x4xf32, #tpu.memory_space<vmem>>, %arg5: memref<64x64xf32, #tpu.memory_space<vmem>>, %arg6: memref<3x64xf32, #tpu.memory_space<vmem>>, %arg7: memref<2x64xf32, #tpu.memory_space<vmem>>, %arg8: memref<1x64xf32, #tpu.memory_space<vmem>>, %arg9: memref<1x2x64xf32, #tpu.memory_space<vmem>>, %arg10: memref<1x64xf32, #tpu.memory_space<vmem>>, %arg11: memref<1x64xf32, #tpu.memory_space<vmem>>, %arg12: memref<1x2048x64xf32, #tpu.memory_space<vmem>>, %arg13: memref<1x64x2048xf32, #tpu.memory_space<vmem>>) attributes {dimension_semantics = [#tpu.dimension_semantics<arbitrary>, #tpu.dimension_semantics<arbitrary>], iteration_bounds = array<i64: 2, 50>, scalar_prefetch = 0 : i64, scratch_operands = 0 : i64, tpu.core_type = #tpu.core_type<tc>, window_params = [{transform_indices = @transform_0, window_bounds = array<i64: 1, 2048, 3>}, {transform_indices = @transform_1, window_bounds = array<i64: 1, 2048, 64>}, {transform_indices = @transform_2, window_bounds = array<i64: 1, 2048, 4>}, {pipeline_mode = #tpu.pipeline_mode<synchronous>, transform_indices = @transform_3, window_bounds = array<i64: 64, 64>}, {pipeline_mode = #tpu.pipeline_mode<synchronous>, transform_indices = @transform_4, window_bounds = array<i64: 3, 64>}, {pipeline_mode = #tpu.pipeline_mode<synchronous>, transform_indices = @transform_5, window_bounds = array<i64: 2, 64>}, {pipeline_mode = #tpu.pipeline_mode<synchronous>, transform_indices = @transform_6, window_bounds = array<i64: 1, 64>}, {transform_indices = @transform_7, window_bounds = array<i64: 1, 2, 64>}, {pipeline_mode = #tpu.pipeline_mode<synchronous>, transform_indices = @transform_8, window_bounds = array<i64: 1, 64>}, {pipeline_mode = #tpu.pipeline_mode<synchronous>, transform_indices = @transform_9, window_bounds = array<i64: 1, 64>}, {transform_indices = @transform_10, window_bounds = array<i64: 1, 2048, 64>}, {transform_indices = @transform_11, window_bounds = array<i64: 1, 64, 2048>}]} {
    %get3A = arith.constant 0 : index
    %get3A_0 = arith.constant 0 : index
    %get3A_1 = arith.constant 0 : index
    %get3A_2 = vector.load %arg2[%get3A, %get3A_0, %get3A_1] : memref<1x2048x3xf32, #tpu.memory_space<vmem>>, vector<1x2048x3xf32>
    %get3A_3 = vector.shape_cast %get3A_2 : vector<1x2048x3xf32> to vector<2048x3xf32>
    %get3A_4 = arith.constant 0 : index
    %get3A_5 = arith.constant 0 : index
    %get3A_6 = arith.constant 0 : index
    %get3A_7 = vector.load %arg3[%get3A_4, %get3A_5, %get3A_6] : memref<1x2048x64xf32, #tpu.memory_space<vmem>>, vector<1x2048x64xf32>
    %get3A_8 = vector.shape_cast %get3A_7 : vector<1x2048x64xf32> to vector<2048x64xf32>
    %get3A_9 = arith.constant 0 : index
    %get3A_10 = arith.constant 0 : index
    %get3A_11 = arith.constant 0 : index
    %get3A_12 = vector.load %arg4[%get3A_9, %get3A_10, %get3A_11] : memref<1x2048x4xf32, #tpu.memory_space<vmem>>, vector<1x2048x4xf32>
    %get3A_13 = vector.shape_cast %get3A_12 : vector<1x2048x4xf32> to vector<2048x4xf32>
    %get3A_14 = arith.constant 0 : index
    %get3A_15 = arith.constant 0 : index
    %get3A_16 = vector.load %arg5[%get3A_14, %get3A_15] : memref<64x64xf32, #tpu.memory_space<vmem>>, vector<64x64xf32>
    %get3A_17 = arith.constant 0 : index
    %get3A_18 = arith.constant 0 : index
    %get3A_19 = vector.load %arg6[%get3A_17, %get3A_18] : memref<3x64xf32, #tpu.memory_space<vmem>>, vector<3x64xf32>
    %get3A_20 = arith.constant 0 : index
    %get3A_21 = arith.constant 0 : index
    %get3A_22 = vector.load %arg7[%get3A_20, %get3A_21] : memref<2x64xf32, #tpu.memory_space<vmem>>, vector<2x64xf32>
    %get3A_23 = arith.constant 0 : index
    %get3A_24 = arith.constant 0 : index
    %get3A_25 = vector.load %arg8[%get3A_23, %get3A_24] : memref<1x64xf32, #tpu.memory_space<vmem>>, vector<1x64xf32>
    %slice3A = vector.extract_strided_slice %get3A_13 {offsets = [0, 0], sizes = [2048, 1], strides = [1, 1]} : vector<2048x4xf32> to vector<2048x1xf32>
    %max3A = arith.constant 1.000000e+00 : f32
    %max3A_26 = vector.broadcast %max3A : f32 to vector<2048x1xf32>
    %max3A_27 = arith.maximumf %slice3A, %max3A_26 : vector<2048x1xf32>
    %slice3A_28 = vector.extract_strided_slice %get3A_13 {offsets = [0, 1], sizes = [2048, 3], strides = [1, 1]} : vector<2048x4xf32> to vector<2048x3xf32>
    %div3A = vector.broadcast %max3A_27 : vector<2048x1xf32> to vector<2048x3xf32>
    %div3A_29 = arith.divf %slice3A_28, %div3A : vector<2048x3xf32>
    %sub3A = arith.subf %get3A_3, %div3A_29 : vector<2048x3xf32>
    %slice3A_30 = vector.extract_strided_slice %get3A_3 {offsets = [0, 0], sizes = [2048, 1], strides = [1, 1]} : vector<2048x3xf32> to vector<2048x1xf32>
    %slice3A_31 = vector.extract_strided_slice %get3A_3 {offsets = [0, 1], sizes = [2048, 1], strides = [1, 1]} : vector<2048x3xf32> to vector<2048x1xf32>
    %sub3A_32 = arith.constant -5.120000e+01 : f32
    %sub3A_33 = vector.broadcast %sub3A_32 : f32 to vector<2048x1xf32>
    %sub3A_34 = arith.subf %slice3A_30, %sub3A_33 : vector<2048x1xf32>
    %div3A_35 = arith.constant 2.000000e-01 : f32
    %div3A_36 = vector.broadcast %div3A_35 : f32 to vector<2048x1xf32>
    %div3A_37 = arith.divf %sub3A_34, %div3A_36 : vector<2048x1xf32>
    %floor3A = math.floor %div3A_37 : vector<2048x1xf32>
    %jit3A = arith.constant 0.000000e+00 : f32
    %jit3A_38 = arith.constant 5.110000e+02 : f32
    %max3A_39 = vector.broadcast %jit3A : f32 to vector<2048x1xf32>
    %max3A_40 = arith.maximumf %max3A_39, %floor3A : vector<2048x1xf32>
    %min3A = vector.broadcast %jit3A_38 : f32 to vector<2048x1xf32>
    %min3A_41 = arith.minimumf %min3A, %max3A_40 : vector<2048x1xf32>
    %sub3A_42 = arith.constant -5.120000e+01 : f32
    %sub3A_43 = vector.broadcast %sub3A_42 : f32 to vector<2048x1xf32>
    %sub3A_44 = arith.subf %slice3A_31, %sub3A_43 : vector<2048x1xf32>
    %div3A_45 = arith.constant 2.000000e-01 : f32
    %div3A_46 = vector.broadcast %div3A_45 : f32 to vector<2048x1xf32>
    %div3A_47 = arith.divf %sub3A_44, %div3A_46 : vector<2048x1xf32>
    %floor3A_48 = math.floor %div3A_47 : vector<2048x1xf32>
    %jit3A_49 = arith.constant 0.000000e+00 : f32
    %jit3A_50 = arith.constant 5.110000e+02 : f32
    %max3A_51 = vector.broadcast %jit3A_49 : f32 to vector<2048x1xf32>
    %max3A_52 = arith.maximumf %max3A_51, %floor3A_48 : vector<2048x1xf32>
    %min3A_53 = vector.broadcast %jit3A_50 : f32 to vector<2048x1xf32>
    %min3A_54 = arith.minimumf %min3A_53, %max3A_52 : vector<2048x1xf32>
    %add3A = arith.constant 5.000000e-01 : f32
    %add3A_55 = vector.broadcast %add3A : f32 to vector<2048x1xf32>
    %add3A_56 = arith.addf %min3A_41, %add3A_55 : vector<2048x1xf32>
    %mul3A = arith.constant 2.000000e-01 : f32
    %mul3A_57 = vector.broadcast %mul3A : f32 to vector<2048x1xf32>
    %mul3A_58 = arith.mulf %add3A_56, %mul3A_57 : vector<2048x1xf32>
    %add3A_59 = arith.constant -5.120000e+01 : f32
    %add3A_60 = vector.broadcast %add3A_59 : f32 to vector<2048x1xf32>
    %add3A_61 = arith.addf %mul3A_58, %add3A_60 : vector<2048x1xf32>
    %add3A_62 = arith.constant 5.000000e-01 : f32
    %add3A_63 = vector.broadcast %add3A_62 : f32 to vector<2048x1xf32>
    %add3A_64 = arith.addf %min3A_54, %add3A_63 : vector<2048x1xf32>
    %mul3A_65 = arith.constant 2.000000e-01 : f32
    %mul3A_66 = vector.broadcast %mul3A_65 : f32 to vector<2048x1xf32>
    %mul3A_67 = arith.mulf %add3A_64, %mul3A_66 : vector<2048x1xf32>
    %add3A_68 = arith.constant -5.120000e+01 : f32
    %add3A_69 = vector.broadcast %add3A_68 : f32 to vector<2048x1xf32>
    %add3A_70 = arith.addf %mul3A_67, %add3A_69 : vector<2048x1xf32>
    %sub3A_71 = arith.subf %slice3A_30, %add3A_61 : vector<2048x1xf32>
    %sub3A_72 = arith.subf %slice3A_31, %add3A_70 : vector<2048x1xf32>
    %concatenate3A = tpu.concatenate %sub3A_71, %sub3A_72 in 1 : vector<2048x1xf32>, vector<2048x1xf32> -> vector<2048x2xf32>
    %dot_general3A = arith.constant dense<0.000000e+00> : vector<2048x64xf32>
    %dot_general3A_73 = tpu.matmul %get3A_8, %get3A_16, %dot_general3A {dimension_numbers = #tpu.dot_dimension_numbers<[1], [0], [0], [1], [0, 0, 1, 1], [], []>, transpose_lhs_hint = false} : vector<2048x64xf32>, vector<64x64xf32>, vector<2048x64xf32> -> vector<2048x64xf32>
    %dot_general3A_74 = arith.constant dense<0.000000e+00> : vector<2048x64xf32>
    %dot_general3A_75 = tpu.matmul %sub3A, %get3A_19, %dot_general3A_74 {dimension_numbers = #tpu.dot_dimension_numbers<[1], [0], [0], [1], [0, 0, 1, 1], [], []>, transpose_lhs_hint = false} : vector<2048x3xf32>, vector<3x64xf32>, vector<2048x64xf32> -> vector<2048x64xf32>
    %add3A_76 = arith.addf %dot_general3A_73, %dot_general3A_75 : vector<2048x64xf32>
    %dot_general3A_77 = arith.constant dense<0.000000e+00> : vector<2048x64xf32>
    %dot_general3A_78 = tpu.matmul %concatenate3A, %get3A_22, %dot_general3A_77 {dimension_numbers = #tpu.dot_dimension_numbers<[1], [0], [0], [1], [0, 0, 1, 1], [], []>, transpose_lhs_hint = false} : vector<2048x2xf32>, vector<2x64xf32>, vector<2048x64xf32> -> vector<2048x64xf32>
    %add3A_79 = arith.addf %add3A_76, %dot_general3A_78 : vector<2048x64xf32>
    %add3A_80 = vector.broadcast %get3A_25 : vector<1x64xf32> to vector<2048x64xf32>
    %add3A_81 = arith.addf %add3A_79, %add3A_80 : vector<2048x64xf32>
    %get3A_82 = arith.constant 0 : index
    %get3A_83 = arith.constant 0 : index
    %get3A_84 = arith.constant 0 : index
    %get3A_85 = vector.load %arg9[%get3A_82, %get3A_83, %get3A_84] : memref<1x2x64xf32, #tpu.memory_space<vmem>>, vector<1x1x64xf32>
    %get3A_86 = vector.shape_cast %get3A_85 : vector<1x1x64xf32> to vector<1x64xf32>
    %div3A_87 = arith.constant 1.000000e+05 : f32
    %div3A_88 = vector.broadcast %div3A_87 : f32 to vector<1x64xf32>
    %div3A_89 = arith.divf %get3A_86, %div3A_88 : vector<1x64xf32>
    %get3A_90 = arith.constant 0 : index
    %get3A_91 = arith.constant 1 : index
    %get3A_92 = arith.constant 0 : index
    %get3A_93 = vector.load %arg9[%get3A_90, %get3A_91, %get3A_92] : memref<1x2x64xf32, #tpu.memory_space<vmem>>, vector<1x1x64xf32>
    %get3A_94 = vector.shape_cast %get3A_93 : vector<1x1x64xf32> to vector<1x64xf32>
    %div3A_95 = arith.constant 1.000000e+05 : f32
    %div3A_96 = vector.broadcast %div3A_95 : f32 to vector<1x64xf32>
    %div3A_97 = arith.divf %get3A_94, %div3A_96 : vector<1x64xf32>
    %mul3A_98 = arith.mulf %div3A_89, %div3A_89 : vector<1x64xf32>
    %sub3A_99 = arith.subf %div3A_97, %mul3A_98 : vector<1x64xf32>
    %get3A_100 = arith.constant 0 : index
    %get3A_101 = arith.constant 0 : index
    %get3A_102 = vector.load %arg10[%get3A_100, %get3A_101] : memref<1x64xf32, #tpu.memory_space<vmem>>, vector<1x64xf32>
    %add3A_103 = arith.constant 9.99999974E-6 : f32
    %add3A_104 = vector.broadcast %add3A_103 : f32 to vector<1x64xf32>
    %add3A_105 = arith.addf %sub3A_99, %add3A_104 : vector<1x64xf32>
    %rsqrt3A = math.rsqrt %add3A_105 : vector<1x64xf32>
    %mul3A_106 = arith.mulf %get3A_102, %rsqrt3A : vector<1x64xf32>
    %mul3A_107 = vector.broadcast %mul3A_106 : vector<1x64xf32> to vector<2048x64xf32>
    %mul3A_108 = arith.mulf %add3A_81, %mul3A_107 : vector<2048x64xf32>
    %get3A_109 = arith.constant 0 : index
    %get3A_110 = arith.constant 0 : index
    %get3A_111 = vector.load %arg11[%get3A_109, %get3A_110] : memref<1x64xf32, #tpu.memory_space<vmem>>, vector<1x64xf32>
    %mul3A_112 = arith.mulf %div3A_89, %mul3A_106 : vector<1x64xf32>
    %sub3A_113 = arith.subf %get3A_111, %mul3A_112 : vector<1x64xf32>
    %add3A_114 = vector.broadcast %sub3A_113 : vector<1x64xf32> to vector<2048x64xf32>
    %add3A_115 = arith.addf %mul3A_108, %add3A_114 : vector<2048x64xf32>
    %max3A_116 = arith.constant 0.000000e+00 : f32
    %max3A_117 = vector.broadcast %max3A_116 : f32 to vector<2048x64xf32>
    %max3A_118 = arith.maximumf %add3A_115, %max3A_117 : vector<2048x64xf32>
    %swap3A = arith.constant 0 : index
    %swap3A_119 = arith.constant 0 : index
    %swap3A_120 = arith.constant 0 : index
    %swap3A_121 = vector.load %arg12[%swap3A, %swap3A_119, %swap3A_120] : memref<1x2048x64xf32, #tpu.memory_space<vmem>>, vector<1x2048x64xf32>
    %swap3A_122 = vector.shape_cast %swap3A_121 : vector<1x2048x64xf32> to vector<2048x64xf32>
    %swap3A_123 = vector.shape_cast %max3A_118 : vector<2048x64xf32> to vector<1x2048x64xf32>
    tpu.vector_store %arg12[%swap3A, %swap3A_119, %swap3A_120], %swap3A_123 {strides = array<i32>} : memref<1x2048x64xf32, #tpu.memory_space<vmem>>, vector<1x2048x64xf32>,
    %get3A_124 = arith.constant 0 : index
    %get3A_125 = arith.constant 0 : index
    %get3A_126 = arith.constant 0 : index
    %get3A_127 = vector.load %arg4[%get3A_124, %get3A_125, %get3A_126] : memref<1x2048x4xf32, #tpu.memory_space<vmem>>, vector<1x2048x4xf32>
    %get3A_128 = vector.shape_cast %get3A_127 : vector<1x2048x4xf32> to vector<2048x4xf32>
    %slice3A_129 = vector.extract_strided_slice %get3A_128 {offsets = [0, 0], sizes = [2048, 1], strides = [1, 1]} : vector<2048x4xf32> to vector<2048x1xf32>
    %max3A_130 = arith.constant 1.000000e+00 : f32
    %max3A_131 = vector.broadcast %max3A_130 : f32 to vector<2048x1xf32>
    %max3A_132 = arith.maximumf %slice3A_129, %max3A_131 : vector<2048x1xf32>
    %div3A_133 = arith.constant 1.000000e+00 : f32
    %div3A_134 = vector.broadcast %div3A_133 : f32 to vector<2048x1xf32>
    %div3A_135 = arith.divf %div3A_134, %max3A_132 : vector<2048x1xf32>
    %iota3A = tpu.iota {dimensions = array<i32: 0>} : vector<2048x1xi32>
    %mul3A_136 = arith.constant 2048 : i32
    %mul3A_137 = arith.muli %arg1, %mul3A_136 : i32
    %add3A_138 = vector.broadcast %mul3A_137 : i32 to vector<2048x1xi32>
    %add3A_139 = arith.addi %iota3A, %add3A_138 : vector<2048x1xi32>
    %lt3A = arith.constant 100000 : i32
    %lt3A_140 = vector.broadcast %lt3A : i32 to vector<2048x1xi32>
    %lt3A_141 = arith.cmpi slt, %add3A_139, %lt3A_140 : vector<2048x1xi32>
    %mul3A_142 = vector.broadcast %div3A_135 : vector<2048x1xf32> to vector<2048x64xf32>
    %mul3A_143 = arith.mulf %max3A_118, %mul3A_142 : vector<2048x64xf32>
    %jit3A_144 = arith.constant 0.000000e+00 : f32
    %broadcast_in_dim3A = vector.shape_cast %lt3A_141 : vector<2048x1xi1> to vector<2048x1xi1>
    %broadcast_in_dim3A_145 = vector.broadcast %broadcast_in_dim3A : vector<2048x1xi1> to vector<2048x64xi1>
    %broadcast_in_dim3A_146 = vector.broadcast %jit3A_144 : f32 to vector<2048x64xf32>
    %select_n3A = arith.select %broadcast_in_dim3A_145, %mul3A_143, %broadcast_in_dim3A_146 : vector<2048x64xi1>, vector<2048x64xf32>
    %transpose3A = tpu.transpose %select_n3A, [1, 0] : vector<2048x64xf32> -> vector<64x2048xf32>
    %swap3A_147 = arith.constant 0 : index
    %swap3A_148 = arith.constant 0 : index
    %swap3A_149 = arith.constant 0 : index
    %swap3A_150 = vector.load %arg13[%swap3A_147, %swap3A_148, %swap3A_149] : memref<1x64x2048xf32, #tpu.memory_space<vmem>>, vector<1x64x2048xf32>
    %swap3A_151 = vector.shape_cast %swap3A_150 : vector<1x64x2048xf32> to vector<64x2048xf32>
    %swap3A_152 = vector.shape_cast %transpose3A : vector<64x2048xf32> to vector<1x64x2048xf32>
    tpu.vector_store %arg13[%swap3A_147, %swap3A_148, %swap3A_149], %swap3A_152 {strides = array<i32>} : memref<1x64x2048xf32, #tpu.memory_space<vmem>>, vector<1x64x2048xf32>,
    return
  }
  func.func @transform_0(%arg0: i32, %arg1: i32) -> (i32, i32, i32) {
    %c0_i32 = arith.constant 0 : i32
    %c0_i32_0 = arith.constant 0 : i32
    return %arg0, %arg1, %c0_i32 : i32, i32, i32
  }
  func.func @transform_1(%arg0: i32, %arg1: i32) -> (i32, i32, i32) {
    %c0_i32 = arith.constant 0 : i32
    %c0_i32_0 = arith.constant 0 : i32
    return %arg0, %arg1, %c0_i32 : i32, i32, i32
  }
  func.func @transform_2(%arg0: i32, %arg1: i32) -> (i32, i32, i32) {
    %c0_i32 = arith.constant 0 : i32
    %c0_i32_0 = arith.constant 0 : i32
    return %arg0, %arg1, %c0_i32 : i32, i32, i32
  }
  func.func @transform_3(%arg0: i32, %arg1: i32) -> (i32, i32) {
    %c0_i32 = arith.constant 0 : i32
    %c0_i32_0 = arith.constant 0 : i32
    %c0_i32_1 = arith.constant 0 : i32
    return %c0_i32, %c0_i32_0 : i32, i32
  }
  func.func @transform_4(%arg0: i32, %arg1: i32) -> (i32, i32) {
    %c0_i32 = arith.constant 0 : i32
    %c0_i32_0 = arith.constant 0 : i32
    %c0_i32_1 = arith.constant 0 : i32
    return %c0_i32, %c0_i32_0 : i32, i32
  }
  func.func @transform_5(%arg0: i32, %arg1: i32) -> (i32, i32) {
    %c0_i32 = arith.constant 0 : i32
    %c0_i32_0 = arith.constant 0 : i32
    %c0_i32_1 = arith.constant 0 : i32
    return %c0_i32, %c0_i32_0 : i32, i32
  }
  func.func @transform_6(%arg0: i32, %arg1: i32) -> (i32, i32) {
    %c0_i32 = arith.constant 0 : i32
    %c0_i32_0 = arith.constant 0 : i32
    %c0_i32_1 = arith.constant 0 : i32
    return %c0_i32, %c0_i32_0 : i32, i32
  }
  func.func @transform_7(%arg0: i32, %arg1: i32) -> (i32, i32, i32) {
    %c0_i32 = arith.constant 0 : i32
    %c0_i32_0 = arith.constant 0 : i32
    %c0_i32_1 = arith.constant 0 : i32
    return %arg0, %c0_i32, %c0_i32_0 : i32, i32, i32
  }
  func.func @transform_8(%arg0: i32, %arg1: i32) -> (i32, i32) {
    %c0_i32 = arith.constant 0 : i32
    %c0_i32_0 = arith.constant 0 : i32
    %c0_i32_1 = arith.constant 0 : i32
    return %c0_i32, %c0_i32_0 : i32, i32
  }
  func.func @transform_9(%arg0: i32, %arg1: i32) -> (i32, i32) {
    %c0_i32 = arith.constant 0 : i32
    %c0_i32_0 = arith.constant 0 : i32
    %c0_i32_1 = arith.constant 0 : i32
    return %c0_i32, %c0_i32_0 : i32, i32
  }
  func.func @transform_10(%arg0: i32, %arg1: i32) -> (i32, i32, i32) {
    %c0_i32 = arith.constant 0 : i32
    %c0_i32_0 = arith.constant 0 : i32
    return %arg0, %arg1, %c0_i32 : i32, i32, i32
  }
  func.func @transform_11(%arg0: i32, %arg1: i32) -> (i32, i32, i32) {
    %c0_i32 = arith.constant 0 : i32
    %c0_i32_0 = arith.constant 0 : i32
    return %arg0, %c0_i32, %arg1 : i32, i32, i32
  }
}

</mosaic_0001>

<sc_bundles>
// kernel: gather_offload_async_start
scs
__scs_entry_jumppad:
0x0: {  	(pc) =	sbr.rel $0x88, $3  }
0x1: {  	(tag) =	ssettag $0x0;
	lr =	simm.s32 $0x1  }
0x2: {  	[smem:$0x3F9B] =	sst lr;
	_ =	strace $0xD0000000  }
0x3: {  	_ = 	snop  }
0x4: {  	_ = 	snop  }
0x5: {  	_ = 	snop  }
0x6: {  	_ = 	snop  }
0x7: {  	_ = 	snop  }
__scs_overlays_trampoline_lowered:
0x8: {  	[smem:$0x3FAA] =	sst s0  }
0x9: {  	[smem:$0x3FAB] =	sst s1  }
0xa: {  	[smem:$0x3FAC] =	sst s2  }
0xb: {  	[smem:$0x3FAD] =	sst s3  }
0xc: {  	[smem:$0x3FAE] =	sst s4  }
0xd: {  	[smem:$0x3FAF] =	sst s5  }
0xe: {  	[smem:$0x3FB0] =	sst s6  }
0xf: {  	[smem:$0x3FB1] =	sst s7  }
0x10: {  	[smem:$0x3FB2] =	sst s8  }
0x11: {  	[smem:$0x3FB3] =	sst s9;
	s0 =	simm.s32 @!p0 $0x0  }
0x12: {  	s1 =	sld [smem:$0x3F99];
	s0 =	simm.s32 @p0 $0x1  }
0x13: {  	[smem:$0x3FB4] =	sst s0;
	s0 =	simm.s32 @!p1 $0x0  }
0x14: {  	s2 =	sld [smem:$0x3F98];
	s0 =	simm.s32 @p1 $0x1  }
0x15: {  	[smem:$0x3FB5] =	sst s0;
	s0 =	simm.s32 @!p2 $0x0  }
0x16: {  	s3 =	sld [smem:$0x3FDB];
	s0 =	simm.s32 @p2 $0x1  }
0x17: {  	s4 =	simm.s32 $0x1BF5;
	[smem:$0x3FB7] =	sst s0  }
0x18: {  	s0 =	sld [smem:$0x3F9A];
	_ =	swait.ge [sflag:s4], $0x0  }
0x19: {  	s7 =	sld [smem:$0x3F9B]  }
0x1a: {  	s8 =	sadd.s32 $0xFFFFE003, lr  }
0x1b: {  	s9 =	sadd.s32 $0xFFFFFEF7, lr;
	s5 =	simm.s32 $0xFFFFFFFF;
	p2 =	slt.u32 s8, $0xFFFFF086  }
0x1c: {  	p1 =	slt.u32 s9, $0xF7A;
	s5 =	simm.s32 @!p2 $0x0  }
0x1d: {  	s5 =	simm.s32 @p1 $0x1;
	p0 =	seq.s32 s7, s2  }
0x1e: {  	s7 =	smul.u32 @!p0 $0xF7A, s2;
	p2 =	seq.s32 @!p0 s5, $0x0  }
0x1f: {  	s9 =	smul.u32 $0xF7A, s1;
	s8 =	simm.s32 @!p0 $0x1BF5;
	p2 =	por !p2, p0  }
0x20: {  	[sflag:s8] =	ssyncset.s32 @!p0 $0xFFFFF086;
	s6 =	sadd.s32 @!p0 s3, s7;
	s7 =	simm.s32 @!p0 $0x108  }
0x21: {  	s3 =	sadd.s32 s3, s9;
	s6 =	sadd.s32 @!p0 $0x88, s6;
	s7 =	simm.s32 @p2 $0x1082  }
0x22: {  	[simem:s7], [sflag:s8] =	dma.local @!p0 [hbm:s6], $0xF7A  }
0x23: {  	s9 =	sor.u32 $0xD0000000, s2;
	s6 =	simm.s32 $0x108;
	_ =	swait.ge @!p0 [sflag:s8], $0x0  }
0x24: {  	s3 =	sadd.s32 $0x88, s3;
	s6 =	simm.s32 @!p1 $0x1082;
	[sflag:s4] =	ssyncset.s32 $0xFFFFF086  }
0x25: {  	[simem:s6], [sflag:s4] =	dma.local [hbm:s3], $0xF7A  }
0x26: {  	[smem:$0x3F9B] =	sst s1;
	(tag) =	ssettag s2;
	_ =	strace s9  }
0x27: {  	s1 =	sld [smem:$0x3FAB]  }
0x28: {  	s2 =	sld [smem:$0x3FAC]  }
0x29: {  	s4 =	sld [smem:$0x3FAE]  }
0x2a: {  	p0 =	seq.s32 s5, $0x0;
	s5 =	sld [smem:$0x3FAF]  }
0x2b: {  	s6 =	sld [smem:$0x3FB0]  }
0x2c: {  	s7 =	sld [smem:$0x3FB1]  }
0x2d: {  	s3 =	simm.s32 $0x108;
	s8 =	sld [smem:$0x3FB2]  }
0x2e: {  	s3 =	simm.s32 @!p0 $0x1082;
	s9 =	sld [smem:$0x3FB3]  }
0x2f: {  	lr =	sadd.s32 s0, s3;
	s0 =	sld [smem:$0x3FAA]  }
0x30: {  	s3 =	sld [smem:$0x3FAD]  }
0x31: {  	[smem:$0x3FB6] =	sst s10  }
0x32: {  	s10 =	sld [smem:$0x3FB4];
	_ =	sdelay $0x3  }
0x33: {  	p0 =	seq.s32 s10, $0x1;
	s10 =	sld [smem:$0x3FB6];
	_ =	sdelay $0x3  }
0x34: {  	[smem:$0x3FB6] =	sst s10  }
0x35: {  	s10 =	sld [smem:$0x3FB5];
	_ =	sdelay $0x3  }
0x36: {  	p1 =	seq.s32 s10, $0x1;
	s10 =	sld [smem:$0x3FB6];
	_ =	sdelay $0x3  }
0x37: {  	[smem:$0x3FB6] =	sst s10  }
0x38: {  	s10 =	sld [smem:$0x3FB7]  }
0x39: {  	_ = 	snop;
	(pc) =	sbr.ind lr, $3  }
0x3a: {  	_ = 	snop  }
0x3b: {  	_ = 	snop  }
0x3c: {  	p2 =	seq.s32 s10, $0x1;
	s10 =	sld [smem:$0x3FB6]  }
0x3d: {  	_ =	shalt  }
0x3e: {  	_ =	shalt  }
0x3f: {  	_ =	shalt  }
0x40: {  	_ =	shalt  }
0x41: {  	_ =	shalt  }
0x42: {  	_ =	shalt  }
0x43: {  	_ =	shalt  }
0x44: {  	_ =	shalt  }
0x45: {  	_ =	shalt  }
0x46: {  	_ =	shalt  }
0x47: {  	_ =	shalt  }
0x48: {  	_ =	shalt  }
0x49: {  	_ =	shalt  }
0x4a: {  	_ =	shalt  }
0x4b: {  	_ =	shalt  }
0x4c: {  	_ =	shalt  }
0x4d: {  	_ =	shalt  }
0x4e: {  	_ =	shalt  }
0x4f: {  	_ =	shalt  }
0x50: {  	_ =	shalt  }
0x51: {  	_ =	shalt  }
0x52: {  	_ =	shalt  }
0x53: {  	_ =	shalt  }
0x54: {  	_ =	shalt  }
0x55: {  	_ =	shalt  }
0x56: {  	_ =	shalt  }
0x57: {  	_ =	shalt  }
0x58: {  	_ =	shalt  }
0x59: {  	_ =	shalt  }
0x5a: {  	_ =	shalt  }
0x5b: {  	_ =	shalt  }
0x5c: {  	_ =	shalt  }
0x5d: {  	_ =	shalt  }
0x5e: {  	_ =	shalt  }
0x5f: {  	_ =	shalt  }
0x60: {  	_ =	shalt  }
0x61: {  	_ =	shalt  }
0x62: {  	_ =	shalt  }
0x63: {  	_ =	shalt  }
0x64: {  	_ =	shalt  }
0x65: {  	_ =	shalt  }
0x66: {  	_ =	shalt  }
0x67: {  	_ =	shalt  }
0x68: {  	_ =	shalt  }
0x69: {  	_ =	shalt  }
0x6a: {  	_ =	shalt  }
0x6b: {  	_ =	shalt  }
0x6c: {  	_ =	shalt  }
0x6d: {  	_ =	shalt  }
0x6e: {  	_ =	shalt  }
0x6f: {  	_ =	shalt  }
0x70: {  	_ =	shalt  }
0x71: {  	_ =	shalt  }
0x72: {  	_ =	shalt  }
0x73: {  	_ =	shalt  }
0x74: {  	_ =	shalt  }
0x75: {  	_ =	shalt  }
0x76: {  	_ =	shalt  }
0x77: {  	_ =	shalt  }
0x78: {  	_ =	shalt  }
0x79: {  	_ =	shalt  }
0x7a: {  	_ =	shalt  }
0x7b: {  	_ =	shalt  }
0x7c: {  	_ =	shalt  }
0x7d: {  	_ =	shalt  }
0x7e: {  	_ =	shalt  }
0x7f: {  	_ =	shalt  }
0x80: {  	_ =	shalt  }
0x81: {  	_ =	shalt  }
0x82: {  	_ =	shalt  }
0x83: {  	_ =	shalt  }
0x84: {  	_ =	shalt  }
0x85: {  	_ =	shalt  }
0x86: {  	_ =	shalt  }
0x87: {  	_ =	shalt  }
.Lfunc_end0:
.L_simem_size_0:
called_computation.6_lowered:
.L_overlay_start_0:
0x88: {  	s2 =	sld [smem:$0x3FD9]  }
0x89: {  	s3 =	sld [smem:$0x3FFE];
	_ =	sdelay $0x1  }
0x8a: {  	s1 =	srdreg.scid  }
0x8b: {  	s0 =	sand.u32 $0x1, s1  }
0x8c: {  	s14 =	sshll.u32 s0, $0xA;
	s2 =	sadd.s32 s3, s2  }
0x8d: {  	s2 =	sadd.s32 s2, s14  }
0x8e: {  	[smem:$0x3FC2] =	sst s2  }
0x8f: {  	_ = 	snop  }
0x90: {  	s2 =	sld [smem:$0x3FD0];
	_ =	sdelay $0x2  }
0x91: {  	s15 =	simm.s32 $0xB;
	s4 =	simm.s32 $0x10  }
0x92: {  	[smem:s4], [sflag:s15] =	dma.local [hbm:s2], $0x1  }
0x93: {  	_ =	swait.eq [sflag:s15], $0x1  }
0x94: {  	[sflag:s15] =	ssyncset.done $0x0  }
0x95: {  	[sflag:s15] =	ssyncadd.s32 $0xFFFFFFFF  }
0x96: {  	s16 =	sld [smem:$0x11];
	(tm) =	ssettm $0x1  }
0x97: {  	s17 =	sld [smem:$0x3FFB];
	_ =	sdelay $0x3  }
0x98: {  	_ =	strace s17  }
0x99: {  	s3 =	sld [smem:$0x3FFC];
	_ =	sdelay $0x3  }
0x9a: {  	_ =	strace s3  }
0x9b: {  	s3 =	sld [smem:$0x3FFD];
	_ =	sdelay $0x3  }
0x9c: {  	_ =	strace s3  }
0x9d: {  	_ =	strace $0x8FFFFFFF  }
0x9e: {  	s18 =	sld [smem:$0x3FDB];
	_ =	sdelay $0x1  }
0x9f: {  	s19 =	simm.s32 $_scs_section_size  }
0xa0: {  	s5 =	simm.s32 $_size__tile_overlayer_lowered;
	s6 =	simm.s32 $_tile_overlayer_lowered  }
0xa1: {  	s22 =	simm.s32 $0x1BFF;
	s21 =	sshll.u32 s6, $0x1;
	s3 =	sadd.s32 s19, s18  }
0xa2: {  	s7 =	simm.s32 $0x0;
	s20 =	sshll.u32 s5, $0x1;
	s5 =	sadd.s32 s21, s3  }
0xa3: {  	[timem:s7], [sflag:s22] =	dma.local [hbm:s5], s20  }
0xa4: {  	_ =	swait.ge [sflag:s22], s20  }
0xa5: {  	s4 =	ssub.s32 $0x0, s20;
	[sflag:s22] =	ssyncset.done $0x0  }
0xa6: {  	[sflag:s22] =	ssyncadd.s32 s4;
	_ =	sdelay $0x1  }
0xa7: {  	s23 =	simm.s32 $0x1B8B  }
0xa8: {  	_ =	swait.ge [sflag:s23], $0x1  }
0xa9: {  	[sflag:s23] =	ssyncset.done $0x0  }
0xaa: {  	s25 =	simm.s32 $0x1B8E;
	s24 =	sld [smem:$0x3FFE];
	[sflag:s23] =	ssyncadd.s32 $0xFFFFFFFF  }
0xab: {  	s26 =	simm.s32 $execute0_lowered;
	[smem:$0x3FD2] =	sst s25  }
0xac: {  	s5 =	sshll.u32 s26, $0x1;
	_ =	strace $0x80000049;
	[dreg:$0x1] =	wrdreg $0xFFFFFFFF  }
0xad: {  	s28 =	simm.s32 $_size_execute0_lowered;
	s3 =	sadd.s32 s3, s5;
	[dreg:$0x0] =	wrdreg $0x0  }
0xae: {  	s5 =	sshll.u32 s28, $0x1;
	[dreg:$0x2] =	wrdreg s3  }
0xaf: {  	[dreg:$0x3] =	wrdreg s5  }
0xb0: {  	[dreg:$0x4] =	wrdreg $0xC0  }
0xb1: {  	_ =	task [dreg:s7], $0x5FFFF  }
0xb2: {  	[dreg:$0x1] =	wrdreg $0xFFFFFFFF  }
0xb3: {  	[dreg:$0x0] =	wrdreg $0x60  }
0xb4: {  	[dreg:$0x2] =	wrdreg s16  }
0xb5: {  	[dreg:$0x3] =	wrdreg s24  }
0xb6: {  	[dreg:$0x4] =	wrdreg $0x9  }
0xb7: {  	_ =	task.clear_ibuf [dreg:s7], $0x5FFFF;
	_ =	strace $0x90000049  }
0xb8: {  	s29 =	simm.s32 $0x9;
	_ =	strace $0x8000004B  }
0xb9: {  	_ =	swait.ge [sflag:s29], $0x1  }
0xba: {  	[sflag:s29] =	ssyncadd.s32 $0xFFFFFFFF  }
0xbb: {  	_ =	strace $0x9000004B  }
0xbc: {  	_ =	sfence  }
0xbd: {  	s30 =	sld [smem:$0x0];
	_ =	sdelay $0x2  }
0xbe: {  	s31 =	sshll.u32 s1, $0xD;
	s1 =	sshrl.u32 s1, $0x2  }
0xbf: {  	s3 =	sand.u32 $0x4000, s31;
	s1 =	sadd.s32 s1, s30  }
0xc0: {  	s0 =	sor.u32 s3, s0;
	s1 =	sshll.u32 s1, $0x11  }
0xc1: {  	s0 =	sor.u32 s1, s0  }
0xc2: {  	s0 =	sadd.s32 $0x8F2B, s0  }
0xc3: {  	[sflag:s0] =	ssyncadd.remote.s32 $0x1  }
0xc4: {  	_ =	sfence.sel $0xFFFF  }
0xc5: {  	[dreg:$0x0] =	wrdreg $0xFFFFFFFF;
	(pc) =	sbr.abs _section_cstart, $3  }
0xc6: {  	[dreg:$0x1] =	wrdreg $0xFFFFFFFF  }
0xc7: {  	_ =	task.clear_ibuf [dreg:s7], $0x2FFFF;
	_ =	strace $0x9FFFFFFF  }
0xc8: {  	(tm) =	ssettm $0x7FFFFFFF  }
0xc9: {  	_ =	shalt  }
tec
execute0_lowered:
.L_overlay_start_1:
0x0: {  	(tag) =	ssettag $0x1  }
0x1: {  	s2 =	rddreg [dreg:$0x0];
	s0 =	srdreg.scid  }
0x2: {  	s5 =	rddreg [dreg:$0x1];
	s1 =	stileid.u32;
	s6 =	simm.s32 $0x1  }
0x3: {  	s9 =	simm.s32 $0x1;
	s10 =	simm.s32 $0x3;
	s3 =	sshll.u32 s0, $0x7  }
0x4: {  	s13 =	simm.s32 $0x0;
	s4 =	sshll.u32 s1, $0x8;
	s3 =	sand.u32 $0x80, s3  }
0x5: {  	s0 =	rddreg [dreg:$0x2];
	_ =	strace $0x8000004A;
	s3 =	sor.u32 s4, s3  }
0x6: {  	s12 =	simm.s32 $0x0;
	[sflag:s6] =	ssyncpa.u1 $0x0;
	s8 =	ssub.s32 $0x30D80, s3  }
.Ltmp0:
0x7: {  	s4 =	sadd.s32 $0xB1AA00, s5;
	s7 =	sand.u32 $0xF80, s8;
	(pc) =	sbr.rel .LBB2_1-.Ltmp0, $4  }
0x8: {  	s5 =	sadd.s32 $0xD600, s5;
	s11 =	smov.u32 s3;
	p0 =	sne.s32 s7, $0x0  }
0x9: {  	s8 =	sshrl.u32 s8, $0xC;
	s7 =	simm.s32 $0x2;
	s9 =	simm.s32 @!p0 $0x0  }
0xa: {  	[sflag:s7] =	ssyncpa.u1 $0x0;
	p0 =	por $0x0, $0x0;
	s8 =	sadd.s32 s9, s8  }
0xb: {  	vm0 =	vmmov $0xffff;
	v0 =	vlaneseq.u32;
	[sflag:s10] =	ssyncpa.u1 $0x0;
	s10 =	simm.s32 $0x0;
	s9 =	sadd.s32 $0x1, s8  }
.LBB2_4:
0xc: {  	_ =	sdelay $0x3  }
0xd: {  	[tilespmem:s21], [sflag:$0x1] =	stream.indirect_vreg.gather [hbm4b:s2+s10], $0x1, v1, vm0, $0x4038;
	[tilespmem:$0x500] =	vst v63  }
0xe: {  	s15 =	sadd.s32 s17, s15  }
0xf: {  	v1 =	vld.msk [tilespmem:s15+$0x0 ss:$0x1], $0xffff;
	_ =	sdelay $0x4  }
0x10: {  	v2 =	vshrl.u32 v1, $0x1  }
0x11: {  	vm1 =	veq.s32 v1, $0x80000000;
	v2 =	vand.u32 $0x3FFFF, v2  }
0x12: {  	p1 =	sgt.s32 s18, $0x0;
	v1 =	vshll.u32 v1, $0x14;
	v2 =	vsel vm1, $0xFFFFFFFF, v2  }
0x13: {  	s18 =	simm.s32 @!p1 $0x0;
	v1 =	vand.u32 $0x100000, v1;
	v3 =	vshll.u32 v2, $0x2  }
0x14: {  	s26 =	smin.u32 s18, $0x10;
	v1 =	vsel vm1, $0xFFF00000, v1;
	v3 =	vand.u32 $0xFFFFFE00, v3  }
0x15: {  	v2 =	vand.u32 $0x7F, v2;
	v1 =	vadd.s32 v1, v3;
	v3 =	vmov s26  }
0x16: {  	v1 =	vor.u32 v2, v1;
	vm1 =	vgt.u32 v3, v0  }
0x17: {  	v2 =	vnsel vm1, $0x7FFFFFFF, v1;
	_ =	sdelay $0x1  }
0x18: {  	v3 =	vor.u32 $0x80, v1  }
0x19: {  	(ifvalue) =	ssetifvalue $0x7FFFFFFF;
	v3 =	vnsel vm1, $0x7FFFFFFF, v3  }
0x1a: {  	s28 =	sadd.s32 s17, s16;
	(ifvalue) =	ssetifvalue $0x7FFFFFFF  }
0x1b: {  	v4 =	vor.u32 $0x100, v1;
	[tilespmem:s28], [sflag:$0x1] =	stream.indirect_vreg.gather [hbm4b:s2+s10], $0x1, v2, vm0, $0x4038;
	[tilespmem:$0x500] =	vst v63  }
0x1c: {  	(ifvalue) =	ssetifvalue $0x7FFFFFFF;
	v2 =	vnsel vm1, $0x7FFFFFFF, v4  }
0x1d: {  	s16 =	sadd.s32 $0x80, s28;
	(ifvalue) =	ssetifvalue $0x7FFFFFFF  }
0x1e: {  	v1 =	vor.u32 $0x180, v1;
	[tilespmem:s16], [sflag:$0x1] =	stream.indirect_vreg.gather [hbm4b:s2+s10], $0x1, v3, vm0, $0x4038;
	[tilespmem:$0x500] =	vst v63  }
0x1f: {  	v1 =	vnsel vm1, $0x7FFFFFFF, v1;
	(ifvalue) =	ssetifvalue $0x7FFFFFFF  }
0x20: {  	s29 =	sadd.s32 $0x100, s28;
	(ifvalue) =	ssetifvalue $0x7FFFFFFF  }
0x21: {  	[tilespmem:s29], [sflag:$0x1] =	stream.indirect_vreg.gather [hbm4b:s2+s10], $0x1, v2, vm0, $0x4038;
	[tilespmem:$0x500] =	vst v63  }
0x22: {  	(ifvalue) =	ssetifvalue $0x7FFFFFFF  }
0x23: {  	s30 =	sshll.u32 s13, $0x2;
	s15 =	sadd.s32 $0x180, s28;
	(ifvalue) =	ssetifvalue $0x7FFFFFFF  }
0x24: {  	[tilespmem:s15], [sflag:$0x1] =	stream.indirect_vreg.gather [hbm4b:s2+s10], $0x1, v1, vm0, $0x4038;
	[tilespmem:$0x500] =	vst v63  }
0x25: {  	s31 =	sand.u32 $0x78, s13;
	s15 =	sand.u32 $0xFFFFFE00, s30  }
0x26: {  	_ =	swait.ge [sflag:s6], $0x200;
	s13 =	sor.u32 s31, s15  }
0x27: {  	[sflag:s6] =	ssyncset.done $0x0;
	s13 =	sshrl.u32 s13, $0x3  }
0x28: {  	[sflag:s6] =	ssyncadd.s32 $0xFFFFFE00;
	s13 =	sadd.s32 s5, s13  }
0x29: {  	[hbm:s13] =	stream.linear.scatter [tilespmem:s14], [sflag:$0x3], $0x200, $0x38;
	[tilespmem:$0x500] =	vst v63  }
.LBB2_5:
0x2a: {  	s15 =	sadd.s32 $0x1000, s11  }
0x2b: {  	p2 =	sgt.s32 s15, $0x30D7F  }
0x2c: {  	s15 =	smov.u32 @p2 s3;
	p2 =	sne.s32 s12, s9  }
.Ltmp1:
0x2d: {  	p1 =	slt.u32 s12, $0x2;
	(pc) =	sbr.rel @!p2 .LBB2_6-.Ltmp1, $4  }
0x2e: {  	s14 =	simm.s32 @!p1 $0x3  }
0x2f: {  	s16 =	sadd.s32 $0x1, s12;
	_ =	swait.ge @!p1 [sflag:s14], $0x200  }
0x30: {  	s13 =	smov.u32 s11;
	p0 =	por !p0, !p0;
	[sflag:s14] =	ssyncset.done @!p1 $0x0  }
0x31: {  	s12 =	smov.u32 s16;
	s11 =	smov.u32 s15;
	[sflag:s14] =	ssyncadd.s32 @!p1 $0xFFFFFE00  }
.LBB2_1:
0x32: {  	p1 =	sge.u32 s12, s8  }
0x33: {  	s14 =	sxor.u32 @!p1 $0xFFFFFFFF, s12  }
0x34: {  	s31 =	sadd.s32 $0xFFFFFFFF, s12;
	s15 =	sshrl.u32 @!p1 s11, $0x3;
	s14 =	sshll.u32 @!p1 s14, $0x7  }
0x35: {  	s16 =	sand.u32 @!p1 $0x7, s11;
	s15 =	sadd.s32 @!p1 s4, s15;
	s14 =	sand.u32 @!p1 $0x80, s14  }
0x36: {  	[tilespmem:s14], [sflag:$0x2] =	stream.linear.gather @!p1 [hbm4b:s15+s16], $0x80, $0x38;
	[tilespmem:$0x500] =	vst v63  }
0x37: {  	p1 =	sge.u32 s31, s8  }
.Ltmp2:
0x38: {  	_ = 	snop;
	(pc) =	sbr.rel @p1 .LBB2_5-.Ltmp2, $1  }
0x39: {  	_ =	sdelay $0x3  }
0x3a: {  	s14 =	simm.s32 $0x1  }
0x3b: {  	_ =	swait.ge [sflag:s7], $0x80;
	s14 =	simm.s32 @!p0 $0x0  }
0x3c: {  	[sflag:s7] =	ssyncset.done $0x0;
	s15 =	sshll.u32 s14, $0x7  }
0x3d: {  	[sflag:s7] =	ssyncadd.s32 $0xFFFFFF80;
	s16 =	sadd.s32 $0x0, s15  }
0x3e: {  	v1 =	vld.msk [tilespmem:s16+$0x0 ss:$0x1], $0xffff;
	_ =	sdelay $0x3  }
0x3f: {  	s18 =	ssub.s32 $0x30D40, s13  }
0x40: {  	p1 =	slt.s32 s18, $0x80;
	v2 =	vshrl.u32 v1, $0x1  }
0x41: {  	s18 =	simm.s32 @!p1 $0x80;
	vm1 =	veq.s32 v1, $0x80000000;
	v2 =	vand.u32 $0x3FFFF, v2  }
0x42: {  	p1 =	sgt.s32 s18, $0x0;
	s16 =	smov.u32 s18;
	v1 =	vshll.u32 v1, $0x14;
	v2 =	vsel vm1, $0xFFFFFFFF, v2  }
0x43: {  	s16 =	simm.s32 @!p1 $0x0;
	v1 =	vand.u32 $0x100000, v1;
	v3 =	vshll.u32 v2, $0x2  }
0x44: {  	s16 =	smin.u32 s16, $0x10;
	v1 =	vsel vm1, $0xFFF00000, v1;
	v3 =	vand.u32 $0xFFFFFE00, v3  }
0x45: {  	v2 =	vand.u32 $0x7F, v2;
	v1 =	vadd.s32 v1, v3;
	v3 =	vmov s16  }
0x46: {  	v1 =	vor.u32 v2, v1;
	vm1 =	vgt.u32 v3, v0  }
0x47: {  	v2 =	vnsel vm1, $0x7FFFFFFF, v1;
	_ =	sdelay $0x1  }
0x48: {  	s14 =	sshll.u32 s14, $0x9;
	v3 =	vor.u32 $0x80, v1  }
0x49: {  	(ifvalue) =	ssetifvalue $0x7FFFFFFF;
	s16 =	sor.u32 $0x100, s14;
	v3 =	vnsel vm1, $0x7FFFFFFF, v3  }
0x4a: {  	(ifvalue) =	ssetifvalue $0x7FFFFFFF;
	s19 =	sadd.s32 $0x0, s16  }
0x4b: {  	v4 =	vor.u32 $0x100, v1;
	[tilespmem:s19], [sflag:$0x1] =	stream.indirect_vreg.gather [hbm4b:s2+s10], $0x1, v2, vm0, $0x4038;
	[tilespmem:$0x500] =	vst v63  }
0x4c: {  	(ifvalue) =	ssetifvalue $0x7FFFFFFF;
	v2 =	vnsel vm1, $0x7FFFFFFF, v4  }
0x4d: {  	s17 =	sadd.s32 $0x80, s19;
	(ifvalue) =	ssetifvalue $0x7FFFFFFF  }
0x4e: {  	v1 =	vor.u32 $0x180, v1;
	[tilespmem:s17], [sflag:$0x1] =	stream.indirect_vreg.gather [hbm4b:s2+s10], $0x1, v3, vm0, $0x4038;
	[tilespmem:$0x500] =	vst v63  }
0x4f: {  	s30 =	sshll.u32 s12, $0x9;
	s20 =	simm.s32 $0x80;
	v1 =	vnsel vm1, $0x7FFFFFFF, v1;
	(ifvalue) =	ssetifvalue $0x7FFFFFFF  }
0x50: {  	s14 =	sand.u32 $0x200, s30;
	s31 =	sadd.s32 $0x100, s19;
	(ifvalue) =	ssetifvalue $0x7FFFFFFF  }
0x51: {  	[tilespmem:s31], [sflag:$0x1] =	stream.indirect_vreg.gather [hbm4b:s2+s10], $0x1, v2, vm0, $0x4038;
	[tilespmem:$0x500] =	vst v63  }
0x52: {  	s18 =	sadd.s32 $0xFFFFFFF0, s18;
	s14 =	sor.u32 $0x100, s14;
	(ifvalue) =	ssetifvalue $0x7FFFFFFF  }
0x53: {  	s21 =	sadd.s32 $0x180, s19;
	s17 =	simm.s32 $0x10;
	(ifvalue) =	ssetifvalue $0x7FFFFFFF  }
.LBB2_3:
0x54: {  	[tilespmem:s21], [sflag:$0x1] =	stream.indirect_vreg.gather [hbm4b:s2+s10], $0x1, v1, vm0, $0x4038;
	[tilespmem:$0x500] =	vst v63  }
0x55: {  	s19 =	smov.u32 s20  }
0x56: {  	s22 =	sadd.s32 s17, s15;
	s21 =	sshra.s32 s19, $0x2;
	s19 =	sadd.s32 $0x40, s20  }
0x57: {  	p1 =	sne.s32 s20, $0x1C0;
	v1 =	vld.msk [tilespmem:s22+$0x0 ss:$0x1], $0xffff  }
0x58: {  	(ifvalue) =	ssetifvalue $0x7FFFFFFF;
	_ =	sdelay $0x4  }
0x59: {  	v2 =	vshrl.u32 v1, $0x1;
	v3 =	vshll.u32 v1, $0x14  }
0x5a: {  	vm1 =	veq.s32 v1, $0x80000000;
	v1 =	vand.u32 $0x3FFFF, v2;
	v2 =	vand.u32 $0x100000, v3  }
0x5b: {  	p2 =	sgt.s32 s18, $0x0;
	s20 =	smov.u32 s18;
	v1 =	vsel vm1, $0xFFFFFFFF, v1;
	v2 =	vsel vm1, $0xFFF00000, v2  }
0x5c: {  	s20 =	simm.s32 @!p2 $0x0;
	v3 =	vshll.u32 v1, $0x2  }
0x5d: {  	s20 =	smin.u32 s20, $0x10;
	v3 =	vand.u32 $0xFFFFFE00, v3  }
0x5e: {  	v1 =	vand.u32 $0x7F, v1;
	v2 =	vadd.s32 v2, v3;
	v3 =	vmov s20  }
0x5f: {  	v1 =	vor.u32 v1, v2;
	vm1 =	vgt.u32 v3, v0  }
0x60: {  	v2 =	vnsel vm1, $0x7FFFFFFF, v1;
	v3 =	vor.u32 $0x80, v1;
	v4 =	vor.u32 $0x100, v1  }
0x61: {  	v1 =	vor.u32 $0x180, v1;
	_ =	sdelay $0x1  }
0x62: {  	v3 =	vnsel vm1, $0x7FFFFFFF, v3  }
0x63: {  	s20 =	sadd.s32 s17, s16;
	s17 =	smov.u32 s21;
	(ifvalue) =	ssetifvalue $0x7FFFFFFF  }
0x64: {  	[tilespmem:s20], [sflag:$0x1] =	stream.indirect_vreg.gather [hbm4b:s2+s10], $0x1, v2, vm0, $0x4038;
	[tilespmem:$0x500] =	vst v63  }
0x65: {  	v2 =	vnsel vm1, $0x7FFFFFFF, v4;
	(ifvalue) =	ssetifvalue $0x7FFFFFFF  }
0x66: {  	s21 =	sadd.s32 $0x80, s20;
	(ifvalue) =	ssetifvalue $0x7FFFFFFF  }
0x67: {  	[tilespmem:s21], [sflag:$0x1] =	stream.indirect_vreg.gather [hbm4b:s2+s10], $0x1, v3, vm0, $0x4038;
	[tilespmem:$0x500] =	vst v63  }
.Ltmp3:
0x68: {  	v1 =	vnsel vm1, $0x7FFFFFFF, v1;
	(ifvalue) =	ssetifvalue $0x7FFFFFFF;
	(pc) =	sbr.rel @p1 .LBB2_3-.Ltmp3, $4  }
0x69: {  	s21 =	sadd.s32 $0x100, s20;
	(ifvalue) =	ssetifvalue $0x7FFFFFFF  }
0x6a: {  	[tilespmem:s21], [sflag:$0x1] =	stream.indirect_vreg.gather [hbm4b:s2+s10], $0x1, v2, vm0, $0x4038;
	[tilespmem:$0x500] =	vst v63  }
0x6b: {  	s18 =	sadd.s32 $0xFFFFFFF0, s18;
	(ifvalue) =	ssetifvalue $0x7FFFFFFF  }
0x6c: {  	s21 =	sadd.s32 $0x180, s20;
	s20 =	smov.u32 s19;
	(ifvalue) =	ssetifvalue $0x7FFFFFFF  }
.Ltmp4:
0x6d: {  	_ = 	snop;
	(pc) =	sbr.rel .LBB2_4-.Ltmp4, $1  }
0x6e: {  	_ =	sdelay $0x3  }
.LBB2_6:
0x6f: {  	_ =	sfence.sel $0x180000  }
0x70: {  	s2 =	simm.s32 $0x2;
	[bflag:$0x0] =	sbarrier.arrive $0xFFFF  }
0x71: {  	s30 =	simm.s32 $0x3;
	[sflag:s2] =	ssyncpa.u1 $0x1  }
0x72: {  	s31 =	simm.s32 $0x1;
	[sflag:s30] =	ssyncpa.u1 $0x1  }
0x73: {  	[sflag:s31] =	ssyncpa.u1 $0x1  }
0x74: {  	p0 =	sne.s32 s1, $0x0;
	_ =	strace $0x9000004A  }
0x75: {  	s0 =	sadd.s32 @!p0 $0x100000, s0;
	[bflag:$0x2] =	sbarrier.arrive $0xFFFF  }
0x76: {  	[sflag:s0] =	ssyncadd.tile.s32 @!p0 $0x1;
	_ =	shalt  }
.Lfunc_end2:
_tile_overlayer_lowered:
.L_overlay_start_2:
0x77: {  	(tag) =	ssettag $0x2  }
0x78: {  	s0 =	rddreg [dreg:$0x0];
	s2 =	stileid.u32  }
0x79: {  	s1 =	rddreg [dreg:$0x1];
	p0 =	sne.s32 s2, $0x0  }
0x7a: {  	s3 =	rddreg [dreg:$0x2];
	[bflag:$0x3] =	sbarrier.arrive $0xFFFF;
	s2 =	simm.s32 @!p0 $0x1C01  }
0x7b: {  	[timem:s3], [sflag:s2] =	dma.local @!p0 [hbm:s0], s1  }
0x7c: {  	s0 =	simm.s32 @!p0 $0x1  }
0x7d: {  	_ =	swait.ge @!p0 [sflag:s0], s1  }
0x7e: {  	s1 =	ssub.s32 @!p0 $0x0, s1;
	[sflag:s0] =	ssyncset.done @!p0 $0x0  }
0x7f: {  	[sflag:s0] =	ssyncadd.s32 @!p0 s1  }
0x80: {  	[bflag:$0x3] =	sbarrier.arrive $0xFFFF  }
0x81: {  	_ =	shalt  }

// kernel: scatter_offload_async_start.1
scs
__scs_entry_jumppad:
0x0: {  	(pc) =	sbr.rel $0x88, $3  }
0x1: {  	(tag) =	ssettag $0x0;
	lr =	simm.s32 $0x1  }
0x2: {  	[smem:$0x3F9B] =	sst lr;
	_ =	strace $0xD0000000  }
0x3: {  	_ = 	snop  }
0x4: {  	_ = 	snop  }
0x5: {  	_ = 	snop  }
0x6: {  	_ = 	snop  }
0x7: {  	_ = 	snop  }
__scs_overlays_trampoline_lowered:
0x8: {  	[smem:$0x3FAA] =	sst s0  }
0x9: {  	[smem:$0x3FAB] =	sst s1  }
0xa: {  	[smem:$0x3FAC] =	sst s2  }
0xb: {  	[smem:$0x3FAD] =	sst s3  }
0xc: {  	[smem:$0x3FAE] =	sst s4  }
0xd: {  	[smem:$0x3FAF] =	sst s5  }
0xe: {  	[smem:$0x3FB0] =	sst s6  }
0xf: {  	[smem:$0x3FB1] =	sst s7  }
0x10: {  	[smem:$0x3FB2] =	sst s8  }
0x11: {  	[smem:$0x3FB3] =	sst s9;
	s0 =	simm.s32 @!p0 $0x0  }
0x12: {  	s1 =	sld [smem:$0x3F99];
	s0 =	simm.s32 @p0 $0x1  }
0x13: {  	[smem:$0x3FB4] =	sst s0;
	s0 =	simm.s32 @!p1 $0x0  }
0x14: {  	s2 =	sld [smem:$0x3F98];
	s0 =	simm.s32 @p1 $0x1  }
0x15: {  	[smem:$0x3FB5] =	sst s0;
	s0 =	simm.s32 @!p2 $0x0  }
0x16: {  	s3 =	sld [smem:$0x3FDB];
	s0 =	simm.s32 @p2 $0x1  }
0x17: {  	s4 =	simm.s32 $0x1BF5;
	[smem:$0x3FB7] =	sst s0  }
0x18: {  	s0 =	sld [smem:$0x3F9A];
	_ =	swait.ge [sflag:s4], $0x0  }
0x19: {  	s7 =	sld [smem:$0x3F9B]  }
0x1a: {  	s8 =	sadd.s32 $0xFFFFE003, lr  }
0x1b: {  	s9 =	sadd.s32 $0xFFFFFEF7, lr;
	s5 =	simm.s32 $0xFFFFFFFF;
	p2 =	slt.u32 s8, $0xFFFFF086  }
0x1c: {  	p1 =	slt.u32 s9, $0xF7A;
	s5 =	simm.s32 @!p2 $0x0  }
0x1d: {  	s5 =	simm.s32 @p1 $0x1;
	p0 =	seq.s32 s7, s2  }
0x1e: {  	s7 =	smul.u32 @!p0 $0xF7A, s2;
	p2 =	seq.s32 @!p0 s5, $0x0  }
0x1f: {  	s9 =	smul.u32 $0xF7A, s1;
	s8 =	simm.s32 @!p0 $0x1BF5;
	p2 =	por !p2, p0  }
0x20: {  	[sflag:s8] =	ssyncset.s32 @!p0 $0xFFFFF086;
	s6 =	sadd.s32 @!p0 s3, s7;
	s7 =	simm.s32 @!p0 $0x108  }
0x21: {  	s3 =	sadd.s32 s3, s9;
	s6 =	sadd.s32 @!p0 $0x88, s6;
	s7 =	simm.s32 @p2 $0x1082  }
0x22: {  	[simem:s7], [sflag:s8] =	dma.local @!p0 [hbm:s6], $0xF7A  }
0x23: {  	s9 =	sor.u32 $0xD0000000, s2;
	s6 =	simm.s32 $0x108;
	_ =	swait.ge @!p0 [sflag:s8], $0x0  }
0x24: {  	s3 =	sadd.s32 $0x88, s3;
	s6 =	simm.s32 @!p1 $0x1082;
	[sflag:s4] =	ssyncset.s32 $0xFFFFF086  }
0x25: {  	[simem:s6], [sflag:s4] =	dma.local [hbm:s3], $0xF7A  }
0x26: {  	[smem:$0x3F9B] =	sst s1;
	(tag) =	ssettag s2;
	_ =	strace s9  }
0x27: {  	s1 =	sld [smem:$0x3FAB]  }
0x28: {  	s2 =	sld [smem:$0x3FAC]  }
0x29: {  	s4 =	sld [smem:$0x3FAE]  }
0x2a: {  	p0 =	seq.s32 s5, $0x0;
	s5 =	sld [smem:$0x3FAF]  }
0x2b: {  	s6 =	sld [smem:$0x3FB0]  }
0x2c: {  	s7 =	sld [smem:$0x3FB1]  }
0x2d: {  	s3 =	simm.s32 $0x108;
	s8 =	sld [smem:$0x3FB2]  }
0x2e: {  	s3 =	simm.s32 @!p0 $0x1082;
	s9 =	sld [smem:$0x3FB3]  }
0x2f: {  	lr =	sadd.s32 s0, s3;
	s0 =	sld [smem:$0x3FAA]  }
0x30: {  	s3 =	sld [smem:$0x3FAD]  }
0x31: {  	[smem:$0x3FB6] =	sst s10  }
0x32: {  	s10 =	sld [smem:$0x3FB4];
	_ =	sdelay $0x3  }
0x33: {  	p0 =	seq.s32 s10, $0x1;
	s10 =	sld [smem:$0x3FB6];
	_ =	sdelay $0x3  }
0x34: {  	[smem:$0x3FB6] =	sst s10  }
0x35: {  	s10 =	sld [smem:$0x3FB5];
	_ =	sdelay $0x3  }
0x36: {  	p1 =	seq.s32 s10, $0x1;
	s10 =	sld [smem:$0x3FB6];
	_ =	sdelay $0x3  }
0x37: {  	[smem:$0x3FB6] =	sst s10  }
0x38: {  	s10 =	sld [smem:$0x3FB7]  }
0x39: {  	_ = 	snop;
	(pc) =	sbr.ind lr, $3  }
0x3a: {  	_ = 	snop  }
0x3b: {  	_ = 	snop  }
0x3c: {  	p2 =	seq.s32 s10, $0x1;
	s10 =	sld [smem:$0x3FB6]  }
0x3d: {  	_ =	shalt  }
0x3e: {  	_ =	shalt  }
0x3f: {  	_ =	shalt  }
0x40: {  	_ =	shalt  }
0x41: {  	_ =	shalt  }
0x42: {  	_ =	shalt  }
0x43: {  	_ =	shalt  }
0x44: {  	_ =	shalt  }
0x45: {  	_ =	shalt  }
0x46: {  	_ =	shalt  }
0x47: {  	_ =	shalt  }
0x48: {  	_ =	shalt  }
0x49: {  	_ =	shalt  }
0x4a: {  	_ =	shalt  }
0x4b: {  	_ =	shalt  }
0x4c: {  	_ =	shalt  }
0x4d: {  	_ =	shalt  }
0x4e: {  	_ =	shalt  }
0x4f: {  	_ =	shalt  }
0x50: {  	_ =	shalt  }
0x51: {  	_ =	shalt  }
0x52: {  	_ =	shalt  }
0x53: {  	_ =	shalt  }
0x54: {  	_ =	shalt  }
0x55: {  	_ =	shalt  }
0x56: {  	_ =	shalt  }
0x57: {  	_ =	shalt  }
0x58: {  	_ =	shalt  }
0x59: {  	_ =	shalt  }
0x5a: {  	_ =	shalt  }
0x5b: {  	_ =	shalt  }
0x5c: {  	_ =	shalt  }
0x5d: {  	_ =	shalt  }
0x5e: {  	_ =	shalt  }
0x5f: {  	_ =	shalt  }
0x60: {  	_ =	shalt  }
0x61: {  	_ =	shalt  }
0x62: {  	_ =	shalt  }
0x63: {  	_ =	shalt  }
0x64: {  	_ =	shalt  }
0x65: {  	_ =	shalt  }
0x66: {  	_ =	shalt  }
0x67: {  	_ =	shalt  }
0x68: {  	_ =	shalt  }
0x69: {  	_ =	shalt  }
0x6a: {  	_ =	shalt  }
0x6b: {  	_ =	shalt  }
0x6c: {  	_ =	shalt  }
0x6d: {  	_ =	shalt  }
0x6e: {  	_ =	shalt  }
0x6f: {  	_ =	shalt  }
0x70: {  	_ =	shalt  }
0x71: {  	_ =	shalt  }
0x72: {  	_ =	shalt  }
0x73: {  	_ =	shalt  }
0x74: {  	_ =	shalt  }
0x75: {  	_ =	shalt  }
0x76: {  	_ =	shalt  }
0x77: {  	_ =	shalt  }
0x78: {  	_ =	shalt  }
0x79: {  	_ =	shalt  }
0x7a: {  	_ =	shalt  }
0x7b: {  	_ =	shalt  }
0x7c: {  	_ =	shalt  }
0x7d: {  	_ =	shalt  }
0x7e: {  	_ =	shalt  }
0x7f: {  	_ =	shalt  }
0x80: {  	_ =	shalt  }
0x81: {  	_ =	shalt  }
0x82: {  	_ =	shalt  }
0x83: {  	_ =	shalt  }
0x84: {  	_ =	shalt  }
0x85: {  	_ =	shalt  }
0x86: {  	_ =	shalt  }
0x87: {  	_ =	shalt  }
.Lfunc_end0:
.L_simem_size_0:
called_computation.1_lowered:
.L_overlay_start_0:
0x88: {  	s2 =	sld [smem:$0x3FD9]  }
0x89: {  	s3 =	sld [smem:$0x3FFE];
	_ =	sdelay $0x1  }
0x8a: {  	s1 =	srdreg.scid  }
0x8b: {  	s0 =	sand.u32 $0x1, s1  }
0x8c: {  	s13 =	sshll.u32 s0, $0xA;
	s2 =	sadd.s32 s3, s2  }
0x8d: {  	s2 =	sadd.s32 s2, s13  }
0x8e: {  	[smem:$0x3FC2] =	sst s2  }
0x8f: {  	_ = 	snop  }
0x90: {  	s2 =	sld [smem:$0x3FD0];
	_ =	sdelay $0x2  }
0x91: {  	s14 =	simm.s32 $0xB;
	s4 =	simm.s32 $0x10  }
0x92: {  	[smem:s4], [sflag:s14] =	dma.local [hbm:s2], $0x1  }
0x93: {  	_ =	swait.eq [sflag:s14], $0x1  }
0x94: {  	[sflag:s14] =	ssyncset.done $0x0  }
0x95: {  	[sflag:s14] =	ssyncadd.s32 $0xFFFFFFFF  }
0x96: {  	s15 =	sld [smem:$0x10];
	(tm) =	ssettm $0x1  }
0x97: {  	s16 =	sld [smem:$0x3FFB];
	_ =	sdelay $0x3  }
0x98: {  	_ =	strace s16  }
0x99: {  	s3 =	sld [smem:$0x3FFC];
	_ =	sdelay $0x3  }
0x9a: {  	_ =	strace s3  }
0x9b: {  	s3 =	sld [smem:$0x3FFD];
	_ =	sdelay $0x3  }
0x9c: {  	_ =	strace s3  }
0x9d: {  	_ =	strace $0x8FFFFFFF  }
0x9e: {  	s17 =	sld [smem:$0x3FDB];
	_ =	sdelay $0x1  }
0x9f: {  	s18 =	simm.s32 $_scs_section_size  }
0xa0: {  	s5 =	simm.s32 $_size__tile_overlayer_lowered;
	s6 =	simm.s32 $_tile_overlayer_lowered  }
0xa1: {  	s21 =	simm.s32 $0x1BFF;
	s20 =	sshll.u32 s6, $0x1;
	s3 =	sadd.s32 s18, s17  }
0xa2: {  	s7 =	simm.s32 $0x0;
	s19 =	sshll.u32 s5, $0x1;
	s5 =	sadd.s32 s20, s3  }
0xa3: {  	[timem:s7], [sflag:s21] =	dma.local [hbm:s5], s19  }
0xa4: {  	_ =	swait.ge [sflag:s21], s19  }
0xa5: {  	s4 =	ssub.s32 $0x0, s19;
	[sflag:s21] =	ssyncset.done $0x0  }
0xa6: {  	[sflag:s21] =	ssyncadd.s32 s4;
	_ =	sdelay $0x1  }
0xa7: {  	s22 =	simm.s32 $0x1B8B  }
0xa8: {  	_ =	swait.ge [sflag:s22], $0x1  }
0xa9: {  	[sflag:s22] =	ssyncset.done $0x0  }
0xaa: {  	s23 =	sld [smem:$0x3FFE];
	[sflag:s22] =	ssyncadd.s32 $0xFFFFFFFF  }
0xab: {  	s25 =	simm.s32 $0x1B8E;
	s24 =	sld [smem:$0x0]  }
0xac: {  	s26 =	simm.s32 $execute0_lowered;
	[smem:$0x3FD2] =	sst s25  }
0xad: {  	s6 =	sshll.u32 s26, $0x1;
	_ =	strace $0x8000004F;
	[dreg:$0x1] =	wrdreg $0xFFFFFFFF  }
0xae: {  	s28 =	simm.s32 $_size_execute0_lowered;
	s3 =	sadd.s32 s3, s6;
	[dreg:$0x0] =	wrdreg $0x0  }
0xaf: {  	s6 =	sshll.u32 s28, $0x1;
	[dreg:$0x2] =	wrdreg s3  }
0xb0: {  	[dreg:$0x3] =	wrdreg s6  }
0xb1: {  	[dreg:$0x4] =	wrdreg $0xC0  }
0xb2: {  	_ =	task [dreg:s7], $0x5FFFF  }
0xb3: {  	[dreg:$0x1] =	wrdreg $0xFFFFFFFF  }
0xb4: {  	[dreg:$0x0] =	wrdreg $0x60  }
0xb5: {  	[dreg:$0x2] =	wrdreg s23  }
0xb6: {  	[dreg:$0x3] =	wrdreg s15  }
0xb7: {  	[dreg:$0x4] =	wrdreg s1  }
0xb8: {  	[dreg:$0x5] =	wrdreg s24  }
0xb9: {  	[dreg:$0x6] =	wrdreg $0x9  }
0xba: {  	_ =	task.clear_ibuf [dreg:s7], $0x7FFFF;
	_ =	strace $0x9000004F  }
0xbb: {  	s29 =	simm.s32 $0x9;
	_ =	strace $0x80000051  }
0xbc: {  	_ =	swait.ge [sflag:s29], $0x1  }
0xbd: {  	[sflag:s29] =	ssyncadd.s32 $0xFFFFFFFF  }
0xbe: {  	_ =	strace $0x90000051  }
0xbf: {  	_ =	sfence  }
0xc0: {  	s30 =	sld [smem:$0x0];
	_ =	sdelay $0x2  }
0xc1: {  	s31 =	sshll.u32 s1, $0xD;
	s1 =	sshrl.u32 s1, $0x2  }
0xc2: {  	s3 =	sand.u32 $0x4000, s31;
	s1 =	sadd.s32 s1, s30  }
0xc3: {  	s0 =	sor.u32 s3, s0;
	s1 =	sshll.u32 s1, $0x11  }
0xc4: {  	s0 =	sor.u32 s1, s0  }
0xc5: {  	s0 =	sadd.s32 $0x8F2B, s0  }
0xc6: {  	[sflag:s0] =	ssyncadd.remote.s32 $0x1  }
0xc7: {  	_ =	sfence.sel $0xFFFF  }
0xc8: {  	[dreg:$0x0] =	wrdreg $0xFFFFFFFF;
	(pc) =	sbr.abs _section_cstart, $3  }
0xc9: {  	[dreg:$0x1] =	wrdreg $0xFFFFFFFF  }
0xca: {  	_ =	task.clear_ibuf [dreg:s7], $0x2FFFF;
	_ =	strace $0x9FFFFFFF  }
0xcb: {  	(tm) =	ssettm $0x7FFFFFFF  }
tec
execute0_lowered:
.L_overlay_start_1:
0x0: {  	(tag) =	ssettag $0x1  }
0x1: {  	s2 =	rddreg [dreg:$0x0]  }
0x2: {  	s6 =	rddreg [dreg:$0x1]  }
0x3: {  	s3 =	rddreg [dreg:$0x2];
	_ =	strace $0x80000050;
	s0 =	simm.s32 $0x1  }
0x4: {  	s4 =	simm.s32 $0x88;
	v0 =	vimm.s32 $0x0;
	[sflag:s0] =	ssyncpa.u1 $0x0  }
0x5: {  	[tilespmem:s4+$0x30] =	vst v0  }
0x6: {  	s1 =	sadd.s32 $0xD600, s2;
	s0 =	sadd.s32 $0x1200, s2;
	[tilespmem:s4+$0x20] =	vst v0  }
0x7: {  	s14 =	sadd.s32 $0x7400, s2;
	s9 =	sand.u32 $0x1, s3;
	s2 =	simm.s32 $0x40;
	[tilespmem:s4+$0x10] =	vst v0  }
.LBB2_1:
0x8: {  	s2 =	sadd.s32 $0x40, s2  }
0x9: {  	[tilespmem:s4+$0x0] =	vst v0;
	s4 =	sadd.s32 $0x40, s4;
	p0 =	slt.u32 s2, $0x5040  }
.Ltmp0:
0xa: {  	(pc) =	sbr.rel @p0 .LBB2_1-.Ltmp0, $4  }
0xb: {  	_ = 	snop  }
0xc: {  	[tilespmem:s4+$0x30] =	vst v0  }
0xd: {  	[tilespmem:s4+$0x20] =	vst v0  }
0xe: {  	[tilespmem:s4+$0x10] =	vst v0  }
0xf: {  	s10 =	stileid.u32  }
0x10: {  	s2 =	smul.u32 $0x13, s10  }
0x11: {  	s3 =	smin.u32 s10, $0x9  }
0x12: {  	s2 =	sadd.s32 s3, s2  }
0x13: {  	p0 =	slt.u32 s10, $0x9;
	s7 =	smul.u32 $0x140, s2;
	s2 =	simm.s32 $0x1900  }
0x14: {  	s2 =	simm.s32 @!p0 $0x17C0  }
0x15: {  	s2 =	sadd.s32 s2, s7  }
0x16: {  	s8 =	smin.u32 s2, $0x186A0  }
0x17: {  	s2 =	ssub.s32 s8, s7  }
0x18: {  	s26 =	simm.s32 $0x2;
	s29 =	simm.s32 $0x9;
	p0 =	sgt.s32 s2, $0x0  }
0x19: {  	s30 =	simm.s32 $0xA;
	s31 =	smul.u32 $0x30D4, s9;
	s2 =	simm.s32 @!p0 $0x0  }
0x1a: {  	s11 =	simm.s32 $0xB;
	[dreg:$0x5] =	wrdreg s9;
	s28 =	smulhi.u32 $0x66666667, s2  }
0x1b: {  	s12 =	simm.s32 $0x1;
	s18 =	simm.s32 $0x0;
	p1 =	por $0x0, $0x0  }
0x1c: {  	s19 =	simm.s32 $0xC;
	s23 =	simm.s32 $0x0;
	s3 =	sshrl.u32 s28, $0x7  }
0x1d: {  	s20 =	simm.s32 $0x0;
	s22 =	simm.s32 $0x0;
	s5 =	smul.u32 $0x140, s3  }
.Ltmp1:
0x1e: {  	[tilespmem:s4+$0x0] =	vst v0;
	v0 =	vimm.s32 $0xFFFFFFFF;
	[sflag:s26] =	ssyncpa.u1 $0x0;
	s16 =	sshll.u32 s10, $0x7;
	(pc) =	sbr.rel .LBB2_3-.Ltmp1, $4  }
0x1f: {  	[tilespmem:$0xA108] =	vst v0;
	[sflag:s29] =	ssyncpa.u1 $0x0;
	p0 =	sne.s32 s2, s5;
	s2 =	simm.s32 $0x1  }
0x20: {  	s14 =	sadd.s32 s31, s14;
	[sflag:s30] =	ssyncpa.u1 $0x0;
	s2 =	simm.s32 @!p0 $0x0  }
0x21: {  	s15 =	sadd.s32 s31, s0;
	[sflag:s11] =	ssyncpa.u1 $0x0;
	s13 =	sadd.s32 s2, s3  }
0x22: {  	v0 =	vlaneseq.u32;
	s21 =	smov.u32 s7;
	p0 =	por $0x1, $0x1;
	s17 =	sadd.s32 $0x1, s13  }
.LBB2_24:
0x23: {  	s0 =	sshrl.u32 s0, $0x2  }
.LBB2_26:
0x24: {  	_ =	swait.ge [sflag:s19], s0  }
0x25: {  	s30 =	ssub.s32 $0x0, s0;
	v1 =	vmov s25;
	vm0 =	veq.s32 v0, $0x0;
	[sflag:s19] =	ssyncset.done $0x0  }
0x26: {  	vm15 =	veq.s32 v0, $0x2;
	v1 =	vsel vm0, s31, v1;
	[sflag:s19] =	ssyncadd.s32 s30  }
0x27: {  	v1 =	vsel vm15, s23, v1;
	[sflag:s19] =	ssyncpa.u1 $0x1  }
0x28: {  	[tilespmem:$0xA108] =	vst v1  }
.LBB2_27:
0x29: {  	s0 =	sadd.s32 $0x140, s21  }
0x2a: {  	s2 =	smov.u32 s7;
	p2 =	slt.s32 s0, s8  }
0x2b: {  	s2 =	smov.u32 @p2 s0;
	p2 =	sne.s32 s22, s17  }
.Ltmp2:
0x2c: {  	_ = 	snop;
	(pc) =	sbr.rel @!p2 .LBB2_28-.Ltmp2, $4  }
0x2d: {  	_ = 	snop  }
0x2e: {  	s23 =	smov.u32 s20  }
0x2f: {  	s31 =	sadd.s32 $0x1, s22;
	s20 =	smov.u32 s21;
	p0 =	por !p0, !p0  }
0x30: {  	p1 =	por !p1, !p1;
	s22 =	smov.u32 s31;
	s21 =	smov.u32 s2  }
.LBB2_3:
0x31: {  	p2 =	sge.u32 s22, s13  }
0x32: {  	s0 =	smulhi.u32 @!p2 $0xAAAAAAAB, s22  }
0x33: {  	s2 =	smov.u32 s21;
	p3 =	sgt.s32 @!p2 s21, $0x18560  }
0x34: {  	s3 =	sshra.s32 @!p2 s21, $0x1F;
	p3 =	por !p3, p2;
	s0 =	sshrl.u32 @!p2 s0, $0x1  }
0x35: {  	s3 =	sand.u32 @!p2 s3, s21;
	s2 =	simm.s32 @p3 $0x18560;
	s0 =	smul.u32 @!p2 $0x3, s0  }
0x36: {  	s2 =	ssub.s32 @!p2 s2, s3  }
0x37: {  	s2 =	sadd.s32 @!p2 $0xFFFE7AA0, s2;
	s0 =	ssub.s32 @!p2 s22, s0  }
0x38: {  	s3 =	sshll.u32 @!p2 s2, $0x2;
	p3 =	sgt.s32 @!p2 s2, $0x13F;
	s0 =	smul.u32 @!p2 $0x500, s0  }
0x39: {  	s4 =	sand.u32 @!p2 $0x7, s21;
	s2 =	ssub.s32 @!p2 $0x500, s3;
	p3 =	por !p3, p2  }
0x3a: {  	s3 =	sshrl.u32 @!p2 s21, $0x3;
	s2 =	sshrl.u32 @!p2 s2, $0x2;
	s0 =	sshrl.u32 @!p2 s0, $0x2  }
0x3b: {  	s3 =	sadd.s32 @!p2 s3, s14;
	s2 =	simm.s32 @!p3 $0x0;
	s0 =	sadd.s32 @!p2 $0xA948, s0  }
0x3c: {  	[tilespmem:s0], [sflag:$0xA] =	stream.linear.gather @!p2 [hbm4b:s3+s4], s2, $0x38;
	[tilespmem:$0x1EF88] =	vst v63  }
0x3d: {  	s4 =	sadd.s32 $0xFFFFFFFF, s22  }
0x3e: {  	p2 =	sge.u32 s4, s13  }
0x3f: {  	p3 =	sgt.s32 @!p2 s20, $0x18560  }
0x40: {  	s0 =	smov.u32 s20;
	s2 =	sshra.s32 @!p2 s20, $0x1F;
	p3 =	por !p3, p2  }
0x41: {  	s2 =	sand.u32 @!p2 s2, s20;
	s0 =	simm.s32 @p3 $0x18560  }
0x42: {  	s0 =	ssub.s32 @!p2 s0, s2  }
0x43: {  	s0 =	sadd.s32 @!p2 $0xFFFE7AA0, s0  }
0x44: {  	s2 =	sshll.u32 @!p2 s0, $0x2  }
0x45: {  	p3 =	sgt.s32 @!p2 s0, $0x13F;
	s0 =	ssub.s32 @!p2 $0x500, s2  }
0x46: {  	p3 =	por !p3, p2;
	s0 =	sshrl.u32 @!p2 s0, $0x2  }
0x47: {  	s3 =	simm.s32 @!p2 $0xA;
	s2 =	sand.u32 @!p2 $0x1, s4;
	s0 =	simm.s32 @!p3 $0x0  }
0x48: {  	s2 =	smul.u32 @!p2 $0x500, s2;
	_ =	swait.ge @!p2 [sflag:s3], s0  }
0x49: {  	s5 =	ssub.s32 @!p2 $0x0, s0;
	[sflag:s3] =	ssyncset.done @!p2 $0x0  }
0x4a: {  	s2 =	sshrl.u32 @!p2 s2, $0x2;
	[sflag:s3] =	ssyncadd.s32 @!p2 s5;
	s3 =	sshrl.u32 @!p2 s20, $0x3  }
0x4b: {  	s2 =	sadd.s32 @!p2 $0xAD08, s2;
	s5 =	sand.u32 @!p2 $0x7, s20;
	s3 =	sadd.s32 @!p2 s3, s15  }
0x4c: {  	[tilespmem:s2], [sflag:$0xB] =	stream.linear.gather @!p2 [hbm4b:s3+s5], s0, $0x38;
	[tilespmem:$0x1EF88] =	vst v63  }
0x4d: {  	s0 =	ssub.s32 @!p2 $0x186A0, s20  }
0x4e: {  	p3 =	slt.s32 @!p2 s0, $0x1  }
0x4f: {  	p3 =	por p2, p3  }
.Ltmp3:
0x50: {  	_ = 	snop;
	(pc) =	sbr.rel @p3 .LBB2_9-.Ltmp3, $1  }
0x51: {  	_ =	sdelay $0x3  }
0x52: {  	s2 =	smulhi.u32 $0xAAAAAAAB, s4;
	_ =	sdelay $0x1  }
0x53: {  	s2 =	sshrl.u32 s2, $0x1  }
0x54: {  	s2 =	smul.u32 $0x3, s2;
	_ =	sdelay $0x1  }
0x55: {  	s2 =	ssub.s32 s4, s2  }
0x56: {  	s3 =	simm.s32 $0x1;
	s2 =	smul.u32 $0x500, s2  }
.Ltmp4:
0x57: {  	s3 =	simm.s32 @!p0 $0x0;
	(pc) =	sbr.rel .LBB2_6-.Ltmp4, $4  }
0x58: {  	s3 =	smul.u32 $0x28000, s3  }
0x59: {  	p3 =	slt.s32 @!p2 s0, $0x140;
	s2 =	sshrl.u32 s2, $0x2  }
0x5a: {  	p2 =	por !p3, p2;
	s3 =	sshrl.u32 s3, $0x2;
	s2 =	sadd.s32 $0xA948, s2  }
0x5b: {  	s24 =	simm.s32 $0x0;
	s0 =	simm.s32 @p2 $0x140;
	s4 =	sadd.s32 $0xAF88, s3;
	v1 =	vmov s2  }
.LBB2_5:
0x5c: {  	p2 =	sge.s32 s24, s0  }
.Ltmp5:
0x5d: {  	_ = 	snop;
	(pc) =	sbr.rel @p2 .LBB2_9-.Ltmp5, $2  }
0x5e: {  	_ =	sdelay $0x2  }
0x5f: {  	s4 =	sadd.s32 $0x800, s4  }
.LBB2_6:
0x60: {  	p2 =	sle.s32 s0, s24  }
.Ltmp6:
0x61: {  	_ = 	snop;
	(pc) =	sbr.rel @p2 .LBB2_5-.Ltmp6, $2  }
0x62: {  	_ =	sdelay $0x2  }
0x63: {  	s5 =	smov.u32 s24;
	s24 =	sadd.s32 $0x10, s24  }
0x64: {  	s2 =	ssub.s32 s0, s5  }
0x65: {  	p2 =	slt.s32 s2, $0x10  }
0x66: {  	s2 =	simm.s32 @!p2 $0x10  }
0x67: {  	v2 =	vmov s2  }
0x68: {  	vm0 =	vgt.s32 v2, v0;
	_ =	sdelay $0x5  }
0x69: {  	v2 =	vld.idx.msk [tilespmem:v1+s5+$0x0 ss:$0x1], vm0;
	_ =	sdelay $0x2  }
0x6a: {  	p2 =	slt.s32 s24, s0;
	s2 =	smov.u32 s0  }
0x6b: {  	s3 =	smov.u32 s4;
	s25 =	simm.s32 $0x0;
	s2 =	smov.u32 @p2 s24  }
.LBB2_8:
0x6c: {  	(v2sf) =	vpush v2, s25;
	_ =	sdelay $0xc  }
0x6d: {  	s25 =	sadd.s32 $0x1, s25  }
0x6e: {  	s31 =	sadd.s32 s25, s5  }
0x6f: {  	p2 =	slt.s32 s31, s2;
	s9 =	spop (v2sf)  }
.Ltmp7:
0x70: {  	s9 =	sshll.u32 s9, $0x4;
	(pc) =	sbr.rel @p2 .LBB2_8-.Ltmp7, $4  }
0x71: {  	s9 =	sand.u32 $0x1FFFFFF0, s9  }
0x72: {  	s9 =	sadd.s32 s6, s9  }
0x73: {  	[tilespmem:s3], [sflag:$0x9] =	stream.linear.gather [hbm4b:s9+s18], $0x40, $0x38;
	[tilespmem:$0x1EF88] =	vst v63  }
0x74: {  	s3 =	sadd.s32 $0x80, s3  }
.Ltmp8:
0x75: {  	_ = 	snop;
	(pc) =	sbr.rel .LBB2_5-.Ltmp8, $1  }
0x76: {  	_ =	sdelay $0x3  }
.LBB2_9:
0x77: {  	p2 =	slt.u32 s22, $0x2  }
.Ltmp9:
0x78: {  	_ = 	snop;
	(pc) =	sbr.rel @p2 .LBB2_27-.Ltmp9, $1  }
0x79: {  	_ =	sdelay $0x3  }
0x7a: {  	p2 =	sgt.s32 s23, $0x18560  }
0x7b: {  	s0 =	smov.u32 s23;
	s2 =	sshra.s32 s23, $0x1F;
	s3 =	ssub.s32 $0x186A0, s23  }
0x7c: {  	s0 =	simm.s32 @!p2 $0x18560;
	s2 =	sand.u32 s2, s23;
	p2 =	slt.s32 s3, $0x140  }
0x7d: {  	s0 =	ssub.s32 s0, s2;
	s3 =	simm.s32 @!p2 $0x140  }
0x7e: {  	s0 =	sadd.s32 $0xFFFE7AA0, s0;
	s10 =	sshll.u32 s3, $0x6  }
0x7f: {  	s26 =	simm.s32 $0x9;
	s24 =	sshll.u32 s0, $0x2;
	s2 =	sand.u32 $0x3FFFFFC0, s10  }
0x80: {  	p2 =	sgt.s32 s0, $0x13F;
	s25 =	ssub.s32 $0x500, s24;
	_ =	swait.ge [sflag:s26], s2  }
0x81: {  	s2 =	ssub.s32 $0x0, s2;
	[sflag:s26] =	ssyncset.done $0x0;
	s0 =	sshrl.u32 s25, $0x2  }
0x82: {  	[sflag:s26] =	ssyncadd.s32 s2;
	s0 =	simm.s32 @p2 $0x0  }
0x83: {  	_ =	swait.ge [sflag:s11], s0  }
0x84: {  	s0 =	ssub.s32 $0x0, s0;
	[sflag:s11] =	ssyncset.done $0x0  }
0x85: {  	[sflag:s11] =	ssyncadd.s32 s0  }
0x86: {  	v1 =	vld [tilespmem:$0xA108];
	_ =	sdelay $0x4  }
0x87: {  	(v2sf) =	vpush v1, $0x0  }
0x88: {  	(v2sf) =	vpush v1, $0x1  }
0x89: {  	(v2sf) =	vpush v1, $0x2;
	_ =	sdelay $0x3  }
0x8a: {  	s0 =	sadd.s32 $0x140, s23  }
0x8b: {  	s2 =	ssub.s32 $0x30D40, s23;
	p2 =	slt.s32 s8, s0  }
0x8c: {  	s0 =	smov.u32 @p2 s8;
	p2 =	sgt.s32 s2, $0x0  }
0x8d: {  	s0 =	ssub.s32 s0, s23;
	s2 =	simm.s32 @!p2 $0x0  }
0x8e: {  	p2 =	slt.s32 s2, s0  }
0x8f: {  	s0 =	smov.u32 @p2 s2  }
0x90: {  	s26 =	simm.s32 $0x1;
	p2 =	slt.s32 s0, $0x1  }
.Ltmp10:
0x91: {  	s26 =	simm.s32 @!p1 $0x0;
	(pc) =	sbr.rel @p2 .LBB2_14-.Ltmp10, $4  }
0x92: {  	s30 =	smul.u32 $0x500, s26  }
0x93: {  	s28 =	spop (v2sf)  }
0x94: {  	s31 =	sshrl.u32 s30, $0x2;
	s29 =	spop (v2sf)  }
0x95: {  	s24 =	sadd.s32 $0xAD08, s31;
	s23 =	spop (v2sf)  }
0x96: {  	s2 =	smin.u32 s0, $0x10  }
0x97: {  	v1 =	vmov s2  }
0x98: {  	p3 =	sgt.s32 s0, $0x10;
	vm1 =	vgt.u32 v1, v0  }
.Ltmp11:
0x99: {  	_ = 	snop;
	(pc) =	sbr.rel @!p3 .LBB2_13-.Ltmp11, $2  }
0x9a: {  	_ =	sdelay $0x2  }
0x9b: {  	s5 =	simm.s32 $0x10;
	s25 =	sadd.s32 $0xFFFFFFF0, s0;
	s4 =	smov.u32 s24;
	vm0 =	vmmov vm1  }
.LBB2_12:
0x9c: {  	s2 =	smin.u32 s25, $0x10;
	s5 =	sadd.s32 $0x10, s5;
	v1 =	vld.msk [tilespmem:s4+$0x0 ss:$0x1], vm1  }
0x9d: {  	v2 =	vmov s2;
	p3 =	slt.s32 s5, s0  }
0x9e: {  	vm1 =	vgt.u32 v2, v0  }
.Ltmp12:
0x9f: {  	(pc) =	sbr.rel @p3 .LBB2_12-.Ltmp12, $3  }
0xa0: {  	_ =	sdelay $0x1  }
0xa1: {  	v1 =	vshll.u32 v1, $0x4  }
0xa2: {  	s25 =	sadd.s32 $0xFFFFFFF0, s25;
	[tilespmem:s4+$0x0] =	vst.msk vm0, v1;
	s4 =	sadd.s32 $0x10, s4;
	vm0 =	vmmov vm1  }
.LBB2_13:
0xa3: {  	_ =	sdelay $0x4  }
0xa4: {  	v1 =	vld.msk [tilespmem:s4+$0x0 ss:$0x1], vm1;
	_ =	sdelay $0x4  }
0xa5: {  	v1 =	vshll.u32 v1, $0x4  }
0xa6: {  	[tilespmem:s4+$0x0] =	vst.msk vm0, v1  }
.LBB2_14:
0xa7: {  	s2 =	sand.u32 $0x1, s22  }
0xa8: {  	s2 =	smul.u32 $0x140, s2  }
0xa9: {  	p3 =	sne.s32 s29, $0xFFFFFFFF  }
0xaa: {  	v1 =	vld.msk @!p3 [tilespmem:s2+$0xAD08], $0x1;
	_ =	sdelay $0x4  }
0xab: {  	(v2sf) =	vpush @!p3 v1, $0x0;
	_ =	sdelay $0xc  }
.Ltmp13:
0xac: {  	_ = 	snop;
	(pc) =	sbr.rel @p2 .LBB2_25-.Ltmp13, $4  }
0xad: {  	_ = 	snop  }
0xae: {  	s30 =	spop @!p3 (v2sf)  }
0xaf: {  	s23 =	simm.s32 @!p3 $0x0;
	s25 =	smov.u32 s30  }
0xb0: {  	[sflag:s19] =	ssyncpa.u1 $0x0;
	s30 =	smov.u32 @p3 s28;
	s25 =	smov.u32 @p3 s29  }
0xb1: {  	v1 =	vld.msk [tilespmem:s24+$0x0], $0x1;
	_ =	sdelay $0x4  }
0xb2: {  	(v2sf) =	vpush v1, $0x0;
	_ =	sdelay $0xe  }
0xb3: {  	s2 =	smul.u32 $0x28000, s26;
	s4 =	spop (v2sf)  }
0xb4: {  	s28 =	ssub.s32 $0x0, s0;
	p2 =	seq.s32 s30, s4  }
0xb5: {  	s0 =	sadd.s32 $0x1, s28;
	s2 =	sshrl.u32 s2, $0x2;
	p3 =	sgt.s32 @!p2 s30, $0x0  }
0xb6: {  	s26 =	sadd.s32 $0xAFA8, s2;
	s2 =	smov.u32 s30;
	p3 =	por !p3, p2  }
0xb7: {  	s2 =	simm.s32 @p3 $0x0;
	p3 =	seq.s32 s0, $0x0  }
.Ltmp14:
0xb8: {  	_ = 	snop;
	(pc) =	sbr.rel @p3 .LBB2_17-.Ltmp14, $4  }
0xb9: {  	_ = 	snop  }
0xba: {  	s29 =	simm.s32 $0x0;
	s5 =	simm.s32 @!p2 $0x1;
	s3 =	smin.u32 @!p2 s2, $0x7FFFF8  }
0xbb: {  	s31 =	sadd.s32 $0x1, s24;
	s5 =	smov.u32 @p2 s29;
	s9 =	sand.u32 @!p2 $0x7FFFF8, s3  }
0xbc: {  	s2 =	simm.s32 @!p2 $0x50C8;
	s3 =	sand.u32 @!p2 $0x7, s3;
	s9 =	sadd.s32 @!p2 s1, s9  }
.LBB2_16:
0xbd: {  	s10 =	smov.u32 s5  }
0xbe: {  	[tilespmem:s2], [sflag:$0x2] =	stream.linear.gather @!p2 [hbm4b:s9+s3], $0x40, $0x38;
	[tilespmem:$0x1EF88] =	vst v63  }
0xbf: {  	s0 =	sadd.s32 $0x1, s0;
	s3 =	smov.u32 s4;
	v1 =	vld.msk [tilespmem:s31+$0x0], $0x1  }
0xc0: {  	p3 =	seq.s32 s0, $0x0;
	_ =	sdelay $0x3  }
0xc1: {  	(v2sf) =	vpush v1, $0x0;
	_ =	sdelay $0xe  }
0xc2: {  	s4 =	spop (v2sf)  }
0xc3: {  	p2 =	seq.s32 s3, s4  }
0xc4: {  	p4 =	sgt.s32 @!p2 s3, $0x0;
	s2 =	sshll.u32 @!p2 s5, $0x8;
	s5 =	sadd.s32 @!p2 $0x1, s5  }
.Ltmp15:
0xc5: {  	p4 =	por !p4, p2;
	s2 =	sshra.s32 @!p2 s2, $0x2;
	(pc) =	sbr.rel @!p3 .LBB2_16-.Ltmp15, $4  }
0xc6: {  	s5 =	smov.u32 @p2 s10;
	s3 =	simm.s32 @p4 $0x0;
	s2 =	sadd.s32 @!p2 $0x50C8, s2  }
0xc7: {  	s3 =	smin.u32 @!p2 s3, $0x7FFFF8  }
0xc8: {  	s9 =	sand.u32 @!p2 $0x7FFFF8, s3;
	s3 =	sand.u32 @!p2 $0x7, s3  }
0xc9: {  	s31 =	sadd.s32 $0x1, s31;
	s9 =	sadd.s32 @!p2 s1, s9  }
.LBB2_17:
0xca: {  	[tilespmem:s2], [sflag:$0x2] =	stream.linear.gather @!p2 [hbm4b:s9+s3], $0x40, $0x38;
	[tilespmem:$0x1EF88] =	vst v63  }
.Ltmp16:
0xcb: {  	s0 =	sshll.u32 s5, $0x6;
	(pc) =	sbr.rel .LBB2_18-.Ltmp16, $4  }
0xcc: {  	s31 =	simm.s32 $0x2;
	s0 =	sand.u32 $0x3FFFFFC0, s0  }
0xcd: {  	_ =	swait.ge [sflag:s31], s0  }
0xce: {  	s0 =	ssub.s32 $0x0, s0;
	[sflag:s31] =	ssyncset.done $0x0  }
0xcf: {  	[sflag:s31] =	ssyncadd.s32 s0;
	s0 =	simm.s32 $0x0  }
.LBB2_19:
0xd0: {  	v1 =	vld [tilespmem:s26+$0xFFFFFFE0];
	_ =	sdelay $0x4  }
0xd1: {  	[tilespmem:s4+$0x88] =	vst.add.f32.msk $0xffff, v1  }
0xd2: {  	v1 =	vld [tilespmem:s26+$0xFFFFFFF0];
	_ =	sdelay $0x4  }
0xd3: {  	[tilespmem:s4+$0x98] =	vst.add.f32.msk $0xffff, v1  }
0xd4: {  	v1 =	vld [tilespmem:s26+$0x0];
	_ =	sdelay $0x4  }
0xd5: {  	[tilespmem:s4+$0xA8] =	vst.add.f32.msk $0xffff, v1  }
0xd6: {  	v1 =	vld [tilespmem:s26+$0x10];
	_ =	sdelay $0x4  }
0xd7: {  	[tilespmem:s4+$0xB8] =	vst.add.f32.msk $0xffff, v1  }
.LBB2_23:
0xd8: {  	s28 =	sadd.s32 $0x1, s28  }
0xd9: {  	p2 =	seq.s32 s28, $0x0  }
.Ltmp17:
0xda: {  	_ = 	snop;
	(pc) =	sbr.rel @p2 .LBB2_24-.Ltmp17, $2  }
0xdb: {  	_ =	sdelay $0x2  }
0xdc: {  	s26 =	sadd.s32 $0x80, s26;
	s24 =	sadd.s32 $0x1, s24;
	s30 =	smov.u32 s31  }
.LBB2_18:
0xdd: {  	v1 =	vld.msk [tilespmem:s24+$0x0], $0x1;
	_ =	sdelay $0x4  }
0xde: {  	(v2sf) =	vpush v1, $0x0;
	_ =	sdelay $0xe  }
0xdf: {  	s31 =	spop (v2sf)  }
0xe0: {  	p2 =	sne.s32 s30, s31  }
.Ltmp18:
0xe1: {  	_ = 	snop;
	(pc) =	sbr.rel @!p2 .LBB2_19-.Ltmp18, $3  }
0xe2: {  	_ =	sdelay $0x1  }
0xe3: {  	s2 =	sshll.u32 s23, $0x8  }
0xe4: {  	s4 =	sshra.s32 s2, $0x2  }
0xe5: {  	p2 =	seq.s32 s30, s25  }
.Ltmp19:
0xe6: {  	_ = 	snop;
	(pc) =	sbr.rel @!p2 .LBB2_21-.Ltmp19, $1  }
0xe7: {  	_ =	sdelay $0x3  }
.Ltmp20:
0xe8: {  	s2 =	sadd.s32 $0x88, s4;
	(pc) =	sbr.rel .LBB2_22-.Ltmp20, $4  }
0xe9: {  	[spmem:s16] =	stream.linear.scatter [tilespmem:s2], [sflag:$0x1], $0x40, $0x38;
	[tilespmem:$0x1EF88] =	vst v63  }
0xea: {  	_ =	swait.ge [sflag:s12], $0x40  }
0xeb: {  	[sflag:s12] =	ssyncset.done $0x0  }
0xec: {  	[sflag:s12] =	ssyncadd.s32 $0xFFFFFFC0  }
.LBB2_21:
0xed: {  	s2 =	sshll.u32 s29, $0x8  }
0xee: {  	s2 =	sshra.s32 s2, $0x2  }
0xef: {  	v1 =	vld [tilespmem:s2+$0x50C8];
	_ =	sdelay $0x4  }
0xf0: {  	[tilespmem:s4+$0x88] =	vst.add.f32.msk $0xffff, v1  }
0xf1: {  	v1 =	vld [tilespmem:s2+$0x50D8];
	_ =	sdelay $0x4  }
0xf2: {  	[tilespmem:s4+$0x98] =	vst.add.f32.msk $0xffff, v1  }
0xf3: {  	v1 =	vld [tilespmem:s2+$0x50E8];
	_ =	sdelay $0x4  }
0xf4: {  	[tilespmem:s4+$0xA8] =	vst.add.f32.msk $0xffff, v1  }
0xf5: {  	v1 =	vld [tilespmem:s2+$0x50F8];
	_ =	sdelay $0x2  }
0xf6: {  	p2 =	sgt.u32 s30, $0x7FFFF8  }
0xf7: {  	s2 =	sand.u32 @!p2 $0x7FFFF8, s30  }
0xf8: {  	s3 =	sadd.s32 $0x88, s4;
	s2 =	sadd.s32 @!p2 s1, s2;
	[tilespmem:s4+$0xB8] =	vst.add.f32.msk $0xffff, v1;
	s4 =	sand.u32 @!p2 $0x7, s30  }
0xf9: {  	[hbm4b:s2+s4] =	stream.linear.scatter @!p2 [tilespmem:s3], [sflag:$0xC], $0x40, $0x38;
	[tilespmem:$0x1EF88] =	vst v63  }
0xfa: {  	s2 =	simm.s32 $0x0  }
0xfb: {  	s2 =	simm.s32 @!p2 $0x100  }
0xfc: {  	s0 =	sadd.s32 s2, s0  }
.LBB2_22:
0xfd: {  	s2 =	sadd.s32 $0x1, s23  }
0xfe: {  	s3 =	smulhi.u32 $0xCCCCCCCD, s2;
	_ =	sdelay $0x1  }
0xff: {  	v1 =	vld [tilespmem:s26+$0xFFFFFFE0];
	s3 =	sshrl.u32 s3, $0x8  }
0x100: {  	s3 =	smul.u32 $0x140, s3;
	_ =	sdelay $0x1  }
0x101: {  	s23 =	ssub.s32 s2, s3  }
0x102: {  	s2 =	sshll.u32 s23, $0x6  }
0x103: {  	[tilespmem:s2+$0x88] =	vst v1  }
0x104: {  	v1 =	vld [tilespmem:s26+$0xFFFFFFF0];
	_ =	sdelay $0x4  }
0x105: {  	[tilespmem:s2+$0x98] =	vst v1  }
0x106: {  	v1 =	vld [tilespmem:s26+$0x0];
	_ =	sdelay $0x4  }
0x107: {  	[tilespmem:s2+$0xA8] =	vst v1  }
0x108: {  	v1 =	vld [tilespmem:s26+$0x10]  }
.Ltmp21:
0x109: {  	_ = 	snop;
	(pc) =	sbr.rel .LBB2_23-.Ltmp21, $2  }
0x10a: {  	_ =	sdelay $0x2  }
0x10b: {  	s29 =	sadd.s32 $0x1, s29;
	[tilespmem:s2+$0xB8] =	vst v1  }
.LBB2_25:
.Ltmp22:
0x10c: {  	(pc) =	sbr.rel .LBB2_26-.Ltmp22, $4  }
0x10d: {  	_ = 	snop  }
0x10e: {  	s0 =	simm.s32 $0x2  }
0x10f: {  	_ =	swait.ge [sflag:s0], $0x0  }
0x110: {  	s31 =	smov.u32 s30;
	[sflag:s0] =	ssyncset.done $0x0;
	s0 =	simm.s32 $0x0  }
.LBB2_28:
0x111: {  	_ =	sfence.sel $0x180000  }
0x112: {  	s0 =	simm.s32 $0x9;
	[bflag:$0x0] =	sbarrier.arrive $0xFFFF  }
0x113: {  	s24 =	simm.s32 $0xA;
	[sflag:s0] =	ssyncpa.u1 $0x1  }
0x114: {  	s25 =	simm.s32 $0xB;
	[sflag:s24] =	ssyncpa.u1 $0x1  }
0x115: {  	s26 =	simm.s32 $0x2;
	[sflag:s25] =	ssyncpa.u1 $0x1  }
0x116: {  	[sflag:s26] =	ssyncpa.u1 $0x1  }
0x117: {  	v0 =	vld [tilespmem:$0xA108];
	_ =	sdelay $0x4  }
0x118: {  	(v2sf) =	vpush v0, $0x0  }
0x119: {  	(v2sf) =	vpush v0, $0x1;
	_ =	sdelay $0x1  }
0x11a: {  	(v2sf) =	vpush v0, $0x2;
	_ =	sdelay $0xb  }
0x11b: {  	s0 =	spop (v2sf)  }
0x11c: {  	s2 =	spop (v2sf)  }
0x11d: {  	s3 =	smov.u32 s0;
	p0 =	sne.s32 s0, s2  }
0x11e: {  	s4 =	spop (v2sf);
	s3 =	simm.s32 @!p0 $0xFFFFFFFF  }
0x11f: {  	v2 =	vimm.s32 $0x1;
	v3 =	vlaneseq.u32;
	p0 =	seq.s32 s4, $0xFFFFFFFF;
	v1 =	vmov s3  }
0x120: {  	s15 =	stileid.u32;
	v0 =	vperm.xlane v0, v2;
	p1 =	sne.s32 @!p0 s0, s2;
	v1 =	vperm.xlane v1, v3  }
0x121: {  	vm0 =	vcmask $0x3F04;
	s6 =	simm.s32 $0xA108;
	s0 =	simm.s32 @!p0 $0x1;
	p1 =	por !p1, p0  }
0x122: {  	s3 =	sshll.u32 s15, $0x1;
	s2 =	sshll.u32 @!p0 s4, $0x8;
	s0 =	simm.s32 @p1 $0x0;
	v0 =	vsel vm0, v1, v0  }
0x123: {  	s5 =	sor.u32 $0x800, s3;
	s2 =	sshra.s32 @!p0 s2, $0x2;
	s0 =	sor.u32 @!p0 s0, s3;
	[tilespmem:$0xA108] =	vst v0  }
0x124: {  	[spmem:s5] =	stream.linear.scatter [tilespmem:s6], [sflag:$0x1], $0x2, $0x38;
	[tilespmem:$0x1EF88] =	vst v63  }
0x125: {  	s2 =	sadd.s32 @!p0 $0x88, s2;
	s0 =	sshll.u32 @!p0 s0, $0x6  }
0x126: {  	[spmem:s0] =	stream.linear.scatter @!p0 [tilespmem:s2], [sflag:$0x1], $0x40, $0x38;
	[tilespmem:$0x1EF88] =	vst v63  }
0x127: {  	s0 =	simm.s32 @!p0 $0x42  }
0x128: {  	s28 =	simm.s32 $0x1;
	s0 =	simm.s32 @p0 $0x2  }
0x129: {  	_ =	swait.ge [sflag:s28], s0  }
0x12a: {  	s0 =	ssub.s32 $0x0, s0;
	[sflag:s28] =	ssyncset.done $0x0  }
0x12b: {  	p0 =	sne.s32 s15, $0x0;
	[sflag:s28] =	ssyncadd.s32 s0  }
.Ltmp23:
0x12c: {  	_ =	sfence.stream.spmem;
	(pc) =	sbr.rel @p0 .LBB2_45-.Ltmp23, $4  }
0x12d: {  	s29 =	simm.s32 $0x3;
	[bflag:$0x0] =	sbarrier.arrive $0xFFFF  }
0x12e: {  	s30 =	simm.s32 $0x4;
	[sflag:s29] =	ssyncpa.u1 $0x1  }
0x12f: {  	s31 =	simm.s32 $0x3C;
	[sflag:s30] =	ssyncpa.u1 $0x1  }
0x130: {  	s14 =	rddreg [dreg:$0x5];
	[sflag:s31] =	ssyncpa.u1 $0x1  }
0x131: {  	_ =	sfence.stream.spmem;
	s0 =	simm.s32 $0x5  }
0x132: {  	s2 =	simm.s32 $0x800;
	s3 =	simm.s32 $0xA118;
	[sflag:s0] =	ssyncpa.u1 $0x0  }
0x133: {  	[tilespmem:s3], [sflag:$0x5] =	stream.linear.gather [spmem:s2], $0x20, $0x38;
	[tilespmem:$0x1EF88] =	vst v63  }
0x134: {  	s26 =	simm.s32 $0x0;
	s28 =	simm.s32 $0xA138  }
0x135: {  	[tilespmem:s28], [sflag:$0x5] =	stream.linear.gather [spmem:s26], $0x800, $0x38;
	[tilespmem:$0x1EF88] =	vst v63  }
0x136: {  	_ =	swait.ge [sflag:s0], $0x820  }
0x137: {  	[sflag:s0] =	ssyncset.done $0x0  }
0x138: {  	s29 =	simm.s32 $0x0;
	[sflag:s0] =	ssyncadd.s32 $0xFFFFF7E0  }
0x139: {  	v0 =	vld.msk [tilespmem:s29+$0xA118], $0x1;
	_ =	sdelay $0x1  }
0x13a: {  	s30 =	simm.s32 $0x1  }
0x13b: {  	v1 =	vld.msk [tilespmem:s30+$0xA118], $0x1;
	_ =	sdelay $0x1  }
0x13c: {  	(v2sf) =	vpush v0, $0x0;
	_ =	sdelay $0x2  }
0x13d: {  	(v2sf) =	vpush v1, $0x0;
	_ =	sdelay $0x2  }
0x13e: {  	s31 =	simm.s32 $0x2  }
0x13f: {  	v0 =	vld.msk [tilespmem:s31+$0xA118], $0x1;
	_ =	sdelay $0x2  }
0x140: {  	s4 =	simm.s32 $0xFFFFFFFF;
	s2 =	simm.s32 $0xFFFFFFFF;
	s0 =	simm.s32 $0xC  }
.LBB2_30:
0x141: {  	s3 =	smov.u32 s4;
	s5 =	smov.u32 s2  }
0x142: {  	s2 =	sshra.s32 s0, $0x2;
	p1 =	sne.s32 s0, $0x7C;
	s0 =	sadd.s32 $0x4, s0;
	(v2sf) =	vpush v0, $0x0  }
0x143: {  	v0 =	vld.msk [tilespmem:s2+$0xA118], $0x1  }
.Ltmp24:
0x144: {  	(pc) =	sbr.rel @p1 .LBB2_30-.Ltmp24, $4  }
0x145: {  	s4 =	spop (v2sf)  }
0x146: {  	p2 =	sne.s32 s5, $0xFFFFFFFF;
	s2 =	smov.u32 s4  }
0x147: {  	p3 =	seq.s32 s4, $0xFFFFFFFF;
	s2 =	smov.u32 @p2 s5  }
0x148: {  	s4 =	smov.u32 @p3 s3;
	s2 =	smov.u32 @p3 s5  }
0x149: {  	(v2sf) =	vpush v0, $0x0;
	_ =	sdelay $0x8  }
0x14a: {  	s0 =	spop (v2sf)  }
0x14b: {  	p1 =	sne.s32 s2, $0xFFFFFFFF;
	s3 =	smov.u32 s0  }
0x14c: {  	s9 =	simm.s32 $0x6;
	p2 =	seq.s32 s0, $0xFFFFFFFF;
	s3 =	smov.u32 @p1 s2  }
0x14d: {  	s6 =	simm.s32 $0x0;
	s3 =	smov.u32 @p2 s2;
	s2 =	spop (v2sf)  }
0x14e: {  	s0 =	smov.u32 @p2 s4;
	p1 =	sne.s32 s3, $0xFFFFFFFF;
	s5 =	smov.u32 s2  }
.Ltmp25:
0x14f: {  	p2 =	seq.s32 s2, $0xFFFFFFFF;
	s5 =	smov.u32 @p1 s3;
	(pc) =	sbr.rel .LBB2_32-.Ltmp25, $4  }
0x150: {  	s10 =	simm.s32 $0xA0C8;
	s5 =	smov.u32 @p2 s3;
	s7 =	spop (v2sf)  }
0x151: {  	s11 =	simm.s32 $0x0;
	p1 =	sne.s32 s5, $0xFFFFFFFF;
	s8 =	smov.u32 s7  }
0x152: {  	s2 =	smov.u32 @p2 s0;
	p2 =	seq.s32 s7, $0xFFFFFFFF;
	s8 =	smov.u32 @p1 s5  }
0x153: {  	[sflag:s9] =	ssyncpa.u1 $0x0;
	s7 =	smov.u32 @p2 s2;
	s8 =	smov.u32 @p2 s5  }
.LBB2_38:
0x154: {  	p1 =	sgt.u32 s12, $0x7FFFF8  }
0x155: {  	p2 =	seq.s32 @!p1 s12, s8  }
0x156: {  	p1 =	por p1, p2  }
0x157: {  	p2 =	sne.s32 @!p1 s12, s7  }
0x158: {  	p1 =	por p1, !p2  }
0x159: {  	s0 =	sshll.u32 @p1 s11, $0x8  }
0x15a: {  	s0 =	sand.u32 @!p1 $0x7FFFF8, s12  }
0x15b: {  	s2 =	sand.u32 @!p1 $0x7, s12;
	s0 =	sadd.s32 @!p1 s1, s0  }
0x15c: {  	[tilespmem:s10], [sflag:$0x6] =	stream.linear.gather @!p1 [hbm4b:s0+s2], $0x40, $0x38;
	[tilespmem:$0x1EF88] =	vst v63  }
0x15d: {  	_ =	swait.ge @!p1 [sflag:s9], $0x40  }
0x15e: {  	[sflag:s9] =	ssyncset.done @!p1 $0x0  }
0x15f: {  	[sflag:s9] =	ssyncadd.s32 @!p1 $0xFFFFFFC0  }
0x160: {  	v1 =	vld @!p1 [tilespmem:$0xA0C8];
	_ =	sdelay $0x2  }
0x161: {  	s0 =	sshll.u32 @!p1 s11, $0x8  }
0x162: {  	s2 =	sshrl.u32 @!p1 s0, $0x2  }
0x163: {  	[tilespmem:s2+$0xA138] =	vst.add.f32.msk @!p1 $0xffff, v1  }
0x164: {  	v1 =	vld @!p1 [tilespmem:$0xA0D8];
	_ =	sdelay $0x4  }
0x165: {  	[tilespmem:s2+$0xA148] =	vst.add.f32.msk @!p1 $0xffff, v1  }
0x166: {  	v1 =	vld @!p1 [tilespmem:$0xA0E8];
	_ =	sdelay $0x4  }
0x167: {  	[tilespmem:s2+$0xA158] =	vst.add.f32.msk @!p1 $0xffff, v1  }
0x168: {  	v1 =	vld @!p1 [tilespmem:$0xA0F8];
	_ =	sdelay $0x4  }
0x169: {  	[tilespmem:s2+$0xA168] =	vst.add.f32.msk @!p1 $0xffff, v1  }
0x16a: {  	s0 =	sshrl.u32 s0, $0x2;
	[tilespmem:s6+$0xA118] =	vst.msk $0x1, v0  }
0x16b: {  	v0 =	vld [tilespmem:s0+$0xA138];
	_ =	sdelay $0x2  }
0x16c: {  	s31 =	sshll.u32 s6, $0x8  }
0x16d: {  	s2 =	sshra.s32 s31, $0x2  }
0x16e: {  	[tilespmem:s2+$0xA138] =	vst v0  }
0x16f: {  	v0 =	vld [tilespmem:s0+$0xA148];
	_ =	sdelay $0x4  }
0x170: {  	[tilespmem:s2+$0xA148] =	vst v0  }
0x171: {  	v0 =	vld [tilespmem:s0+$0xA158];
	_ =	sdelay $0x4  }
0x172: {  	[tilespmem:s2+$0xA158] =	vst v0  }
0x173: {  	v0 =	vld [tilespmem:s0+$0xA168];
	_ =	sdelay $0x4  }
0x174: {  	s6 =	sadd.s32 $0x1, s6;
	[tilespmem:s2+$0xA168] =	vst v0  }
.LBB2_39:
0x175: {  	s11 =	sadd.s32 $0x1, s11  }
0x176: {  	p1 =	sne.s32 s11, $0x20  }
.Ltmp26:
0x177: {  	_ = 	snop;
	(pc) =	sbr.rel @!p1 .LBB2_40-.Ltmp26, $1  }
0x178: {  	_ =	sdelay $0x3  }
.LBB2_32:
0x179: {  	v0 =	vld.msk [tilespmem:s11+$0xA118], $0x1;
	_ =	sdelay $0x4  }
0x17a: {  	(v2sf) =	vpush v0, $0x0;
	_ =	sdelay $0xe  }
0x17b: {  	s12 =	spop (v2sf)  }
0x17c: {  	p1 =	seq.s32 s12, $0xFFFFFFFF  }
.Ltmp27:
0x17d: {  	_ = 	snop;
	(pc) =	sbr.rel @p1 .LBB2_39-.Ltmp27, $1  }
0x17e: {  	_ =	sdelay $0x3  }
0x17f: {  	p1 =	slt.s32 s6, $0x1  }
.Ltmp28:
0x180: {  	_ = 	snop;
	(pc) =	sbr.rel @p1 .LBB2_38-.Ltmp28, $1  }
0x181: {  	_ =	sdelay $0x3  }
0x182: {  	s0 =	simm.s32 $0xA118;
	p1 =	por $0x0, $0x0  }
0x183: {  	v1 =	vld.msk @!p1 [tilespmem:s0+$0x0], $0x1;
	_ =	sdelay $0x4  }
0x184: {  	(v2sf) =	vpush @!p1 v1, $0x0;
	_ =	sdelay $0xd  }
0x185: {  	p3 =	sne.s32 s6, $0x1  }
.Ltmp29:
0x186: {  	s2 =	spop @!p1 (v2sf);
	(pc) =	sbr.rel @!p3 .LBB2_36-.Ltmp29, $4  }
0x187: {  	p2 =	seq.s32 @!p1 s12, s2  }
0x188: {  	s13 =	simm.s32 $0x0;
	p2 =	por !p2, p1  }
0x189: {  	s2 =	simm.s32 $0xFFFFFFFF;
	s13 =	simm.s32 @p2 $0xFFFFFFFF  }
0x18a: {  	s4 =	simm.s32 $0x1;
	s13 =	smov.u32 @p1 s2  }
.LBB2_35:
0x18b: {  	s2 =	smov.u32 s13;
	p1 =	sne.s32 s13, $0xFFFFFFFF  }
0x18c: {  	s0 =	sadd.s32 $0x1, s0;
	s13 =	smov.u32 s4;
	s4 =	sadd.s32 $0x1, s4  }
0x18d: {  	p2 =	sne.s32 s6, s4;
	v1 =	vld.msk @!p1 [tilespmem:s0+$0x0], $0x1;
	_ =	sdelay $0x4  }
0x18e: {  	(v2sf) =	vpush @!p1 v1, $0x0;
	_ =	sdelay $0xe  }
.Ltmp30:
0x18f: {  	s3 =	spop @!p1 (v2sf);
	(pc) =	sbr.rel @p2 .LBB2_35-.Ltmp30, $4  }
0x190: {  	p3 =	seq.s32 @!p1 s12, s3  }
0x191: {  	p3 =	por !p3, p1  }
0x192: {  	s13 =	simm.s32 @p3 $0xFFFFFFFF  }
0x193: {  	s13 =	smov.u32 @p1 s2  }
.LBB2_36:
0x194: {  	p1 =	seq.s32 s13, $0xFFFFFFFF  }
.Ltmp31:
0x195: {  	_ = 	snop;
	(pc) =	sbr.rel @p1 .LBB2_38-.Ltmp31, $1  }
0x196: {  	_ =	sdelay $0x3  }
0x197: {  	s0 =	sshll.u32 s11, $0x6  }
0x198: {  	s0 =	sand.u32 $0x3FFFFFC0, s0  }
0x199: {  	v0 =	vld [tilespmem:s0+$0xA138];
	_ =	sdelay $0x2  }
0x19a: {  	s2 =	sshll.u32 s13, $0x8  }
0x19b: {  	s2 =	sshra.s32 s2, $0x2  }
0x19c: {  	[tilespmem:s2+$0xA138] =	vst.add.f32.msk $0xffff, v0  }
0x19d: {  	v0 =	vld [tilespmem:s0+$0xA148];
	_ =	sdelay $0x4  }
0x19e: {  	[tilespmem:s2+$0xA148] =	vst.add.f32.msk $0xffff, v0  }
0x19f: {  	v0 =	vld [tilespmem:s0+$0xA158];
	_ =	sdelay $0x4  }
0x1a0: {  	[tilespmem:s2+$0xA158] =	vst.add.f32.msk $0xffff, v0  }
0x1a1: {  	v0 =	vld [tilespmem:s0+$0xA168]  }
.Ltmp32:
0x1a2: {  	_ = 	snop;
	(pc) =	sbr.rel .LBB2_39-.Ltmp32, $2  }
0x1a3: {  	_ =	sdelay $0x2  }
0x1a4: {  	[tilespmem:s2+$0xA168] =	vst.add.f32.msk $0xffff, v0  }
.LBB2_40:
0x1a5: {  	s0 =	simm.s32 $0x6;
	p1 =	seq.s32 s6, $0x0  }
0x1a6: {  	[sflag:s0] =	ssyncpa.u1 $0x1;
	v0 =	vimm.s32 @p1 $0xFFFFFFFF  }
0x1a7: {  	s0 =	sadd.s32 $0xFFFFFFFF, s6;
	[tilespmem:$0xA938] =	vst @p1 v0  }
0x1a8: {  	v0 =	vld.msk @!p1 [tilespmem:s0+$0xA118], $0x1;
	_ =	sdelay $0x1  }
0x1a9: {  	v1 =	vld.msk @!p1 [tilespmem:$0xA118], $0x1;
	_ =	sdelay $0x2  }
0x1aa: {  	p2 =	seq.s32 @!p1 s0, $0x0;
	v0 =	vbroadcast @!p1 v0, $0x0  }
0x1ab: {  	vm0 =	vmmov @!p1 $0x1;
	p2 =	por !p2, p1  }
0x1ac: {  	v1 =	vnsel @!p1 vm0, $0xFFFFFFFF, v1;
	vm0 =	vcmask @!p1 $0x308;
	v0 =	vpsel !p2, $0xFFFFFFFF, v0  }
0x1ad: {  	p2 =	sne.s32 @!p1 s8, s7;
	v0 =	vsel @!p1 vm0, v1, v0  }
0x1ae: {  	s2 =	simm.s32 @!p1 $0xA138;
	s3 =	simm.s32 @!p1 $0x0;
	p3 =	por !p2, p1;
	[tilespmem:$0xA938] =	vst @!p1 v0  }
0x1af: {  	[spmem:s3] =	stream.linear.scatter @!p1 [tilespmem:s2], [sflag:$0x1], $0x40, $0x38;
	[tilespmem:$0x1EF88] =	vst v63  }
0x1b0: {  	s2 =	sshll.u32 @!p3 s0, $0x8  }
0x1b1: {  	s2 =	sshra.s32 @!p3 s2, $0x2  }
0x1b2: {  	s3 =	simm.s32 @!p3 $0x40;
	s2 =	sadd.s32 @!p3 $0xA138, s2  }
0x1b3: {  	[spmem:s3] =	stream.linear.scatter @!p3 [tilespmem:s2], [sflag:$0x1], $0x40, $0x38;
	[tilespmem:$0x1EF88] =	vst v63  }
0x1b4: {  	s2 =	simm.s32 @!p3 $0x1  }
0x1b5: {  	_ =	swait.ge @!p3 [sflag:s2], $0x80  }
0x1b6: {  	p1 =	por p2, p1;
	[sflag:s2] =	ssyncset.done @!p3 $0x0  }
0x1b7: {  	[sflag:s2] =	ssyncadd.s32 @!p3 $0xFFFFFF80;
	s2 =	simm.s32 @!p1 $0x1  }
0x1b8: {  	_ =	swait.ge @!p1 [sflag:s2], $0x40  }
0x1b9: {  	s29 =	simm.s32 $0xA938;
	[sflag:s2] =	ssyncset.done @!p1 $0x0  }
0x1ba: {  	s30 =	simm.s32 $0x800;
	s31 =	simm.s32 $0x1;
	[sflag:s2] =	ssyncadd.s32 @!p1 $0xFFFFFFC0  }
0x1bb: {  	[spmem:s30] =	stream.linear.scatter [tilespmem:s29], [sflag:$0x1], $0x10, $0x38;
	[tilespmem:$0x1EF88] =	vst v63  }
0x1bc: {  	_ =	swait.ge [sflag:s31], $0x10  }
0x1bd: {  	[sflag:s31] =	ssyncset.done $0x0  }
0x1be: {  	p1 =	seq.s32 s14, $0x0;
	s9 =	rddreg [dreg:$0x2];
	[sflag:s31] =	ssyncadd.s32 $0xFFFFFFF0  }
0x1bf: {  	s3 =	sshll.u32 @p1 s9, $0xE;
	s8 =	rddreg [dreg:$0x3]  }
0x1c0: {  	s2 =	sadd.s32 @p1 $0x15C3C, s3;
	s3 =	sshll.u32 @p1 s8, $0x11  }
0x1c1: {  	_ =	sfence.stream.spmem;
	s2 =	sor.u32 @p1 s3, s2  }
0x1c2: {  	[sflag:s2] =	ssyncadd.remote.s32 @p1 $0x1;
	s2 =	simm.s32 @p1 $0x4  }
0x1c3: {  	s4 =	simm.s32 @!p1 $0x3C;
	s3 =	sand.u32 $0xFFFFFFFE, s9;
	_ =	swait.ge @p1 [sflag:s2], $0x12  }
0x1c4: {  	s5 =	simm.s32 @!p1 $0x0;
	s3 =	sadd.s32 @!p1 $0x4, s3;
	[sflag:s2] =	ssyncset.done @p1 $0x0  }
0x1c5: {  	s7 =	simm.s32 @!p1 $0x80;
	[sflag:s2] =	ssyncadd.s32 @p1 $0xFFFFFFEE;
	s2 =	sshll.u32 @!p1 s3, $0x1A  }
0x1c6: {  	s3 =	sshll.u32 @!p1 s3, $0xD;
	s2 =	sor.u32 @!p1 s2, s8;
	_ =	swait.eq @!p1 [sflag:s4], $0x1  }
0x1c7: {  	s3 =	sor.u32 @!p1 $0x1C04, s3;
	s4 =	simm.s32 @!p1 $0x1C03;
	s2 =	sor.u32 @!p1 $0x80004000, s2  }
0x1c8: {  	[spmem:s7], [sflag:s3] =	dma.general @!p1 [spmem:s5], [sflag:s4], length:$0x10, [dreg:$0x0], stride_count:$0x0, ici_dest:s2, dma_misc:DstOpCode:WRITE  }
0x1c9: {  	p2 =	slt.s32 s0, $0x2;
	s5 =	simm.s32 @!p1 $0x100;
	s7 =	simm.s32 @!p1 $0x102  }
0x1ca: {  	[spmem:s7], [sflag:s3] =	dma.general @!p1 [spmem:s5], [sflag:s4], length:$0x2, [dreg:$0x0], stride_count:$0x0, ici_dest:s2, dma_misc:DstOpCode:WRITE  }
.Ltmp33:
0x1cb: {  	s2 =	simm.s32 @!p1 $0x3;
	(pc) =	sbr.rel @p2 .LBB2_44-.Ltmp33, $4  }
0x1cc: {  	s3 =	sshll.u32 @!p1 s9, $0xE;
	_ =	swait.ge @!p1 [sflag:s2], $0x12  }
0x1cd: {  	s4 =	sshll.u32 @!p1 s8, $0x11;
	s3 =	sadd.s32 @!p1 $0x11C3C, s3;
	[sflag:s2] =	ssyncset.done @!p1 $0x0  }
0x1ce: {  	[sflag:s2] =	ssyncadd.s32 @!p1 $0xFFFFFFEE;
	s2 =	sor.u32 @!p1 s4, s3  }
0x1cf: {  	s0 =	simm.s32 $0x0;
	[sflag:s2] =	ssyncadd.remote.s32 @!p1 $0xFFFFFFFF  }
0x1d0: {  	s0 =	simm.s32 $0xA119  }
0x1d1: {  	v0 =	vld.msk [tilespmem:s0+$0x0], $0x1;
	_ =	sdelay $0x4  }
0x1d2: {  	(v2sf) =	vpush v0, $0x0;
	_ =	sdelay $0xd  }
0x1d3: {  	s3 =	sadd.s32 $0xFFFFFFFE, s6  }
0x1d4: {  	s4 =	sadd.s32 $0xFFFFFFFF, s3;
	s2 =	spop (v2sf)  }
0x1d5: {  	p2 =	sne.s32 s4, $0x0;
	p1 =	sgt.u32 s2, $0x7FFFF8  }
.Ltmp34:
0x1d6: {  	s5 =	sand.u32 @!p1 $0x7FFFF8, s2;
	(pc) =	sbr.rel @!p2 .LBB2_43-.Ltmp34, $4  }
0x1d7: {  	s0 =	simm.s32 $0xA178;
	s2 =	sand.u32 @!p1 $0x7, s2;
	s3 =	sadd.s32 @!p1 s1, s5  }
0x1d8: {  	[hbm4b:s3+s2] =	stream.linear.scatter @!p1 [tilespmem:s0], [sflag:$0x5], $0x40, $0x38;
	[tilespmem:$0x1EF88] =	vst v63  }
0x1d9: {  	s2 =	simm.s32 $0x0  }
0x1da: {  	s6 =	simm.s32 $0xA11A;
	s5 =	simm.s32 $0x0;
	s2 =	simm.s32 @!p1 $0x100  }
.LBB2_42:
0x1db: {  	v0 =	vld.msk [tilespmem:s6+$0x0], $0x1;
	s4 =	sadd.s32 $0xFFFFFFFF, s4;
	s5 =	sadd.s32 s5, s2  }
0x1dc: {  	p1 =	sne.s32 s4, $0x0;
	_ =	sdelay $0x3  }
0x1dd: {  	(v2sf) =	vpush v0, $0x0;
	_ =	sdelay $0xe  }
.Ltmp35:
0x1de: {  	s3 =	spop (v2sf);
	(pc) =	sbr.rel @p1 .LBB2_42-.Ltmp35, $4  }
0x1df: {  	s2 =	simm.s32 $0x0;
	p2 =	sgt.u32 s3, $0x7FFFF8  }
0x1e0: {  	s0 =	sadd.s32 $0x40, s0;
	s2 =	simm.s32 @!p2 $0x100;
	s7 =	sand.u32 @!p2 $0x7FFFF8, s3  }
0x1e1: {  	s6 =	sadd.s32 $0x1, s6;
	s3 =	sand.u32 @!p2 $0x7, s3;
	s7 =	sadd.s32 @!p2 s1, s7  }
0x1e2: {  	[hbm4b:s7+s3] =	stream.linear.scatter @!p2 [tilespmem:s0], [sflag:$0x5], $0x40, $0x38;
	[tilespmem:$0x1EF88] =	vst v63  }
.LBB2_43:
0x1e3: {  	s0 =	sadd.s32 s5, s2  }
0x1e4: {  	s0 =	sshrl.u32 s0, $0x2  }
.LBB2_44:
0x1e5: {  	s2 =	simm.s32 $0x5  }
0x1e6: {  	_ =	swait.ge [sflag:s2], s0  }
0x1e7: {  	s31 =	ssub.s32 $0x0, s0;
	[sflag:s2] =	ssyncset.done $0x0  }
0x1e8: {  	[sflag:s2] =	ssyncadd.s32 s31  }
0x1e9: {  	[sflag:s2] =	ssyncpa.u1 $0x1  }
.LBB2_45:
0x1ea: {  	s0 =	sor.u32 s14, s15  }
0x1eb: {  	p1 =	sne.s32 s0, $0x0  }
.Ltmp36:
0x1ec: {  	_ = 	snop;
	(pc) =	sbr.rel @p1 .LBB2_60-.Ltmp36, $3  }
0x1ed: {  	_ =	sdelay $0x1  }
0x1ee: {  	[bflag:$0x0] =	sbarrier.arrive $0xFFFF  }
0x1ef: {  	_ =	sfence  }
0x1f0: {  	s0 =	simm.s32 $0x7  }
0x1f1: {  	s2 =	simm.s32 $0x800;
	s3 =	simm.s32 $0xA118;
	[sflag:s0] =	ssyncpa.u1 $0x0  }
0x1f2: {  	[tilespmem:s3], [sflag:$0x7] =	stream.linear.gather [spmem:s2], $0x20, $0x38;
	[tilespmem:$0x1EF88] =	vst v63  }
0x1f3: {  	s30 =	simm.s32 $0xA138;
	s2 =	simm.s32 $0x0  }
0x1f4: {  	[tilespmem:s30], [sflag:$0x7] =	stream.linear.gather [spmem:s2], $0x800, $0x38;
	[tilespmem:$0x1EF88] =	vst v63  }
.Ltmp37:
0x1f5: {  	_ = 	snop;
	(pc) =	sbr.rel .LBB2_47-.Ltmp37, $4  }
0x1f6: {  	_ =	swait.ge [sflag:s0], $0x820  }
0x1f7: {  	[sflag:s0] =	ssyncset.done $0x0  }
0x1f8: {  	s31 =	simm.s32 $0x8;
	[sflag:s0] =	ssyncadd.s32 $0xFFFFF7E0  }
0x1f9: {  	s3 =	simm.s32 $0x0;
	[sflag:s31] =	ssyncpa.u1 $0x0  }
.LBB2_53:
0x1fa: {  	p1 =	slt.u32 s0, $0x7FFFF9  }
0x1fb: {  	s4 =	sand.u32 @p1 $0x7FFFF8, s0  }
0x1fc: {  	s0 =	sand.u32 @p1 $0x7, s0;
	s5 =	simm.s32 @p1 $0xA0C8;
	s4 =	sadd.s32 @p1 s1, s4  }
0x1fd: {  	[tilespmem:s5], [sflag:$0x8] =	stream.linear.gather @p1 [hbm4b:s4+s0], $0x40, $0x38;
	[tilespmem:$0x1EF88] =	vst v63  }
0x1fe: {  	s0 =	simm.s32 @p1 $0x8  }
0x1ff: {  	_ =	swait.ge @p1 [sflag:s0], $0x40  }
0x200: {  	[sflag:s0] =	ssyncset.done @p1 $0x0  }
0x201: {  	[sflag:s0] =	ssyncadd.s32 @p1 $0xFFFFFFC0  }
0x202: {  	v1 =	vld @p1 [tilespmem:$0xA0C8];
	_ =	sdelay $0x2  }
0x203: {  	s0 =	sshll.u32 @p1 s3, $0x8  }
0x204: {  	s4 =	sshrl.u32 @p1 s0, $0x2  }
0x205: {  	[tilespmem:s4+$0xA138] =	vst.add.f32.msk @p1 $0xffff, v1  }
0x206: {  	v1 =	vld @p1 [tilespmem:$0xA0D8];
	_ =	sdelay $0x4  }
0x207: {  	[tilespmem:s4+$0xA148] =	vst.add.f32.msk @p1 $0xffff, v1  }
0x208: {  	v1 =	vld @p1 [tilespmem:$0xA0E8];
	_ =	sdelay $0x4  }
0x209: {  	[tilespmem:s4+$0xA158] =	vst.add.f32.msk @p1 $0xffff, v1  }
0x20a: {  	v1 =	vld @p1 [tilespmem:$0xA0F8];
	_ =	sdelay $0x3  }
0x20b: {  	s5 =	sshll.u32 @!p1 s3, $0x8  }
0x20c: {  	s5 =	smov.u32 @p1 s0;
	[tilespmem:s4+$0xA168] =	vst.add.f32.msk @p1 $0xffff, v1  }
0x20d: {  	s0 =	sshrl.u32 s5, $0x2;
	[tilespmem:s2+$0xA118] =	vst.msk $0x1, v0  }
0x20e: {  	v0 =	vld [tilespmem:s0+$0xA138];
	_ =	sdelay $0x2  }
0x20f: {  	s31 =	sshll.u32 s2, $0x8  }
0x210: {  	s4 =	sshra.s32 s31, $0x2  }
0x211: {  	[tilespmem:s4+$0xA138] =	vst v0  }
0x212: {  	v0 =	vld [tilespmem:s0+$0xA148];
	_ =	sdelay $0x4  }
0x213: {  	[tilespmem:s4+$0xA148] =	vst v0  }
0x214: {  	v0 =	vld [tilespmem:s0+$0xA158];
	_ =	sdelay $0x4  }
0x215: {  	[tilespmem:s4+$0xA158] =	vst v0  }
0x216: {  	v0 =	vld [tilespmem:s0+$0xA168];
	_ =	sdelay $0x4  }
0x217: {  	s2 =	sadd.s32 $0x1, s2;
	[tilespmem:s4+$0xA168] =	vst v0  }
.LBB2_54:
0x218: {  	s3 =	sadd.s32 $0x1, s3  }
0x219: {  	p1 =	sne.s32 s3, $0x20  }
.Ltmp38:
0x21a: {  	_ = 	snop;
	(pc) =	sbr.rel @!p1 .LBB2_55-.Ltmp38, $1  }
0x21b: {  	_ =	sdelay $0x3  }
.LBB2_47:
0x21c: {  	v0 =	vld.msk [tilespmem:s3+$0xA118], $0x1;
	_ =	sdelay $0x4  }
0x21d: {  	(v2sf) =	vpush v0, $0x0;
	_ =	sdelay $0xe  }
0x21e: {  	s0 =	spop (v2sf)  }
0x21f: {  	p1 =	seq.s32 s0, $0xFFFFFFFF  }
.Ltmp39:
0x220: {  	_ = 	snop;
	(pc) =	sbr.rel @p1 .LBB2_54-.Ltmp39, $1  }
0x221: {  	_ =	sdelay $0x3  }
0x222: {  	p1 =	slt.s32 s2, $0x1  }
.Ltmp40:
0x223: {  	_ = 	snop;
	(pc) =	sbr.rel @p1 .LBB2_53-.Ltmp40, $1  }
0x224: {  	_ =	sdelay $0x3  }
0x225: {  	s4 =	simm.s32 $0xA118;
	p1 =	por $0x0, $0x0  }
0x226: {  	v1 =	vld.msk @!p1 [tilespmem:s4+$0x0], $0x1;
	_ =	sdelay $0x4  }
0x227: {  	(v2sf) =	vpush @!p1 v1, $0x0;
	_ =	sdelay $0xd  }
0x228: {  	p3 =	sne.s32 s2, $0x1  }
.Ltmp41:
0x229: {  	s5 =	spop @!p1 (v2sf);
	(pc) =	sbr.rel @!p3 .LBB2_51-.Ltmp41, $4  }
0x22a: {  	p2 =	seq.s32 @!p1 s0, s5  }
0x22b: {  	s5 =	simm.s32 $0x0;
	p2 =	por !p2, p1  }
0x22c: {  	s7 =	simm.s32 $0xFFFFFFFF;
	s5 =	simm.s32 @p2 $0xFFFFFFFF  }
0x22d: {  	s6 =	simm.s32 $0x1;
	s5 =	smov.u32 @p1 s7  }
.LBB2_50:
0x22e: {  	s7 =	smov.u32 s5;
	p1 =	sne.s32 s5, $0xFFFFFFFF  }
0x22f: {  	s4 =	sadd.s32 $0x1, s4;
	s5 =	smov.u32 s6;
	s6 =	sadd.s32 $0x1, s6  }
0x230: {  	p2 =	sne.s32 s2, s6;
	v1 =	vld.msk @!p1 [tilespmem:s4+$0x0], $0x1;
	_ =	sdelay $0x4  }
0x231: {  	(v2sf) =	vpush @!p1 v1, $0x0;
	_ =	sdelay $0xe  }
.Ltmp42:
0x232: {  	s8 =	spop @!p1 (v2sf);
	(pc) =	sbr.rel @p2 .LBB2_50-.Ltmp42, $4  }
0x233: {  	p3 =	seq.s32 @!p1 s0, s8  }
0x234: {  	p3 =	por !p3, p1  }
0x235: {  	s5 =	simm.s32 @p3 $0xFFFFFFFF  }
0x236: {  	s5 =	smov.u32 @p1 s7  }
.LBB2_51:
0x237: {  	p1 =	seq.s32 s5, $0xFFFFFFFF  }
.Ltmp43:
0x238: {  	_ = 	snop;
	(pc) =	sbr.rel @p1 .LBB2_53-.Ltmp43, $1  }
0x239: {  	_ =	sdelay $0x3  }
0x23a: {  	s0 =	sshll.u32 s3, $0x6  }
0x23b: {  	s0 =	sand.u32 $0x3FFFFFC0, s0  }
0x23c: {  	v0 =	vld [tilespmem:s0+$0xA138];
	_ =	sdelay $0x2  }
0x23d: {  	s4 =	sshll.u32 s5, $0x8  }
0x23e: {  	s4 =	sshra.s32 s4, $0x2  }
0x23f: {  	[tilespmem:s4+$0xA138] =	vst.add.f32.msk $0xffff, v0  }
0x240: {  	v0 =	vld [tilespmem:s0+$0xA148];
	_ =	sdelay $0x4  }
0x241: {  	[tilespmem:s4+$0xA148] =	vst.add.f32.msk $0xffff, v0  }
0x242: {  	v0 =	vld [tilespmem:s0+$0xA158];
	_ =	sdelay $0x4  }
0x243: {  	[tilespmem:s4+$0xA158] =	vst.add.f32.msk $0xffff, v0  }
0x244: {  	v0 =	vld [tilespmem:s0+$0xA168]  }
.Ltmp44:
0x245: {  	_ = 	snop;
	(pc) =	sbr.rel .LBB2_54-.Ltmp44, $2  }
0x246: {  	_ =	sdelay $0x2  }
0x247: {  	[tilespmem:s4+$0xA168] =	vst.add.f32.msk $0xffff, v0  }
.LBB2_55:
0x248: {  	p1 =	slt.s32 s2, $0x1  }
.Ltmp45:
0x249: {  	_ = 	snop;
	(pc) =	sbr.rel @p1 .LBB2_59-.Ltmp45, $3  }
0x24a: {  	_ =	sdelay $0x1  }
0x24b: {  	s0 =	simm.s32 $0x8  }
0x24c: {  	[sflag:s0] =	ssyncpa.u1 $0x1;
	s0 =	simm.s32 $0x0  }
0x24d: {  	s3 =	simm.s32 $0xA118  }
0x24e: {  	v0 =	vld.msk [tilespmem:s3+$0x0], $0x1;
	_ =	sdelay $0x4  }
0x24f: {  	(v2sf) =	vpush v0, $0x0;
	_ =	sdelay $0xe  }
0x250: {  	s2 =	sadd.s32 $0xFFFFFFFF, s2;
	s4 =	spop (v2sf)  }
0x251: {  	p2 =	sne.s32 s2, $0x0;
	p1 =	sgt.u32 s4, $0x7FFFF8  }
.Ltmp46:
0x252: {  	s5 =	sand.u32 @!p1 $0x7FFFF8, s4;
	(pc) =	sbr.rel @!p2 .LBB2_58-.Ltmp46, $4  }
0x253: {  	s3 =	simm.s32 $0xA138;
	s4 =	sand.u32 @!p1 $0x7, s4;
	s5 =	sadd.s32 @!p1 s1, s5  }
0x254: {  	[hbm4b:s5+s4] =	stream.linear.scatter @!p1 [tilespmem:s3], [sflag:$0x7], $0x40, $0x38;
	[tilespmem:$0x1EF88] =	vst v63  }
0x255: {  	s5 =	simm.s32 $0x0  }
0x256: {  	s4 =	simm.s32 $0xA119;
	s5 =	simm.s32 @!p1 $0x100  }
.LBB2_57:
0x257: {  	v0 =	vld.msk [tilespmem:s4+$0x0], $0x1;
	s2 =	sadd.s32 $0xFFFFFFFF, s2;
	s0 =	sadd.s32 s0, s5  }
0x258: {  	p1 =	sne.s32 s2, $0x0;
	_ =	sdelay $0x3  }
0x259: {  	(v2sf) =	vpush v0, $0x0;
	_ =	sdelay $0xe  }
.Ltmp47:
0x25a: {  	s6 =	spop (v2sf);
	(pc) =	sbr.rel @p1 .LBB2_57-.Ltmp47, $4  }
0x25b: {  	s5 =	simm.s32 $0x0;
	p2 =	sgt.u32 s6, $0x7FFFF8  }
0x25c: {  	s3 =	sadd.s32 $0x40, s3;
	s5 =	simm.s32 @!p2 $0x100;
	s7 =	sand.u32 @!p2 $0x7FFFF8, s6  }
0x25d: {  	s4 =	sadd.s32 $0x1, s4;
	s6 =	sand.u32 @!p2 $0x7, s6;
	s7 =	sadd.s32 @!p2 s1, s7  }
0x25e: {  	[hbm4b:s7+s6] =	stream.linear.scatter @!p2 [tilespmem:s3], [sflag:$0x7], $0x40, $0x38;
	[tilespmem:$0x1EF88] =	vst v63  }
.LBB2_58:
0x25f: {  	s0 =	sadd.s32 s0, s5  }
0x260: {  	s0 =	sshrl.u32 s0, $0x2  }
.LBB2_59:
0x261: {  	s1 =	simm.s32 $0x7  }
0x262: {  	_ =	swait.ge [sflag:s1], s0  }
0x263: {  	s31 =	ssub.s32 $0x0, s0;
	[sflag:s1] =	ssyncset.done $0x0  }
0x264: {  	[sflag:s1] =	ssyncadd.s32 s31  }
0x265: {  	[sflag:s1] =	ssyncpa.u1 $0x1  }
.LBB2_60:
0x266: {  	_ =	sfence;
	s0 =	simm.s32 $0x1  }
0x267: {  	[sflag:s0] =	ssyncpa.u1 $0x1  }
0x268: {  	_ =	strace $0x90000050  }
0x269: {  	[bflag:$0x2] =	sbarrier.arrive $0xFFFF  }
0x26a: {  	s0 =	rddreg [dreg:$0x4]  }
0x26b: {  	s0 =	sadd.s32 @!p0 $0x100000, s0  }
0x26c: {  	[sflag:s0] =	ssyncadd.tile.s32 @!p0 $0x1;
	_ =	shalt  }
.Lfunc_end2:
_tile_overlayer_lowered:
.L_overlay_start_2:
0x26d: {  	(tag) =	ssettag $0x2  }
0x26e: {  	s0 =	rddreg [dreg:$0x0];
	s2 =	stileid.u32  }
0x26f: {  	s1 =	rddreg [dreg:$0x1];
	p0 =	sne.s32 s2, $0x0  }
0x270: {  	s3 =	rddreg [dreg:$0x2];
	[bflag:$0x3] =	sbarrier.arrive $0xFFFF;
	s2 =	simm.s32 @!p0 $0x1C01  }
0x271: {  	[timem:s3], [sflag:s2] =	dma.local @!p0 [hbm:s0], s1  }
0x272: {  	s0 =	simm.s32 @!p0 $0x1  }
0x273: {  	_ =	swait.ge @!p0 [sflag:s0], s1  }
0x274: {  	s1 =	ssub.s32 @!p0 $0x0, s1;
	[sflag:s0] =	ssyncset.done @!p0 $0x0  }
0x275: {  	[sflag:s0] =	ssyncadd.s32 @!p0 s1  }
0x276: {  	[bflag:$0x3] =	sbarrier.arrive $0xFFFF  }
0x277: {  	_ =	shalt  }

// kernel: scatter_offload_async_start
scs
__scs_entry_jumppad:
0x0: {  	(pc) =	sbr.rel $0x88, $3  }
0x1: {  	(tag) =	ssettag $0x0;
	lr =	simm.s32 $0x1  }
0x2: {  	[smem:$0x3F9B] =	sst lr;
	_ =	strace $0xD0000000  }
0x3: {  	_ = 	snop  }
0x4: {  	_ = 	snop  }
0x5: {  	_ = 	snop  }
0x6: {  	_ = 	snop  }
0x7: {  	_ = 	snop  }
__scs_overlays_trampoline_lowered:
0x8: {  	[smem:$0x3FAA] =	sst s0  }
0x9: {  	[smem:$0x3FAB] =	sst s1  }
0xa: {  	[smem:$0x3FAC] =	sst s2  }
0xb: {  	[smem:$0x3FAD] =	sst s3  }
0xc: {  	[smem:$0x3FAE] =	sst s4  }
0xd: {  	[smem:$0x3FAF] =	sst s5  }
0xe: {  	[smem:$0x3FB0] =	sst s6  }
0xf: {  	[smem:$0x3FB1] =	sst s7  }
0x10: {  	[smem:$0x3FB2] =	sst s8  }
0x11: {  	[smem:$0x3FB3] =	sst s9;
	s0 =	simm.s32 @!p0 $0x0  }
0x12: {  	s1 =	sld [smem:$0x3F99];
	s0 =	simm.s32 @p0 $0x1  }
0x13: {  	[smem:$0x3FB4] =	sst s0;
	s0 =	simm.s32 @!p1 $0x0  }
0x14: {  	s2 =	sld [smem:$0x3F98];
	s0 =	simm.s32 @p1 $0x1  }
0x15: {  	[smem:$0x3FB5] =	sst s0;
	s0 =	simm.s32 @!p2 $0x0  }
0x16: {  	s3 =	sld [smem:$0x3FDB];
	s0 =	simm.s32 @p2 $0x1  }
0x17: {  	s4 =	simm.s32 $0x1BF5;
	[smem:$0x3FB7] =	sst s0  }
0x18: {  	s0 =	sld [smem:$0x3F9A];
	_ =	swait.ge [sflag:s4], $0x0  }
0x19: {  	s7 =	sld [smem:$0x3F9B]  }
0x1a: {  	s8 =	sadd.s32 $0xFFFFE003, lr  }
0x1b: {  	s9 =	sadd.s32 $0xFFFFFEF7, lr;
	s5 =	simm.s32 $0xFFFFFFFF;
	p2 =	slt.u32 s8, $0xFFFFF086  }
0x1c: {  	p1 =	slt.u32 s9, $0xF7A;
	s5 =	simm.s32 @!p2 $0x0  }
0x1d: {  	s5 =	simm.s32 @p1 $0x1;
	p0 =	seq.s32 s7, s2  }
0x1e: {  	s7 =	smul.u32 @!p0 $0xF7A, s2;
	p2 =	seq.s32 @!p0 s5, $0x0  }
0x1f: {  	s9 =	smul.u32 $0xF7A, s1;
	s8 =	simm.s32 @!p0 $0x1BF5;
	p2 =	por !p2, p0  }
0x20: {  	[sflag:s8] =	ssyncset.s32 @!p0 $0xFFFFF086;
	s6 =	sadd.s32 @!p0 s3, s7;
	s7 =	simm.s32 @!p0 $0x108  }
0x21: {  	s3 =	sadd.s32 s3, s9;
	s6 =	sadd.s32 @!p0 $0x88, s6;
	s7 =	simm.s32 @p2 $0x1082  }
0x22: {  	[simem:s7], [sflag:s8] =	dma.local @!p0 [hbm:s6], $0xF7A  }
0x23: {  	s9 =	sor.u32 $0xD0000000, s2;
	s6 =	simm.s32 $0x108;
	_ =	swait.ge @!p0 [sflag:s8], $0x0  }
0x24: {  	s3 =	sadd.s32 $0x88, s3;
	s6 =	simm.s32 @!p1 $0x1082;
	[sflag:s4] =	ssyncset.s32 $0xFFFFF086  }
0x25: {  	[simem:s6], [sflag:s4] =	dma.local [hbm:s3], $0xF7A  }
0x26: {  	[smem:$0x3F9B] =	sst s1;
	(tag) =	ssettag s2;
	_ =	strace s9  }
0x27: {  	s1 =	sld [smem:$0x3FAB]  }
0x28: {  	s2 =	sld [smem:$0x3FAC]  }
0x29: {  	s4 =	sld [smem:$0x3FAE]  }
0x2a: {  	p0 =	seq.s32 s5, $0x0;
	s5 =	sld [smem:$0x3FAF]  }
0x2b: {  	s6 =	sld [smem:$0x3FB0]  }
0x2c: {  	s7 =	sld [smem:$0x3FB1]  }
0x2d: {  	s3 =	simm.s32 $0x108;
	s8 =	sld [smem:$0x3FB2]  }
0x2e: {  	s3 =	simm.s32 @!p0 $0x1082;
	s9 =	sld [smem:$0x3FB3]  }
0x2f: {  	lr =	sadd.s32 s0, s3;
	s0 =	sld [smem:$0x3FAA]  }
0x30: {  	s3 =	sld [smem:$0x3FAD]  }
0x31: {  	[smem:$0x3FB6] =	sst s10  }
0x32: {  	s10 =	sld [smem:$0x3FB4];
	_ =	sdelay $0x3  }
0x33: {  	p0 =	seq.s32 s10, $0x1;
	s10 =	sld [smem:$0x3FB6];
	_ =	sdelay $0x3  }
0x34: {  	[smem:$0x3FB6] =	sst s10  }
0x35: {  	s10 =	sld [smem:$0x3FB5];
	_ =	sdelay $0x3  }
0x36: {  	p1 =	seq.s32 s10, $0x1;
	s10 =	sld [smem:$0x3FB6];
	_ =	sdelay $0x3  }
0x37: {  	[smem:$0x3FB6] =	sst s10  }
0x38: {  	s10 =	sld [smem:$0x3FB7]  }
0x39: {  	_ = 	snop;
	(pc) =	sbr.ind lr, $3  }
0x3a: {  	_ = 	snop  }
0x3b: {  	_ = 	snop  }
0x3c: {  	p2 =	seq.s32 s10, $0x1;
	s10 =	sld [smem:$0x3FB6]  }
0x3d: {  	_ =	shalt  }
0x3e: {  	_ =	shalt  }
0x3f: {  	_ =	shalt  }
0x40: {  	_ =	shalt  }
0x41: {  	_ =	shalt  }
0x42: {  	_ =	shalt  }
0x43: {  	_ =	shalt  }
0x44: {  	_ =	shalt  }
0x45: {  	_ =	shalt  }
0x46: {  	_ =	shalt  }
0x47: {  	_ =	shalt  }
0x48: {  	_ =	shalt  }
0x49: {  	_ =	shalt  }
0x4a: {  	_ =	shalt  }
0x4b: {  	_ =	shalt  }
0x4c: {  	_ =	shalt  }
0x4d: {  	_ =	shalt  }
0x4e: {  	_ =	shalt  }
0x4f: {  	_ =	shalt  }
0x50: {  	_ =	shalt  }
0x51: {  	_ =	shalt  }
0x52: {  	_ =	shalt  }
0x53: {  	_ =	shalt  }
0x54: {  	_ =	shalt  }
0x55: {  	_ =	shalt  }
0x56: {  	_ =	shalt  }
0x57: {  	_ =	shalt  }
0x58: {  	_ =	shalt  }
0x59: {  	_ =	shalt  }
0x5a: {  	_ =	shalt  }
0x5b: {  	_ =	shalt  }
0x5c: {  	_ =	shalt  }
0x5d: {  	_ =	shalt  }
0x5e: {  	_ =	shalt  }
0x5f: {  	_ =	shalt  }
0x60: {  	_ =	shalt  }
0x61: {  	_ =	shalt  }
0x62: {  	_ =	shalt  }
0x63: {  	_ =	shalt  }
0x64: {  	_ =	shalt  }
0x65: {  	_ =	shalt  }
0x66: {  	_ =	shalt  }
0x67: {  	_ =	shalt  }
0x68: {  	_ =	shalt  }
0x69: {  	_ =	shalt  }
0x6a: {  	_ =	shalt  }
0x6b: {  	_ =	shalt  }
0x6c: {  	_ =	shalt  }
0x6d: {  	_ =	shalt  }
0x6e: {  	_ =	shalt  }
0x6f: {  	_ =	shalt  }
0x70: {  	_ =	shalt  }
0x71: {  	_ =	shalt  }
0x72: {  	_ =	shalt  }
0x73: {  	_ =	shalt  }
0x74: {  	_ =	shalt  }
0x75: {  	_ =	shalt  }
0x76: {  	_ =	shalt  }
0x77: {  	_ =	shalt  }
0x78: {  	_ =	shalt  }
0x79: {  	_ =	shalt  }
0x7a: {  	_ =	shalt  }
0x7b: {  	_ =	shalt  }
0x7c: {  	_ =	shalt  }
0x7d: {  	_ =	shalt  }
0x7e: {  	_ =	shalt  }
0x7f: {  	_ =	shalt  }
0x80: {  	_ =	shalt  }
0x81: {  	_ =	shalt  }
0x82: {  	_ =	shalt  }
0x83: {  	_ =	shalt  }
0x84: {  	_ =	shalt  }
0x85: {  	_ =	shalt  }
0x86: {  	_ =	shalt  }
0x87: {  	_ =	shalt  }
.Lfunc_end0:
.L_simem_size_0:
called_computation_lowered:
.L_overlay_start_0:
0x88: {  	s2 =	sld [smem:$0x3FD9]  }
0x89: {  	s3 =	sld [smem:$0x3FFE];
	_ =	sdelay $0x1  }
0x8a: {  	s1 =	srdreg.scid  }
0x8b: {  	s0 =	sand.u32 $0x1, s1  }
0x8c: {  	s15 =	sshll.u32 s0, $0xA;
	s2 =	sadd.s32 s3, s2  }
0x8d: {  	s2 =	sadd.s32 s2, s15  }
0x8e: {  	[smem:$0x3FC2] =	sst s2  }
0x8f: {  	_ = 	snop  }
0x90: {  	(tm) =	ssettm $0x1  }
0x91: {  	s16 =	sld [smem:$0x3FFB];
	_ =	sdelay $0x3  }
0x92: {  	_ =	strace s16  }
0x93: {  	s2 =	sld [smem:$0x3FFC];
	_ =	sdelay $0x3  }
0x94: {  	_ =	strace s2  }
0x95: {  	s2 =	sld [smem:$0x3FFD];
	_ =	sdelay $0x3  }
0x96: {  	_ =	strace s2  }
0x97: {  	_ =	strace $0x8FFFFFFF  }
0x98: {  	s17 =	sld [smem:$0x3FDB];
	_ =	sdelay $0x1  }
0x99: {  	s18 =	simm.s32 $_scs_section_size  }
0x9a: {  	s4 =	simm.s32 $_size__tile_overlayer_lowered;
	s5 =	simm.s32 $_tile_overlayer_lowered  }
0x9b: {  	s21 =	simm.s32 $0x1BFF;
	s20 =	sshll.u32 s5, $0x1;
	s2 =	sadd.s32 s18, s17  }
0x9c: {  	s6 =	simm.s32 $0x0;
	s19 =	sshll.u32 s4, $0x1;
	s4 =	sadd.s32 s20, s2  }
0x9d: {  	[timem:s6], [sflag:s21] =	dma.local [hbm:s4], s19  }
0x9e: {  	_ =	swait.ge [sflag:s21], s19  }
0x9f: {  	s3 =	ssub.s32 $0x0, s19;
	[sflag:s21] =	ssyncset.done $0x0  }
0xa0: {  	[sflag:s21] =	ssyncadd.s32 s3;
	_ =	sdelay $0x1  }
0xa1: {  	s22 =	simm.s32 $0x1B8B  }
0xa2: {  	_ =	swait.ge [sflag:s22], $0x1  }
0xa3: {  	[sflag:s22] =	ssyncset.done $0x0  }
0xa4: {  	s23 =	sld [smem:$0x3FFE];
	[sflag:s22] =	ssyncadd.s32 $0xFFFFFFFF  }
0xa5: {  	s25 =	simm.s32 $0x1B8E;
	s24 =	sld [smem:$0x0]  }
0xa6: {  	s26 =	simm.s32 $execute0_lowered;
	[smem:$0x3FD2] =	sst s25  }
0xa7: {  	s5 =	sshll.u32 s26, $0x1;
	_ =	strace $0x80000046;
	[dreg:$0x1] =	wrdreg $0xFFFFFFFF  }
0xa8: {  	s28 =	simm.s32 $_size_execute0_lowered;
	s2 =	sadd.s32 s2, s5;
	[dreg:$0x0] =	wrdreg $0x0  }
0xa9: {  	s5 =	sshll.u32 s28, $0x1;
	[dreg:$0x2] =	wrdreg s2  }
0xaa: {  	[dreg:$0x3] =	wrdreg s5  }
0xab: {  	[dreg:$0x4] =	wrdreg $0xC0  }
0xac: {  	_ =	task [dreg:s6], $0x5FFFF  }
0xad: {  	[dreg:$0x1] =	wrdreg $0xFFFFFFFF  }
0xae: {  	[dreg:$0x0] =	wrdreg $0x60  }
0xaf: {  	[dreg:$0x2] =	wrdreg s23  }
0xb0: {  	[dreg:$0x3] =	wrdreg s1  }
0xb1: {  	[dreg:$0x4] =	wrdreg s24  }
0xb2: {  	[dreg:$0x5] =	wrdreg $0x9  }
0xb3: {  	_ =	task.clear_ibuf [dreg:s6], $0x6FFFF;
	_ =	strace $0x90000046  }
0xb4: {  	s29 =	simm.s32 $0x9;
	_ =	strace $0x80000048  }
0xb5: {  	_ =	swait.ge [sflag:s29], $0x1  }
0xb6: {  	[sflag:s29] =	ssyncadd.s32 $0xFFFFFFFF  }
0xb7: {  	_ =	strace $0x90000048  }
0xb8: {  	_ =	sfence  }
0xb9: {  	s30 =	sld [smem:$0x0];
	_ =	sdelay $0x2  }
0xba: {  	s31 =	sshll.u32 s1, $0xD;
	s1 =	sshrl.u32 s1, $0x2  }
0xbb: {  	s3 =	sand.u32 $0x4000, s31;
	s1 =	sadd.s32 s1, s30  }
0xbc: {  	s0 =	sor.u32 s3, s0;
	s1 =	sshll.u32 s1, $0x11  }
0xbd: {  	s0 =	sor.u32 s1, s0  }
0xbe: {  	s0 =	sadd.s32 $0x8F2B, s0  }
0xbf: {  	[sflag:s0] =	ssyncadd.remote.s32 $0x1  }
0xc0: {  	_ =	sfence.sel $0xFFFF  }
0xc1: {  	[dreg:$0x0] =	wrdreg $0xFFFFFFFF;
	(pc) =	sbr.abs _section_cstart, $3  }
0xc2: {  	[dreg:$0x1] =	wrdreg $0xFFFFFFFF  }
0xc3: {  	_ =	task.clear_ibuf [dreg:s6], $0x2FFFF;
	_ =	strace $0x9FFFFFFF  }
0xc4: {  	(tm) =	ssettm $0x7FFFFFFF  }
0xc5: {  	_ =	shalt  }
tec
execute0_lowered:
.L_overlay_start_1:
0x0: {  	(tag) =	ssettag $0x1  }
0x1: {  	s11 =	rddreg [dreg:$0x0]  }
0x2: {  	s2 =	rddreg [dreg:$0x1];
	_ =	strace $0x80000047;
	s12 =	simm.s32 $0x1  }
0x3: {  	v0 =	vimm.s32 $0x0;
	[sflag:s12] =	ssyncpa.u1 $0x0  }
0x4: {  	[tilespmem:$0x28] =	vst v0  }
0x5: {  	[tilespmem:$0x38] =	vst v0  }
0x6: {  	[tilespmem:$0x48] =	vst v0  }
0x7: {  	[tilespmem:$0x58] =	vst v0  }
0x8: {  	[tilespmem:$0x68] =	vst v0  }
0x9: {  	[tilespmem:$0x78] =	vst v0  }
0xa: {  	[tilespmem:$0x88] =	vst v0  }
0xb: {  	[tilespmem:$0x98] =	vst v0  }
0xc: {  	[tilespmem:$0xA8] =	vst v0  }
0xd: {  	[tilespmem:$0xB8] =	vst v0  }
0xe: {  	[tilespmem:$0xC8] =	vst v0  }
0xf: {  	[tilespmem:$0xD8] =	vst v0  }
0x10: {  	[tilespmem:$0xE8] =	vst v0  }
0x11: {  	[tilespmem:$0xF8] =	vst v0  }
0x12: {  	[tilespmem:$0x108] =	vst v0  }
0x13: {  	[tilespmem:$0x118] =	vst v0  }
0x14: {  	[tilespmem:$0x128] =	vst v0  }
0x15: {  	[tilespmem:$0x138] =	vst v0  }
0x16: {  	[tilespmem:$0x148] =	vst v0  }
0x17: {  	[tilespmem:$0x158] =	vst v0  }
0x18: {  	[tilespmem:$0x168] =	vst v0  }
0x19: {  	[tilespmem:$0x178] =	vst v0  }
0x1a: {  	[tilespmem:$0x188] =	vst v0  }
0x1b: {  	[tilespmem:$0x198] =	vst v0  }
0x1c: {  	[tilespmem:$0x1A8] =	vst v0  }
0x1d: {  	[tilespmem:$0x1B8] =	vst v0  }
0x1e: {  	[tilespmem:$0x1C8] =	vst v0  }
0x1f: {  	[tilespmem:$0x1D8] =	vst v0  }
0x20: {  	[tilespmem:$0x1E8] =	vst v0  }
0x21: {  	[tilespmem:$0x1F8] =	vst v0  }
0x22: {  	[tilespmem:$0x208] =	vst v0  }
0x23: {  	[tilespmem:$0x218] =	vst v0  }
0x24: {  	[tilespmem:$0x228] =	vst v0  }
0x25: {  	[tilespmem:$0x238] =	vst v0  }
0x26: {  	[tilespmem:$0x248] =	vst v0  }
0x27: {  	[tilespmem:$0x258] =	vst v0  }
0x28: {  	[tilespmem:$0x268] =	vst v0  }
0x29: {  	[tilespmem:$0x278] =	vst v0  }
0x2a: {  	[tilespmem:$0x288] =	vst v0  }
0x2b: {  	[tilespmem:$0x298] =	vst v0  }
0x2c: {  	[tilespmem:$0x2A8] =	vst v0  }
0x2d: {  	[tilespmem:$0x2B8] =	vst v0  }
0x2e: {  	[tilespmem:$0x2C8] =	vst v0  }
0x2f: {  	[tilespmem:$0x2D8] =	vst v0  }
0x30: {  	[tilespmem:$0x2E8] =	vst v0  }
0x31: {  	[tilespmem:$0x2F8] =	vst v0  }
0x32: {  	[tilespmem:$0x308] =	vst v0  }
0x33: {  	[tilespmem:$0x318] =	vst v0  }
0x34: {  	[tilespmem:$0x328] =	vst v0  }
0x35: {  	[tilespmem:$0x338] =	vst v0  }
0x36: {  	[tilespmem:$0x348] =	vst v0  }
0x37: {  	[tilespmem:$0x358] =	vst v0  }
0x38: {  	[tilespmem:$0x368] =	vst v0  }
0x39: {  	[tilespmem:$0x378] =	vst v0  }
0x3a: {  	[tilespmem:$0x388] =	vst v0  }
0x3b: {  	[tilespmem:$0x398] =	vst v0  }
0x3c: {  	[tilespmem:$0x3A8] =	vst v0  }
0x3d: {  	[tilespmem:$0x3B8] =	vst v0  }
0x3e: {  	[tilespmem:$0x3C8] =	vst v0  }
0x3f: {  	[tilespmem:$0x3D8] =	vst v0  }
0x40: {  	[tilespmem:$0x3E8] =	vst v0  }
0x41: {  	[tilespmem:$0x3F8] =	vst v0  }
0x42: {  	[tilespmem:$0x408] =	vst v0  }
0x43: {  	[tilespmem:$0x418] =	vst v0  }
0x44: {  	[tilespmem:$0x428] =	vst v0  }
0x45: {  	[tilespmem:$0x438] =	vst v0  }
0x46: {  	[tilespmem:$0x448] =	vst v0  }
0x47: {  	[tilespmem:$0x458] =	vst v0  }
0x48: {  	[tilespmem:$0x468] =	vst v0  }
0x49: {  	[tilespmem:$0x478] =	vst v0  }
0x4a: {  	[tilespmem:$0x488] =	vst v0  }
0x4b: {  	[tilespmem:$0x498] =	vst v0  }
0x4c: {  	[tilespmem:$0x4A8] =	vst v0  }
0x4d: {  	[tilespmem:$0x4B8] =	vst v0  }
0x4e: {  	[tilespmem:$0x4C8] =	vst v0  }
0x4f: {  	[tilespmem:$0x4D8] =	vst v0  }
0x50: {  	[tilespmem:$0x4E8] =	vst v0  }
0x51: {  	[tilespmem:$0x4F8] =	vst v0  }
0x52: {  	[tilespmem:$0x508] =	vst v0  }
0x53: {  	[tilespmem:$0x518] =	vst v0  }
0x54: {  	[tilespmem:$0x528] =	vst v0  }
0x55: {  	[tilespmem:$0x538] =	vst v0  }
0x56: {  	[tilespmem:$0x548] =	vst v0  }
0x57: {  	[tilespmem:$0x558] =	vst v0  }
0x58: {  	[tilespmem:$0x568] =	vst v0  }
0x59: {  	[tilespmem:$0x578] =	vst v0  }
0x5a: {  	[tilespmem:$0x588] =	vst v0  }
0x5b: {  	[tilespmem:$0x598] =	vst v0  }
0x5c: {  	[tilespmem:$0x5A8] =	vst v0  }
0x5d: {  	[tilespmem:$0x5B8] =	vst v0  }
0x5e: {  	[tilespmem:$0x5C8] =	vst v0  }
0x5f: {  	[tilespmem:$0x5D8] =	vst v0  }
0x60: {  	[tilespmem:$0x5E8] =	vst v0  }
0x61: {  	[tilespmem:$0x5F8] =	vst v0  }
0x62: {  	[tilespmem:$0x608] =	vst v0  }
0x63: {  	[tilespmem:$0x618] =	vst v0  }
0x64: {  	[tilespmem:$0x628] =	vst v0  }
0x65: {  	[tilespmem:$0x638] =	vst v0  }
0x66: {  	[tilespmem:$0x648] =	vst v0  }
0x67: {  	[tilespmem:$0x658] =	vst v0  }
0x68: {  	[tilespmem:$0x668] =	vst v0  }
0x69: {  	[tilespmem:$0x678] =	vst v0  }
0x6a: {  	[tilespmem:$0x688] =	vst v0  }
0x6b: {  	[tilespmem:$0x698] =	vst v0  }
0x6c: {  	[tilespmem:$0x6A8] =	vst v0  }
0x6d: {  	[tilespmem:$0x6B8] =	vst v0  }
0x6e: {  	[tilespmem:$0x6C8] =	vst v0  }
0x6f: {  	[tilespmem:$0x6D8] =	vst v0  }
0x70: {  	[tilespmem:$0x6E8] =	vst v0  }
0x71: {  	[tilespmem:$0x6F8] =	vst v0  }
0x72: {  	[tilespmem:$0x708] =	vst v0  }
0x73: {  	[tilespmem:$0x718] =	vst v0  }
0x74: {  	[tilespmem:$0x728] =	vst v0  }
0x75: {  	[tilespmem:$0x738] =	vst v0  }
0x76: {  	[tilespmem:$0x748] =	vst v0  }
0x77: {  	[tilespmem:$0x758] =	vst v0  }
0x78: {  	[tilespmem:$0x768] =	vst v0  }
0x79: {  	[tilespmem:$0x778] =	vst v0  }
0x7a: {  	[tilespmem:$0x788] =	vst v0  }
0x7b: {  	[tilespmem:$0x798] =	vst v0  }
0x7c: {  	[tilespmem:$0x7A8] =	vst v0  }
0x7d: {  	[tilespmem:$0x7B8] =	vst v0  }
0x7e: {  	[tilespmem:$0x7C8] =	vst v0  }
0x7f: {  	[tilespmem:$0x7D8] =	vst v0  }
0x80: {  	[tilespmem:$0x7E8] =	vst v0  }
0x81: {  	[tilespmem:$0x7F8] =	vst v0  }
0x82: {  	[tilespmem:$0x808] =	vst v0  }
0x83: {  	[tilespmem:$0x818] =	vst v0  }
0x84: {  	[tilespmem:$0x828] =	vst v0  }
0x85: {  	[tilespmem:$0x838] =	vst v0  }
0x86: {  	[tilespmem:$0x848] =	vst v0  }
0x87: {  	[tilespmem:$0x858] =	vst v0  }
0x88: {  	[tilespmem:$0x868] =	vst v0  }
0x89: {  	[tilespmem:$0x878] =	vst v0  }
0x8a: {  	[tilespmem:$0x888] =	vst v0  }
0x8b: {  	[tilespmem:$0x898] =	vst v0  }
0x8c: {  	[tilespmem:$0x8A8] =	vst v0  }
0x8d: {  	[tilespmem:$0x8B8] =	vst v0  }
0x8e: {  	[tilespmem:$0x8C8] =	vst v0  }
0x8f: {  	[tilespmem:$0x8D8] =	vst v0  }
0x90: {  	[tilespmem:$0x8E8] =	vst v0  }
0x91: {  	[tilespmem:$0x8F8] =	vst v0  }
0x92: {  	[tilespmem:$0x908] =	vst v0  }
0x93: {  	[tilespmem:$0x918] =	vst v0  }
0x94: {  	[tilespmem:$0x928] =	vst v0  }
0x95: {  	[tilespmem:$0x938] =	vst v0  }
0x96: {  	[tilespmem:$0x948] =	vst v0  }
0x97: {  	[tilespmem:$0x958] =	vst v0  }
0x98: {  	[tilespmem:$0x968] =	vst v0  }
0x99: {  	[tilespmem:$0x978] =	vst v0  }
0x9a: {  	[tilespmem:$0x988] =	vst v0  }
0x9b: {  	[tilespmem:$0x998] =	vst v0  }
0x9c: {  	[tilespmem:$0x9A8] =	vst v0  }
0x9d: {  	[tilespmem:$0x9B8] =	vst v0  }
0x9e: {  	[tilespmem:$0x9C8] =	vst v0  }
0x9f: {  	[tilespmem:$0x9D8] =	vst v0  }
0xa0: {  	[tilespmem:$0x9E8] =	vst v0  }
0xa1: {  	[tilespmem:$0x9F8] =	vst v0  }
0xa2: {  	[tilespmem:$0xA08] =	vst v0  }
0xa3: {  	[tilespmem:$0xA18] =	vst v0  }
0xa4: {  	[tilespmem:$0xA28] =	vst v0  }
0xa5: {  	[tilespmem:$0xA38] =	vst v0  }
0xa6: {  	[tilespmem:$0xA48] =	vst v0  }
0xa7: {  	[tilespmem:$0xA58] =	vst v0  }
0xa8: {  	[tilespmem:$0xA68] =	vst v0  }
0xa9: {  	[tilespmem:$0xA78] =	vst v0  }
0xaa: {  	[tilespmem:$0xA88] =	vst v0  }
0xab: {  	[tilespmem:$0xA98] =	vst v0  }
0xac: {  	[tilespmem:$0xAA8] =	vst v0  }
0xad: {  	[tilespmem:$0xAB8] =	vst v0  }
0xae: {  	[tilespmem:$0xAC8] =	vst v0  }
0xaf: {  	[tilespmem:$0xAD8] =	vst v0  }
0xb0: {  	[tilespmem:$0xAE8] =	vst v0  }
0xb1: {  	[tilespmem:$0xAF8] =	vst v0  }
0xb2: {  	[tilespmem:$0xB08] =	vst v0  }
0xb3: {  	[tilespmem:$0xB18] =	vst v0  }
0xb4: {  	[tilespmem:$0xB28] =	vst v0  }
0xb5: {  	[tilespmem:$0xB38] =	vst v0  }
0xb6: {  	[tilespmem:$0xB48] =	vst v0  }
0xb7: {  	[tilespmem:$0xB58] =	vst v0  }
0xb8: {  	[tilespmem:$0xB68] =	vst v0  }
0xb9: {  	[tilespmem:$0xB78] =	vst v0  }
0xba: {  	[tilespmem:$0xB88] =	vst v0  }
0xbb: {  	[tilespmem:$0xB98] =	vst v0  }
0xbc: {  	[tilespmem:$0xBA8] =	vst v0  }
0xbd: {  	[tilespmem:$0xBB8] =	vst v0  }
0xbe: {  	[tilespmem:$0xBC8] =	vst v0  }
0xbf: {  	[tilespmem:$0xBD8] =	vst v0  }
0xc0: {  	[tilespmem:$0xBE8] =	vst v0  }
0xc1: {  	[tilespmem:$0xBF8] =	vst v0  }
0xc2: {  	[tilespmem:$0xC08] =	vst v0  }
0xc3: {  	[tilespmem:$0xC18] =	vst v0  }
0xc4: {  	[tilespmem:$0xC28] =	vst v0  }
0xc5: {  	[tilespmem:$0xC38] =	vst v0  }
0xc6: {  	[tilespmem:$0xC48] =	vst v0  }
0xc7: {  	[tilespmem:$0xC58] =	vst v0  }
0xc8: {  	[tilespmem:$0xC68] =	vst v0  }
0xc9: {  	[tilespmem:$0xC78] =	vst v0  }
0xca: {  	[tilespmem:$0xC88] =	vst v0  }
0xcb: {  	[tilespmem:$0xC98] =	vst v0  }
0xcc: {  	[tilespmem:$0xCA8] =	vst v0  }
0xcd: {  	[tilespmem:$0xCB8] =	vst v0  }
0xce: {  	[tilespmem:$0xCC8] =	vst v0  }
0xcf: {  	[tilespmem:$0xCD8] =	vst v0  }
0xd0: {  	[tilespmem:$0xCE8] =	vst v0  }
0xd1: {  	[tilespmem:$0xCF8] =	vst v0  }
0xd2: {  	[tilespmem:$0xD08] =	vst v0  }
0xd3: {  	[tilespmem:$0xD18] =	vst v0  }
0xd4: {  	[tilespmem:$0xD28] =	vst v0  }
0xd5: {  	[tilespmem:$0xD38] =	vst v0  }
0xd6: {  	[tilespmem:$0xD48] =	vst v0  }
0xd7: {  	[tilespmem:$0xD58] =	vst v0  }
0xd8: {  	[tilespmem:$0xD68] =	vst v0  }
0xd9: {  	[tilespmem:$0xD78] =	vst v0  }
0xda: {  	[tilespmem:$0xD88] =	vst v0  }
0xdb: {  	[tilespmem:$0xD98] =	vst v0  }
0xdc: {  	[tilespmem:$0xDA8] =	vst v0  }
0xdd: {  	[tilespmem:$0xDB8] =	vst v0  }
0xde: {  	[tilespmem:$0xDC8] =	vst v0  }
0xdf: {  	[tilespmem:$0xDD8] =	vst v0  }
0xe0: {  	[tilespmem:$0xDE8] =	vst v0  }
0xe1: {  	[tilespmem:$0xDF8] =	vst v0  }
0xe2: {  	[tilespmem:$0xE08] =	vst v0  }
0xe3: {  	[tilespmem:$0xE18] =	vst v0  }
0xe4: {  	[tilespmem:$0xE28] =	vst v0  }
0xe5: {  	[tilespmem:$0xE38] =	vst v0  }
0xe6: {  	[tilespmem:$0xE48] =	vst v0  }
0xe7: {  	[tilespmem:$0xE58] =	vst v0  }
0xe8: {  	[tilespmem:$0xE68] =	vst v0  }
0xe9: {  	[tilespmem:$0xE78] =	vst v0  }
0xea: {  	[tilespmem:$0xE88] =	vst v0  }
0xeb: {  	[tilespmem:$0xE98] =	vst v0  }
0xec: {  	[tilespmem:$0xEA8] =	vst v0  }
0xed: {  	[tilespmem:$0xEB8] =	vst v0  }
0xee: {  	[tilespmem:$0xEC8] =	vst v0  }
0xef: {  	[tilespmem:$0xED8] =	vst v0  }
0xf0: {  	[tilespmem:$0xEE8] =	vst v0  }
0xf1: {  	[tilespmem:$0xEF8] =	vst v0  }
0xf2: {  	[tilespmem:$0xF08] =	vst v0  }
0xf3: {  	[tilespmem:$0xF18] =	vst v0  }
0xf4: {  	[tilespmem:$0xF28] =	vst v0  }
0xf5: {  	[tilespmem:$0xF38] =	vst v0  }
0xf6: {  	[tilespmem:$0xF48] =	vst v0  }
0xf7: {  	[tilespmem:$0xF58] =	vst v0  }
0xf8: {  	[tilespmem:$0xF68] =	vst v0  }
0xf9: {  	[tilespmem:$0xF78] =	vst v0  }
0xfa: {  	[tilespmem:$0xF88] =	vst v0  }
0xfb: {  	[tilespmem:$0xF98] =	vst v0  }
0xfc: {  	[tilespmem:$0xFA8] =	vst v0  }
0xfd: {  	[tilespmem:$0xFB8] =	vst v0  }
0xfe: {  	[tilespmem:$0xFC8] =	vst v0  }
0xff: {  	[tilespmem:$0xFD8] =	vst v0  }
0x100: {  	[tilespmem:$0xFE8] =	vst v0  }
0x101: {  	[tilespmem:$0xFF8] =	vst v0  }
0x102: {  	[tilespmem:$0x1028] =	vst v0  }
0x103: {  	[tilespmem:$0x10E8] =	vst v0  }
0x104: {  	[tilespmem:$0x1068] =	vst v0  }
0x105: {  	[tilespmem:$0x1B28] =	vst v0  }
0x106: {  	[tilespmem:$0x1B18] =	vst v0  }
0x107: {  	[tilespmem:$0x1B08] =	vst v0  }
0x108: {  	[tilespmem:$0x1AF8] =	vst v0  }
0x109: {  	[tilespmem:$0x1AE8] =	vst v0  }
0x10a: {  	[tilespmem:$0x1AD8] =	vst v0  }
0x10b: {  	[tilespmem:$0x1AC8] =	vst v0  }
0x10c: {  	[tilespmem:$0x1AB8] =	vst v0  }
0x10d: {  	[tilespmem:$0x1AA8] =	vst v0  }
0x10e: {  	[tilespmem:$0x1A98] =	vst v0  }
0x10f: {  	[tilespmem:$0x1A88] =	vst v0  }
0x110: {  	[tilespmem:$0x1A78] =	vst v0  }
0x111: {  	[tilespmem:$0x1A68] =	vst v0  }
0x112: {  	[tilespmem:$0x1A58] =	vst v0  }
0x113: {  	[tilespmem:$0x1A48] =	vst v0  }
0x114: {  	[tilespmem:$0x1A38] =	vst v0  }
0x115: {  	[tilespmem:$0x1A28] =	vst v0  }
0x116: {  	[tilespmem:$0x1A18] =	vst v0  }
0x117: {  	[tilespmem:$0x1A08] =	vst v0  }
0x118: {  	[tilespmem:$0x19F8] =	vst v0  }
0x119: {  	[tilespmem:$0x19E8] =	vst v0  }
0x11a: {  	[tilespmem:$0x19D8] =	vst v0  }
0x11b: {  	[tilespmem:$0x19C8] =	vst v0  }
0x11c: {  	[tilespmem:$0x19B8] =	vst v0  }
0x11d: {  	[tilespmem:$0x19A8] =	vst v0  }
0x11e: {  	[tilespmem:$0x1998] =	vst v0  }
0x11f: {  	[tilespmem:$0x1988] =	vst v0  }
0x120: {  	[tilespmem:$0x1978] =	vst v0  }
0x121: {  	[tilespmem:$0x1968] =	vst v0  }
0x122: {  	[tilespmem:$0x1958] =	vst v0  }
0x123: {  	[tilespmem:$0x1948] =	vst v0  }
0x124: {  	[tilespmem:$0x1938] =	vst v0  }
0x125: {  	[tilespmem:$0x1928] =	vst v0  }
0x126: {  	[tilespmem:$0x1918] =	vst v0  }
0x127: {  	[tilespmem:$0x1908] =	vst v0  }
0x128: {  	[tilespmem:$0x18F8] =	vst v0  }
0x129: {  	[tilespmem:$0x18E8] =	vst v0  }
0x12a: {  	[tilespmem:$0x18D8] =	vst v0  }
0x12b: {  	[tilespmem:$0x18C8] =	vst v0  }
0x12c: {  	[tilespmem:$0x18B8] =	vst v0  }
0x12d: {  	[tilespmem:$0x18A8] =	vst v0  }
0x12e: {  	[tilespmem:$0x1898] =	vst v0  }
0x12f: {  	[tilespmem:$0x1888] =	vst v0  }
0x130: {  	[tilespmem:$0x1878] =	vst v0  }
0x131: {  	[tilespmem:$0x1868] =	vst v0  }
0x132: {  	[tilespmem:$0x1858] =	vst v0  }
0x133: {  	[tilespmem:$0x1848] =	vst v0  }
0x134: {  	[tilespmem:$0x1838] =	vst v0  }
0x135: {  	[tilespmem:$0x1828] =	vst v0  }
0x136: {  	[tilespmem:$0x1818] =	vst v0  }
0x137: {  	[tilespmem:$0x1808] =	vst v0  }
0x138: {  	[tilespmem:$0x17F8] =	vst v0  }
0x139: {  	[tilespmem:$0x17E8] =	vst v0  }
0x13a: {  	[tilespmem:$0x17D8] =	vst v0  }
0x13b: {  	[tilespmem:$0x17C8] =	vst v0  }
0x13c: {  	[tilespmem:$0x17B8] =	vst v0  }
0x13d: {  	[tilespmem:$0x17A8] =	vst v0  }
0x13e: {  	[tilespmem:$0x1798] =	vst v0  }
0x13f: {  	[tilespmem:$0x1788] =	vst v0  }
0x140: {  	[tilespmem:$0x1778] =	vst v0  }
0x141: {  	[tilespmem:$0x1768] =	vst v0  }
0x142: {  	[tilespmem:$0x1758] =	vst v0  }
0x143: {  	[tilespmem:$0x1748] =	vst v0  }
0x144: {  	[tilespmem:$0x1738] =	vst v0  }
0x145: {  	[tilespmem:$0x1728] =	vst v0  }
0x146: {  	[tilespmem:$0x1718] =	vst v0  }
0x147: {  	[tilespmem:$0x1708] =	vst v0  }
0x148: {  	[tilespmem:$0x16F8] =	vst v0  }
0x149: {  	[tilespmem:$0x16E8] =	vst v0  }
0x14a: {  	[tilespmem:$0x16D8] =	vst v0  }
0x14b: {  	[tilespmem:$0x16C8] =	vst v0  }
0x14c: {  	[tilespmem:$0x16B8] =	vst v0  }
0x14d: {  	[tilespmem:$0x16A8] =	vst v0  }
0x14e: {  	[tilespmem:$0x1698] =	vst v0  }
0x14f: {  	[tilespmem:$0x1688] =	vst v0  }
0x150: {  	[tilespmem:$0x1678] =	vst v0  }
0x151: {  	[tilespmem:$0x1668] =	vst v0  }
0x152: {  	[tilespmem:$0x1658] =	vst v0  }
0x153: {  	[tilespmem:$0x1648] =	vst v0  }
0x154: {  	[tilespmem:$0x1638] =	vst v0  }
0x155: {  	[tilespmem:$0x1628] =	vst v0  }
0x156: {  	[tilespmem:$0x1618] =	vst v0  }
0x157: {  	[tilespmem:$0x1608] =	vst v0  }
0x158: {  	[tilespmem:$0x15F8] =	vst v0  }
0x159: {  	[tilespmem:$0x15E8] =	vst v0  }
0x15a: {  	[tilespmem:$0x15D8] =	vst v0  }
0x15b: {  	[tilespmem:$0x15C8] =	vst v0  }
0x15c: {  	[tilespmem:$0x15B8] =	vst v0  }
0x15d: {  	[tilespmem:$0x15A8] =	vst v0  }
0x15e: {  	[tilespmem:$0x1598] =	vst v0  }
0x15f: {  	[tilespmem:$0x1588] =	vst v0  }
0x160: {  	[tilespmem:$0x1578] =	vst v0  }
0x161: {  	[tilespmem:$0x1568] =	vst v0  }
0x162: {  	[tilespmem:$0x1558] =	vst v0  }
0x163: {  	[tilespmem:$0x1548] =	vst v0  }
0x164: {  	[tilespmem:$0x1538] =	vst v0  }
0x165: {  	[tilespmem:$0x1528] =	vst v0  }
0x166: {  	[tilespmem:$0x1518] =	vst v0  }
0x167: {  	[tilespmem:$0x1508] =	vst v0  }
0x168: {  	[tilespmem:$0x14F8] =	vst v0  }
0x169: {  	[tilespmem:$0x14E8] =	vst v0  }
0x16a: {  	[tilespmem:$0x14D8] =	vst v0  }
0x16b: {  	[tilespmem:$0x14C8] =	vst v0  }
0x16c: {  	[tilespmem:$0x14B8] =	vst v0  }
0x16d: {  	[tilespmem:$0x14A8] =	vst v0  }
0x16e: {  	[tilespmem:$0x1498] =	vst v0  }
0x16f: {  	[tilespmem:$0x1488] =	vst v0  }
0x170: {  	[tilespmem:$0x1478] =	vst v0  }
0x171: {  	[tilespmem:$0x1468] =	vst v0  }
0x172: {  	[tilespmem:$0x1458] =	vst v0  }
0x173: {  	[tilespmem:$0x1448] =	vst v0  }
0x174: {  	[tilespmem:$0x1438] =	vst v0  }
0x175: {  	[tilespmem:$0x1428] =	vst v0  }
0x176: {  	[tilespmem:$0x1418] =	vst v0  }
0x177: {  	[tilespmem:$0x1408] =	vst v0  }
0x178: {  	[tilespmem:$0x13F8] =	vst v0  }
0x179: {  	[tilespmem:$0x13E8] =	vst v0  }
0x17a: {  	[tilespmem:$0x13D8] =	vst v0  }
0x17b: {  	[tilespmem:$0x13C8] =	vst v0  }
0x17c: {  	[tilespmem:$0x13B8] =	vst v0  }
0x17d: {  	[tilespmem:$0x13A8] =	vst v0  }
0x17e: {  	[tilespmem:$0x1398] =	vst v0  }
0x17f: {  	[tilespmem:$0x1388] =	vst v0  }
0x180: {  	[tilespmem:$0x1378] =	vst v0  }
0x181: {  	[tilespmem:$0x1368] =	vst v0  }
0x182: {  	[tilespmem:$0x1358] =	vst v0  }
0x183: {  	[tilespmem:$0x1348] =	vst v0  }
0x184: {  	[tilespmem:$0x1338] =	vst v0  }
0x185: {  	[tilespmem:$0x1328] =	vst v0  }
0x186: {  	[tilespmem:$0x1318] =	vst v0  }
0x187: {  	[tilespmem:$0x1308] =	vst v0  }
0x188: {  	[tilespmem:$0x12F8] =	vst v0  }
0x189: {  	[tilespmem:$0x12E8] =	vst v0  }
0x18a: {  	[tilespmem:$0x12D8] =	vst v0  }
0x18b: {  	[tilespmem:$0x12C8] =	vst v0  }
0x18c: {  	[tilespmem:$0x12B8] =	vst v0  }
0x18d: {  	[tilespmem:$0x12A8] =	vst v0  }
0x18e: {  	[tilespmem:$0x1298] =	vst v0  }
0x18f: {  	[tilespmem:$0x1288] =	vst v0  }
0x190: {  	[tilespmem:$0x1278] =	vst v0  }
0x191: {  	[tilespmem:$0x1268] =	vst v0  }
0x192: {  	[tilespmem:$0x1258] =	vst v0  }
0x193: {  	[tilespmem:$0x1248] =	vst v0  }
0x194: {  	[tilespmem:$0x1238] =	vst v0  }
0x195: {  	[tilespmem:$0x1228] =	vst v0  }
0x196: {  	[tilespmem:$0x1218] =	vst v0  }
0x197: {  	[tilespmem:$0x1208] =	vst v0  }
0x198: {  	[tilespmem:$0x11F8] =	vst v0  }
0x199: {  	[tilespmem:$0x11E8] =	vst v0  }
0x19a: {  	[tilespmem:$0x11D8] =	vst v0  }
0x19b: {  	[tilespmem:$0x11C8] =	vst v0  }
0x19c: {  	[tilespmem:$0x11B8] =	vst v0  }
0x19d: {  	[tilespmem:$0x11A8] =	vst v0  }
0x19e: {  	[tilespmem:$0x1198] =	vst v0  }
0x19f: {  	[tilespmem:$0x1188] =	vst v0  }
0x1a0: {  	[tilespmem:$0x1178] =	vst v0  }
0x1a1: {  	[tilespmem:$0x1168] =	vst v0  }
0x1a2: {  	[tilespmem:$0x1158] =	vst v0  }
0x1a3: {  	[tilespmem:$0x1148] =	vst v0  }
0x1a4: {  	[tilespmem:$0x1138] =	vst v0  }
0x1a5: {  	[tilespmem:$0x1128] =	vst v0  }
0x1a6: {  	[tilespmem:$0x1118] =	vst v0  }
0x1a7: {  	s4 =	stileid.u32;
	[tilespmem:$0x1108] =	vst v0  }
0x1a8: {  	s0 =	smul.u32 $0xE, s4;
	[tilespmem:$0x10F8] =	vst v0  }
0x1a9: {  	s1 =	smin.u32 s4, $0x8;
	[tilespmem:$0x10C8] =	vst v0  }
0x1aa: {  	[tilespmem:$0x10D8] =	vst v0;
	s0 =	sadd.s32 s1, s0  }
0x1ab: {  	p0 =	slt.u32 s4, $0x8;
	[tilespmem:$0x10B8] =	vst v0;
	s1 =	simm.s32 $0x1950;
	s6 =	smul.u32 $0x1B0, s0  }
0x1ac: {  	s1 =	simm.s32 @!p0 $0x17A0;
	[tilespmem:$0x1038] =	vst v0  }
0x1ad: {  	[tilespmem:$0x10A8] =	vst v0;
	s0 =	sadd.s32 s1, s6  }
0x1ae: {  	s3 =	simm.s32 $0x2;
	s8 =	simm.s32 $0x9;
	[tilespmem:$0x1098] =	vst v0;
	s7 =	smin.u32 s0, $0x186A0  }
0x1af: {  	s10 =	simm.s32 $0xA;
	s30 =	simm.s32 $0xB;
	[tilespmem:$0x1088] =	vst v0;
	s0 =	ssub.s32 s7, s6  }
0x1b0: {  	s16 =	simm.s32 $0x0;
	p4 =	por $0x0, $0x0;
	[tilespmem:$0x1078] =	vst v0;
	p0 =	sgt.s32 s0, $0x0  }
0x1b1: {  	s17 =	simm.s32 $0xC;
	s21 =	simm.s32 $0x0;
	[tilespmem:$0x1058] =	vst v0;
	s0 =	simm.s32 @!p0 $0x0  }
0x1b2: {  	s18 =	simm.s32 $0x0;
	s2 =	sand.u32 $0x1, s2;
	[tilespmem:$0x1048] =	vst v0;
	s29 =	smulhi.u32 $0x4BDA12F7, s0  }
0x1b3: {  	s20 =	simm.s32 $0x0;
	s31 =	sshll.u32 s4, $0x5;
	[tilespmem:$0x1018] =	vst v0;
	[dreg:$0x5] =	wrdreg s2  }
0x1b4: {  	s2 =	smul.u32 $0x30D4, s2;
	[tilespmem:$0x1008] =	vst v0;
	[sflag:s3] =	ssyncpa.u1 $0x0;
	s1 =	sshrl.u32 s29, $0x7  }
0x1b5: {  	v0 =	vimm.s32 $0xFFFFFFFF;
	s3 =	sadd.s32 $0x31AA00, s11;
	[dreg:$0x4] =	wrdreg s31;
	s5 =	smul.u32 $0x1B0, s1  }
.Ltmp0:
0x1b6: {  	[tilespmem:$0x3648] =	vst v0;
	[sflag:s8] =	ssyncpa.u1 $0x0;
	s2 =	sadd.s32 s2, s11;
	(pc) =	sbr.rel .LBB2_1-.Ltmp0, $4  }
0x1b7: {  	[sflag:s10] =	ssyncpa.u1 $0x0;
	s11 =	sadd.s32 $0xD600, s11;
	p0 =	sne.s32 s0, s5  }
0x1b8: {  	[sflag:s30] =	ssyncpa.u1 $0x0;
	s14 =	sadd.s32 $0x7400, s2;
	s12 =	simm.s32 @!p0 $0x0  }
0x1b9: {  	s15 =	sadd.s32 $0x1200, s2;
	s19 =	smov.u32 s6;
	s12 =	sadd.s32 s12, s1  }
0x1ba: {  	v0 =	vlaneseq.u32;
	[dreg:$0x6] =	wrdreg s6;
	p0 =	por $0x1, $0x1;
	s4 =	sadd.s32 $0x1, s12  }
.LBB2_18:
0x1bb: {  	s0 =	simm.s32 $0x2  }
0x1bc: {  	_ =	swait.ge [sflag:s0], $0x0  }
0x1bd: {  	[sflag:s0] =	ssyncset.done $0x0;
	s0 =	simm.s32 $0x0  }
.LBB2_19:
0x1be: {  	_ =	swait.ge [sflag:s17], s0  }
0x1bf: {  	s31 =	ssub.s32 $0x0, s0;
	v1 =	vmov s23;
	vm0 =	veq.s32 v0, $0x0;
	[sflag:s17] =	ssyncset.done $0x0  }
0x1c0: {  	vm15 =	veq.s32 v0, $0x2;
	v1 =	vsel vm0, s28, v1;
	[sflag:s17] =	ssyncadd.s32 s31  }
0x1c1: {  	v1 =	vsel vm15, s21, v1;
	[sflag:s17] =	ssyncpa.u1 $0x1  }
0x1c2: {  	[tilespmem:$0x3648] =	vst v1  }
.LBB2_20:
0x1c3: {  	s0 =	sadd.s32 $0x1B0, s19  }
0x1c4: {  	s1 =	smov.u32 s6;
	p1 =	slt.s32 s0, s7  }
0x1c5: {  	s1 =	smov.u32 @p1 s0;
	p1 =	sne.s32 s20, s4  }
.Ltmp1:
0x1c6: {  	_ = 	snop;
	(pc) =	sbr.rel @!p1 .LBB2_21-.Ltmp1, $4  }
0x1c7: {  	_ = 	snop  }
0x1c8: {  	s21 =	smov.u32 s18  }
0x1c9: {  	s31 =	sadd.s32 $0x1, s20;
	s18 =	smov.u32 s19;
	p0 =	por !p0, !p0  }
0x1ca: {  	p4 =	por !p4, !p4;
	s20 =	smov.u32 s31;
	s19 =	smov.u32 s1  }
.LBB2_1:
0x1cb: {  	p2 =	sge.u32 s20, s12  }
0x1cc: {  	s0 =	smulhi.u32 @!p2 $0xAAAAAAAB, s20  }
0x1cd: {  	s1 =	smov.u32 s19;
	p3 =	sgt.s32 @!p2 s19, $0x184F0  }
0x1ce: {  	s2 =	sshra.s32 @!p2 s19, $0x1F;
	p3 =	por !p3, p2;
	s0 =	sshrl.u32 @!p2 s0, $0x1  }
0x1cf: {  	s2 =	sand.u32 @!p2 s2, s19;
	s1 =	simm.s32 @p3 $0x184F0;
	s0 =	smul.u32 @!p2 $0x3, s0  }
0x1d0: {  	s1 =	ssub.s32 @!p2 s1, s2  }
0x1d1: {  	s23 =	sadd.s32 $0xFFFFFFFF, s20;
	s1 =	sadd.s32 @!p2 $0xFFFE7B10, s1;
	s0 =	ssub.s32 @!p2 s20, s0  }
0x1d2: {  	s2 =	sshll.u32 @!p2 s1, $0x2;
	p3 =	sgt.s32 @!p2 s1, $0x1AF;
	s0 =	smul.u32 @!p2 $0x6C0, s0  }
0x1d3: {  	s5 =	sand.u32 @!p2 $0x7, s19;
	s1 =	ssub.s32 @!p2 $0x6C0, s2;
	p3 =	por !p3, p2  }
0x1d4: {  	s2 =	sshrl.u32 @!p2 s19, $0x3;
	s1 =	sshrl.u32 @!p2 s1, $0x2;
	s0 =	sshrl.u32 @!p2 s0, $0x2  }
0x1d5: {  	s2 =	sadd.s32 @!p2 s2, s14;
	s1 =	simm.s32 @!p3 $0x0;
	s0 =	sadd.s32 @!p2 $0x3888, s0  }
0x1d6: {  	[tilespmem:s0], [sflag:$0xA] =	stream.linear.gather @!p2 [hbm4b:s2+s5], s1, $0x38;
	[tilespmem:$0x1F0F8] =	vst v63  }
0x1d7: {  	p2 =	sge.u32 s23, s12  }
0x1d8: {  	p3 =	sgt.s32 @!p2 s18, $0x184F0  }
0x1d9: {  	s0 =	smov.u32 s18;
	s1 =	sshra.s32 @!p2 s18, $0x1F;
	p3 =	por !p3, p2  }
0x1da: {  	s1 =	sand.u32 @!p2 s1, s18;
	s0 =	simm.s32 @p3 $0x184F0  }
0x1db: {  	s0 =	ssub.s32 @!p2 s0, s1  }
0x1dc: {  	s0 =	sadd.s32 @!p2 $0xFFFE7B10, s0  }
0x1dd: {  	s1 =	sshll.u32 @!p2 s0, $0x2  }
0x1de: {  	p3 =	sgt.s32 @!p2 s0, $0x1AF;
	s0 =	ssub.s32 @!p2 $0x6C0, s1  }
0x1df: {  	s22 =	ssub.s32 @!p2 $0x186A0, s18;
	p3 =	por !p3, p2;
	s0 =	sshrl.u32 @!p2 s0, $0x2  }
0x1e0: {  	s1 =	sand.u32 @!p2 $0x1, s23;
	s0 =	simm.s32 @!p3 $0x0;
	p3 =	slt.s32 @!p2 s22, $0x1  }
0x1e1: {  	s2 =	simm.s32 @!p2 $0xA;
	s1 =	smul.u32 @!p2 $0x6C0, s1;
	p3 =	por p2, p3  }
.Ltmp2:
0x1e2: {  	_ =	swait.ge @!p2 [sflag:s2], s0;
	(pc) =	sbr.rel @p3 .LBB2_7-.Ltmp2, $4  }
0x1e3: {  	s5 =	ssub.s32 @!p2 $0x0, s0;
	[sflag:s2] =	ssyncset.done @!p2 $0x0  }
0x1e4: {  	s1 =	sshrl.u32 @!p2 s1, $0x2;
	[sflag:s2] =	ssyncadd.s32 @!p2 s5;
	s2 =	sshrl.u32 @!p2 s18, $0x3  }
0x1e5: {  	s1 =	sadd.s32 @!p2 $0x3D98, s1;
	s5 =	sand.u32 @!p2 $0x7, s18;
	s2 =	sadd.s32 @!p2 s2, s15  }
0x1e6: {  	[tilespmem:s1], [sflag:$0xB] =	stream.linear.gather @!p2 [hbm4b:s2+s5], s0, $0x38;
	[tilespmem:$0x1F0F8] =	vst v63  }
0x1e7: {  	s0 =	smulhi.u32 $0xAAAAAAAB, s23;
	_ =	sdelay $0x1  }
0x1e8: {  	s0 =	sshrl.u32 s0, $0x1  }
0x1e9: {  	s0 =	smul.u32 $0x3, s0;
	_ =	sdelay $0x1  }
0x1ea: {  	s0 =	ssub.s32 s23, s0  }
0x1eb: {  	s1 =	simm.s32 $0x1;
	s0 =	smul.u32 $0x6C0, s0  }
.Ltmp3:
0x1ec: {  	s1 =	simm.s32 @!p0 $0x0;
	(pc) =	sbr.rel .LBB2_4-.Ltmp3, $4  }
0x1ed: {  	s1 =	smul.u32 $0x36000, s1  }
0x1ee: {  	p3 =	slt.s32 @!p2 s22, $0x1B0;
	s0 =	sshrl.u32 s0, $0x2  }
0x1ef: {  	p2 =	por !p3, p2;
	s1 =	sshrl.u32 s1, $0x2;
	s0 =	sadd.s32 $0x3888, s0  }
0x1f0: {  	s24 =	simm.s32 $0x0;
	s22 =	simm.s32 @p2 $0x1B0;
	s23 =	sadd.s32 $0x40F8, s1;
	v1 =	vmov s0  }
.LBB2_3:
0x1f1: {  	p2 =	sge.s32 s24, s22  }
.Ltmp4:
0x1f2: {  	_ = 	snop;
	(pc) =	sbr.rel @p2 .LBB2_7-.Ltmp4, $2  }
0x1f3: {  	_ =	sdelay $0x2  }
0x1f4: {  	s23 =	sadd.s32 $0x800, s23  }
.LBB2_4:
0x1f5: {  	p2 =	sle.s32 s22, s24  }
.Ltmp5:
0x1f6: {  	_ = 	snop;
	(pc) =	sbr.rel @p2 .LBB2_3-.Ltmp5, $2  }
0x1f7: {  	_ =	sdelay $0x2  }
0x1f8: {  	s0 =	smov.u32 s24;
	s24 =	sadd.s32 $0x10, s24  }
0x1f9: {  	s1 =	ssub.s32 s22, s0  }
0x1fa: {  	p2 =	slt.s32 s1, $0x10  }
0x1fb: {  	s1 =	simm.s32 @!p2 $0x10  }
0x1fc: {  	v2 =	vmov s1  }
0x1fd: {  	vm0 =	vgt.s32 v2, v0;
	_ =	sdelay $0x5  }
0x1fe: {  	v2 =	vld.idx.msk [tilespmem:v1+s0+$0x0 ss:$0x1], vm0;
	_ =	sdelay $0x2  }
0x1ff: {  	p2 =	slt.s32 s24, s22;
	s1 =	smov.u32 s22  }
0x200: {  	s2 =	smov.u32 s23;
	s25 =	simm.s32 $0x0;
	s1 =	smov.u32 @p2 s24  }
.LBB2_6:
0x201: {  	(v2sf) =	vpush v2, s25;
	_ =	sdelay $0xc  }
0x202: {  	s25 =	sadd.s32 $0x1, s25  }
0x203: {  	s31 =	sadd.s32 s25, s0  }
0x204: {  	p2 =	slt.s32 s31, s1;
	s5 =	spop (v2sf)  }
.Ltmp6:
0x205: {  	s5 =	sshll.u32 s5, $0x4;
	(pc) =	sbr.rel @p2 .LBB2_6-.Ltmp6, $4  }
0x206: {  	s5 =	sand.u32 $0x1FFFFFF0, s5  }
0x207: {  	s5 =	sadd.s32 s11, s5  }
0x208: {  	[tilespmem:s2], [sflag:$0x9] =	stream.linear.gather [hbm4b:s5+s16], $0x4, $0x38;
	[tilespmem:$0x1F0F8] =	vst v63  }
0x209: {  	s2 =	sadd.s32 $0x80, s2  }
.Ltmp7:
0x20a: {  	_ = 	snop;
	(pc) =	sbr.rel .LBB2_3-.Ltmp7, $1  }
0x20b: {  	_ =	sdelay $0x3  }
.LBB2_7:
0x20c: {  	p2 =	slt.u32 s20, $0x2  }
.Ltmp8:
0x20d: {  	_ = 	snop;
	(pc) =	sbr.rel @p2 .LBB2_20-.Ltmp8, $1  }
0x20e: {  	_ =	sdelay $0x3  }
0x20f: {  	p2 =	sgt.s32 s21, $0x184F0  }
0x210: {  	s0 =	smov.u32 s21;
	s1 =	sshra.s32 s21, $0x1F;
	s2 =	ssub.s32 $0x186A0, s21  }
0x211: {  	s0 =	simm.s32 @!p2 $0x184F0;
	s1 =	sand.u32 s1, s21;
	p2 =	slt.s32 s2, $0x1B0  }
0x212: {  	s0 =	ssub.s32 s0, s1;
	s2 =	simm.s32 @!p2 $0x1B0  }
0x213: {  	s0 =	sadd.s32 $0xFFFE7B10, s0;
	s24 =	sshll.u32 s2, $0x2  }
0x214: {  	s28 =	simm.s32 $0x9;
	s25 =	sshll.u32 s0, $0x2;
	s1 =	sand.u32 $0x3FFFFFFC, s24  }
0x215: {  	p2 =	sgt.s32 s0, $0x1AF;
	s26 =	ssub.s32 $0x6C0, s25;
	_ =	swait.ge [sflag:s28], s1  }
0x216: {  	s1 =	ssub.s32 $0x0, s1;
	[sflag:s28] =	ssyncset.done $0x0;
	s0 =	sshrl.u32 s26, $0x2  }
0x217: {  	s30 =	simm.s32 $0xB;
	[sflag:s28] =	ssyncadd.s32 s1;
	s0 =	simm.s32 @p2 $0x0  }
0x218: {  	_ =	swait.ge [sflag:s30], s0  }
0x219: {  	s0 =	ssub.s32 $0x0, s0;
	[sflag:s30] =	ssyncset.done $0x0  }
0x21a: {  	[sflag:s30] =	ssyncadd.s32 s0  }
0x21b: {  	v1 =	vld [tilespmem:$0x3648];
	_ =	sdelay $0x4  }
0x21c: {  	(v2sf) =	vpush v1, $0x0  }
0x21d: {  	(v2sf) =	vpush v1, $0x1  }
0x21e: {  	(v2sf) =	vpush v1, $0x2;
	_ =	sdelay $0x3  }
0x21f: {  	s0 =	sadd.s32 $0x1B0, s21  }
0x220: {  	s1 =	ssub.s32 $0x30D40, s21;
	p2 =	slt.s32 s7, s0  }
0x221: {  	s0 =	smov.u32 @p2 s7;
	p2 =	sgt.s32 s1, $0x0  }
0x222: {  	s25 =	ssub.s32 s0, s21;
	s1 =	simm.s32 @!p2 $0x0  }
0x223: {  	p2 =	slt.s32 s1, s25  }
0x224: {  	s25 =	smov.u32 @p2 s1  }
0x225: {  	s24 =	simm.s32 $0x1;
	p2 =	slt.s32 s25, $0x1  }
.Ltmp9:
0x226: {  	s24 =	simm.s32 @!p4 $0x0;
	(pc) =	sbr.rel @p2 .LBB2_12-.Ltmp9, $4  }
0x227: {  	s31 =	smul.u32 $0x6C0, s24  }
0x228: {  	s26 =	spop (v2sf)  }
0x229: {  	s0 =	sshrl.u32 s31, $0x2;
	s29 =	spop (v2sf)  }
0x22a: {  	s22 =	sadd.s32 $0x3D98, s0;
	s21 =	spop (v2sf)  }
0x22b: {  	s0 =	smin.u32 s25, $0x10  }
0x22c: {  	v1 =	vmov s0  }
0x22d: {  	p3 =	sgt.s32 s25, $0x10;
	vm1 =	vgt.u32 v1, v0  }
.Ltmp10:
0x22e: {  	_ = 	snop;
	(pc) =	sbr.rel @!p3 .LBB2_11-.Ltmp10, $2  }
0x22f: {  	_ =	sdelay $0x2  }
0x230: {  	s23 =	simm.s32 $0x10;
	s28 =	sadd.s32 $0xFFFFFFF0, s25;
	s0 =	smov.u32 s22;
	vm0 =	vmmov vm1  }
.LBB2_10:
0x231: {  	s1 =	smin.u32 s28, $0x10;
	s23 =	sadd.s32 $0x10, s23;
	v1 =	vld.msk [tilespmem:s0+$0x0 ss:$0x1], vm1  }
0x232: {  	v2 =	vmov s1;
	p3 =	slt.s32 s23, s25  }
0x233: {  	vm1 =	vgt.u32 v2, v0  }
.Ltmp11:
0x234: {  	(pc) =	sbr.rel @p3 .LBB2_10-.Ltmp11, $3  }
0x235: {  	_ =	sdelay $0x1  }
0x236: {  	v1 =	vshll.u32 v1, $0x4  }
0x237: {  	s28 =	sadd.s32 $0xFFFFFFF0, s28;
	[tilespmem:s0+$0x0] =	vst.msk vm0, v1;
	s0 =	sadd.s32 $0x10, s0;
	vm0 =	vmmov vm1  }
.LBB2_11:
0x238: {  	_ =	sdelay $0x4  }
0x239: {  	v1 =	vld.msk [tilespmem:s0+$0x0 ss:$0x1], vm1;
	_ =	sdelay $0x4  }
0x23a: {  	v1 =	vshll.u32 v1, $0x4  }
0x23b: {  	[tilespmem:s0+$0x0] =	vst.msk vm0, v1  }
.LBB2_12:
0x23c: {  	s0 =	sand.u32 $0x1, s20  }
0x23d: {  	s0 =	smul.u32 $0x1B0, s0  }
0x23e: {  	p3 =	sne.s32 s29, $0xFFFFFFFF  }
0x23f: {  	v1 =	vld.msk @!p3 [tilespmem:s0+$0x3D98], $0x1;
	_ =	sdelay $0x4  }
0x240: {  	(v2sf) =	vpush @!p3 v1, $0x0;
	_ =	sdelay $0xc  }
.Ltmp12:
0x241: {  	_ = 	snop;
	(pc) =	sbr.rel @p2 .LBB2_18-.Ltmp12, $4  }
0x242: {  	_ = 	snop  }
0x243: {  	s28 =	spop @!p3 (v2sf)  }
0x244: {  	s21 =	simm.s32 @!p3 $0x0;
	s23 =	smov.u32 s28  }
0x245: {  	[sflag:s17] =	ssyncpa.u1 $0x0;
	s28 =	smov.u32 @p3 s26;
	s23 =	smov.u32 @p3 s29  }
0x246: {  	v1 =	vld.msk [tilespmem:s22+$0x0], $0x1;
	_ =	sdelay $0x4  }
0x247: {  	(v2sf) =	vpush v1, $0x0;
	_ =	sdelay $0xe  }
0x248: {  	s0 =	simm.s32 @!p4 $0x0;
	s26 =	smul.u32 $0x36000, s24;
	s31 =	spop (v2sf)  }
0x249: {  	s29 =	ssub.s32 $0x0, s25;
	s0 =	simm.s32 @p4 $0x1;
	p2 =	seq.s32 s28, s31  }
0x24a: {  	s1 =	smov.u32 s28;
	[smem:$0x7FD] =	sst s0;
	p3 =	sgt.s32 @!p2 s28, $0x0  }
0x24b: {  	s0 =	sshrl.u32 s26, $0x2;
	s26 =	sadd.s32 $0x1, s29;
	p3 =	por !p3, p2  }
0x24c: {  	s1 =	simm.s32 @p3 $0x0;
	p3 =	seq.s32 s26, $0x0  }
.Ltmp13:
0x24d: {  	_ = 	snop;
	(pc) =	sbr.rel @p3 .LBB2_15-.Ltmp13, $4  }
0x24e: {  	s6 =	smov.u32 s4;
	s25 =	simm.s32 $0x0  }
0x24f: {  	s24 =	sadd.s32 $0x40F8, s0;
	s0 =	simm.s32 @!p2 $0x1;
	s2 =	smin.u32 @!p2 s1, $0x7FFFFF  }
0x250: {  	s30 =	sadd.s32 $0x1, s22;
	s0 =	smov.u32 @p2 s25;
	s5 =	sand.u32 @!p2 $0x7FFFF8, s2  }
0x251: {  	s1 =	simm.s32 @!p2 $0x1B38;
	s2 =	sand.u32 @!p2 $0x7, s2;
	s5 =	sadd.s32 @!p2 s3, s5  }
.LBB2_14:
0x252: {  	s4 =	smov.u32 s0  }
0x253: {  	[tilespmem:s1], [sflag:$0x2] =	stream.linear.gather @!p2 [hbm4b:s5+s2], $0x4, $0x38;
	[tilespmem:$0x1F0F8] =	vst v63  }
0x254: {  	s26 =	sadd.s32 $0x1, s26;
	s2 =	smov.u32 s31;
	v1 =	vld.msk [tilespmem:s30+$0x0], $0x1  }
0x255: {  	p3 =	seq.s32 s26, $0x0;
	_ =	sdelay $0x3  }
0x256: {  	(v2sf) =	vpush v1, $0x0;
	_ =	sdelay $0xe  }
0x257: {  	s31 =	spop (v2sf)  }
0x258: {  	p2 =	seq.s32 s2, s31  }
0x259: {  	p4 =	sgt.s32 @!p2 s2, $0x0;
	s1 =	sshll.u32 @!p2 s0, $0x6;
	s0 =	sadd.s32 @!p2 $0x1, s0  }
.Ltmp14:
0x25a: {  	p4 =	por !p4, p2;
	s1 =	sshra.s32 @!p2 s1, $0x2;
	(pc) =	sbr.rel @!p3 .LBB2_14-.Ltmp14, $4  }
0x25b: {  	s0 =	smov.u32 @p2 s4;
	s2 =	simm.s32 @p4 $0x0;
	s1 =	sadd.s32 @!p2 $0x1B38, s1  }
0x25c: {  	s2 =	smin.u32 @!p2 s2, $0x7FFFFF  }
0x25d: {  	s4 =	sand.u32 @!p2 $0x7FFFF8, s2;
	s2 =	sand.u32 @!p2 $0x7, s2  }
0x25e: {  	s30 =	sadd.s32 $0x1, s30;
	s5 =	sadd.s32 @!p2 s3, s4  }
.LBB2_15:
0x25f: {  	[tilespmem:s1], [sflag:$0x2] =	stream.linear.gather @!p2 [hbm4b:s5+s2], $0x4, $0x38;
	[tilespmem:$0x1F0F8] =	vst v63  }
0x260: {  	s0 =	sshll.u32 s0, $0x2  }
0x261: {  	s31 =	simm.s32 $0x2;
	s0 =	sand.u32 $0x3FFFFFFC, s0  }
0x262: {  	_ =	swait.ge [sflag:s31], s0  }
0x263: {  	s0 =	ssub.s32 $0x0, s0;
	[sflag:s31] =	ssyncset.done $0x0  }
0x264: {  	[sflag:s31] =	ssyncadd.s32 s0  }
0x265: {  	v1 =	vld.msk [tilespmem:s22+$0x0], $0x1;
	_ =	sdelay $0x4  }
0x266: {  	(v2sf) =	vpush v1, $0x0;
	_ =	sdelay $0xe  }
0x267: {  	s26 =	spop (v2sf)  }
0x268: {  	p2 =	sne.s32 s28, s26  }
0x269: {  	p4 =	sne.s32 @p2 s28, s23  }
0x26a: {  	p3 =	por !p4, !p2  }
0x26b: {  	s0 =	simm.s32 @!p3 $0x0  }
0x26c: {  	v1 =	vld.msk @!p3 [tilespmem:s0+$0x1B38], $0xf  }
0x26d: {  	p5 =	sgt.u32 @!p3 s28, $0x7FFFFF  }
0x26e: {  	s1 =	sshll.u32 @!p3 s21, $0x6;
	p6 =	por @p2 p5, !p4  }
0x26f: {  	s1 =	sshra.s32 @!p3 s1, $0x2;
	p1 =	por p6, !p2;
	p6 =	por p4, !p2  }
0x270: {  	s2 =	sadd.s32 @!p3 $0x28, s1;
	s4 =	sand.u32 @!p1 $0x7FFFF8, s28;
	s5 =	sshll.u32 @!p6 s21, $0x6  }
0x271: {  	s28 =	sand.u32 @!p1 $0x7, s28;
	[tilespmem:s1+$0x28] =	vst.add.f32.msk @!p3 $0xf, v1;
	s1 =	sadd.s32 @!p1 s3, s4;
	s4 =	sshra.s32 @!p6 s5, $0x2  }
0x272: {  	[hbm4b:s1+s28] =	stream.linear.scatter @!p1 [tilespmem:s2], [sflag:$0xC], $0x4, $0x38;
	[tilespmem:$0x1F0F8] =	vst v63  }
0x273: {  	s0 =	rddreg [dreg:$0x4];
	s1 =	sadd.s32 @!p6 $0x28, s4;
	s2 =	simm.s32 @!p6 $0x1  }
0x274: {  	[spmem:s0] =	stream.linear.scatter @!p6 [tilespmem:s1], [sflag:$0x1], $0x4, $0x38;
	[tilespmem:$0x1F0F8] =	vst v63  }
0x275: {  	s0 =	sadd.s32 @p2 $0x1, s21;
	_ =	swait.ge @!p6 [sflag:s2], $0x4  }
0x276: {  	s1 =	sshrl.u32 @p2 s0, $0x4;
	[sflag:s2] =	ssyncset.done @!p6 $0x0  }
0x277: {  	s1 =	smulhi.u32 @p2 $0x97B425F, s1;
	[sflag:s2] =	ssyncadd.s32 @!p6 $0xFFFFFFFC  }
0x278: {  	s28 =	sadd.s32 $0x1, s29;
	v1 =	vld.msk @p2 [tilespmem:s24+$0x0], $0xf  }
0x279: {  	p1 =	por @p2 !p5, !p4;
	p4 =	seq.s32 s28, $0x0;
	s1 =	smul.u32 @p2 $0x1B0, s1  }
.Ltmp15:
0x27a: {  	p1 =	por !p1, !p2;
	s2 =	simm.s32 @!p3 $0x0;
	(pc) =	sbr.rel @p4 .LBB2_17-.Ltmp15, $4  }
0x27b: {  	s4 =	sshll.u32 @!p2 s21, $0x6;
	s2 =	simm.s32 @!p1 $0x10;
	s0 =	ssub.s32 @p2 s0, s1  }
0x27c: {  	s29 =	simm.s32 $0x0;
	s2 =	sadd.s32 @!p3 $0x0, s2;
	s5 =	sshll.u32 @p2 s0, $0x4  }
0x27d: {  	s30 =	sshra.s32 @!p2 s4, $0x2;
	s1 =	simm.s32 @p2 $0x1;
	s2 =	smov.u32 @p3 s25;
	[tilespmem:s5+$0x28] =	vst.msk @p2 $0xf, v1  }
0x27e: {  	s21 =	smov.u32 @p2 s0;
	s29 =	smov.u32 @p2 s2;
	s25 =	smov.u32 @p2 s1;
	v1 =	vld.msk @!p2 [tilespmem:s24+$0x0], $0xf  }
.LBB2_16:
0x27f: {  	_ =	sdelay $0x3  }
0x280: {  	s22 =	sadd.s32 $0x1, s22;
	[tilespmem:s30+$0x28] =	vst.add.f32.msk @!p2 $0xf, v1  }
0x281: {  	v1 =	vld.msk [tilespmem:s22+$0x0], $0x1;
	_ =	sdelay $0x4  }
0x282: {  	(v2sf) =	vpush v1, $0x0;
	_ =	sdelay $0xe  }
0x283: {  	s0 =	smov.u32 s26;
	s26 =	spop (v2sf)  }
0x284: {  	p2 =	sne.s32 s0, s26  }
0x285: {  	p5 =	sne.s32 @p2 s0, s23  }
0x286: {  	s4 =	sshll.u32 @!p2 s21, $0x6;
	p4 =	por !p5, !p2  }
0x287: {  	s30 =	sshra.s32 @!p2 s4, $0x2;
	s4 =	sshll.u32 @!p4 s25, $0x6  }
0x288: {  	s4 =	sshra.s32 @!p4 s4, $0x2  }
0x289: {  	p1 =	sgt.u32 @!p4 s0, $0x7FFFFF;
	v1 =	vld.msk @!p4 [tilespmem:s4+$0x1B38], $0xf  }
0x28a: {  	s31 =	sshll.u32 @!p4 s21, $0x6;
	p6 =	por @p2 p1, !p5;
	p1 =	por @p2 !p1, !p5  }
0x28b: {  	s8 =	simm.s32 @!p4 $0x0;
	s31 =	sshra.s32 @!p4 s31, $0x2;
	p1 =	por !p1, !p2  }
0x28c: {  	p5 =	por p5, !p2;
	s8 =	simm.s32 @!p1 $0x10;
	p1 =	por p6, !p2  }
0x28d: {  	s4 =	sadd.s32 @!p4 $0x28, s31;
	s13 =	sshll.u32 @!p5 s21, $0x6;
	s10 =	sand.u32 @!p1 $0x7FFFF8, s0  }
0x28e: {  	s13 =	sshra.s32 @!p5 s13, $0x2;
	s0 =	sand.u32 @!p1 $0x7, s0;
	s10 =	sadd.s32 @!p1 s3, s10;
	[tilespmem:s31+$0x28] =	vst.add.f32.msk @!p4 $0xf, v1  }
0x28f: {  	[hbm4b:s10+s0] =	stream.linear.scatter @!p1 [tilespmem:s4], [sflag:$0xC], $0x4, $0x38;
	[tilespmem:$0x1F0F8] =	vst v63  }
0x290: {  	s1 =	rddreg [dreg:$0x4];
	s0 =	sadd.s32 @!p5 $0x28, s13;
	s4 =	simm.s32 @!p5 $0x1  }
0x291: {  	[spmem:s1] =	stream.linear.scatter @!p5 [tilespmem:s0], [sflag:$0x1], $0x4, $0x38;
	[tilespmem:$0x1F0F8] =	vst v63  }
0x292: {  	s2 =	sadd.s32 @p2 $0x1, s21;
	_ =	swait.ge @!p5 [sflag:s4], $0x4  }
0x293: {  	s5 =	sshrl.u32 @p2 s2, $0x4;
	[sflag:s4] =	ssyncset.done @!p5 $0x0  }
0x294: {  	s24 =	sadd.s32 $0x80, s24;
	s5 =	smulhi.u32 @p2 $0x97B425F, s5;
	[sflag:s4] =	ssyncadd.s32 @!p5 $0xFFFFFFFC  }
0x295: {  	s28 =	sadd.s32 $0x1, s28;
	v1 =	vld.msk @p2 [tilespmem:s24+$0x0], $0xf  }
0x296: {  	p3 =	seq.s32 s28, $0x0;
	s5 =	smul.u32 @p2 $0x1B0, s5  }
.Ltmp16:
0x297: {  	_ = 	snop;
	(pc) =	sbr.rel @!p3 .LBB2_16-.Ltmp16, $4  }
0x298: {  	s2 =	ssub.s32 @p2 s2, s5  }
0x299: {  	s8 =	sadd.s32 @!p4 s8, s29;
	s5 =	sshll.u32 @p2 s2, $0x4  }
0x29a: {  	s9 =	sadd.s32 @p2 $0x1, s25;
	s8 =	smov.u32 @p4 s29;
	[tilespmem:s5+$0x28] =	vst.msk @p2 $0xf, v1  }
0x29b: {  	s25 =	smov.u32 @p2 s9;
	s21 =	smov.u32 @p2 s2;
	s29 =	smov.u32 @p2 s8;
	v1 =	vld.msk @!p2 [tilespmem:s24+$0x0], $0xf  }
.LBB2_17:
.Ltmp17:
0x29c: {  	_ = 	snop;
	(pc) =	sbr.rel .LBB2_19-.Ltmp17, $3  }
0x29d: {  	s1 =	sld [smem:$0x7FD];
	_ =	sdelay $0x1  }
0x29e: {  	s0 =	sshrl.u32 s29, $0x2;
	s28 =	smov.u32 s26  }
0x29f: {  	s4 =	smov.u32 s6;
	s6 =	rddreg [dreg:$0x6];
	p4 =	seq.s32 s1, $0x1;
	[tilespmem:s30+$0x28] =	vst.add.f32.msk @!p2 $0xf, v1  }
.LBB2_21:
0x2a0: {  	_ =	sfence.sel $0x180000  }
0x2a1: {  	s0 =	simm.s32 $0x9;
	[bflag:$0x0] =	sbarrier.arrive $0xFFFF  }
0x2a2: {  	s24 =	simm.s32 $0xA;
	[sflag:s0] =	ssyncpa.u1 $0x1  }
0x2a3: {  	s25 =	simm.s32 $0xB;
	[sflag:s24] =	ssyncpa.u1 $0x1  }
0x2a4: {  	s26 =	simm.s32 $0x2;
	[sflag:s25] =	ssyncpa.u1 $0x1  }
0x2a5: {  	[sflag:s26] =	ssyncpa.u1 $0x1  }
0x2a6: {  	v0 =	vld [tilespmem:$0x3648];
	_ =	sdelay $0x4  }
0x2a7: {  	(v2sf) =	vpush v0, $0x0  }
0x2a8: {  	(v2sf) =	vpush v0, $0x1;
	_ =	sdelay $0x1  }
0x2a9: {  	(v2sf) =	vpush v0, $0x2;
	_ =	sdelay $0xb  }
0x2aa: {  	s0 =	spop (v2sf)  }
0x2ab: {  	s1 =	spop (v2sf)  }
0x2ac: {  	s2 =	smov.u32 s0;
	p0 =	sne.s32 s0, s1  }
0x2ad: {  	s4 =	spop (v2sf);
	s2 =	simm.s32 @!p0 $0xFFFFFFFF  }
0x2ae: {  	v2 =	vimm.s32 $0x1;
	v3 =	vlaneseq.u32;
	p0 =	seq.s32 s4, $0xFFFFFFFF;
	v1 =	vmov s2  }
0x2af: {  	s16 =	stileid.u32;
	v0 =	vperm.xlane v0, v2;
	p1 =	sne.s32 @!p0 s0, s1;
	v1 =	vperm.xlane v1, v3  }
0x2b0: {  	vm0 =	vcmask $0x3F04;
	s6 =	simm.s32 $0x3648;
	s0 =	simm.s32 @!p0 $0x1;
	p1 =	por !p1, p0  }
0x2b1: {  	s2 =	sshll.u32 s16, $0x1;
	s1 =	sshll.u32 @!p0 s4, $0x6;
	s0 =	simm.s32 @p1 $0x0;
	v0 =	vsel vm0, v1, v0  }
0x2b2: {  	s5 =	sor.u32 $0x200, s2;
	s1 =	sshra.s32 @!p0 s1, $0x2;
	s0 =	sor.u32 @!p0 s0, s2;
	[tilespmem:$0x3648] =	vst v0  }
0x2b3: {  	[spmem:s5] =	stream.linear.scatter [tilespmem:s6], [sflag:$0x1], $0x2, $0x38;
	[tilespmem:$0x1F0F8] =	vst v63  }
0x2b4: {  	s1 =	sadd.s32 @!p0 $0x28, s1;
	s0 =	sshll.u32 @!p0 s0, $0x4  }
0x2b5: {  	[spmem:s0] =	stream.linear.scatter @!p0 [tilespmem:s1], [sflag:$0x1], $0x10, $0x38;
	[tilespmem:$0x1F0F8] =	vst v63  }
0x2b6: {  	s0 =	simm.s32 @!p0 $0x12  }
0x2b7: {  	s28 =	simm.s32 $0x1;
	s0 =	simm.s32 @p0 $0x2  }
0x2b8: {  	_ =	swait.ge [sflag:s28], s0  }
0x2b9: {  	s0 =	ssub.s32 $0x0, s0;
	[sflag:s28] =	ssyncset.done $0x0  }
0x2ba: {  	p0 =	sne.s32 s16, $0x0;
	[sflag:s28] =	ssyncadd.s32 s0  }
.Ltmp18:
0x2bb: {  	_ =	sfence.stream.spmem;
	(pc) =	sbr.rel @p0 .LBB2_38-.Ltmp18, $4  }
0x2bc: {  	s29 =	simm.s32 $0x3;
	[bflag:$0x0] =	sbarrier.arrive $0xFFFF  }
0x2bd: {  	s30 =	simm.s32 $0x4;
	[sflag:s29] =	ssyncpa.u1 $0x1  }
0x2be: {  	s31 =	simm.s32 $0x3C;
	[sflag:s30] =	ssyncpa.u1 $0x1  }
0x2bf: {  	s17 =	rddreg [dreg:$0x5];
	[sflag:s31] =	ssyncpa.u1 $0x1  }
0x2c0: {  	_ =	sfence.stream.spmem;
	s0 =	simm.s32 $0x5  }
0x2c1: {  	s1 =	simm.s32 $0x200;
	s2 =	simm.s32 $0x3658;
	[sflag:s0] =	ssyncpa.u1 $0x0  }
0x2c2: {  	[tilespmem:s2], [sflag:$0x5] =	stream.linear.gather [spmem:s1], $0x20, $0x38;
	[tilespmem:$0x1F0F8] =	vst v63  }
0x2c3: {  	s26 =	simm.s32 $0x0;
	s28 =	simm.s32 $0x3678  }
0x2c4: {  	[tilespmem:s28], [sflag:$0x5] =	stream.linear.gather [spmem:s26], $0x200, $0x38;
	[tilespmem:$0x1F0F8] =	vst v63  }
0x2c5: {  	_ =	swait.ge [sflag:s0], $0x220  }
0x2c6: {  	[sflag:s0] =	ssyncset.done $0x0  }
0x2c7: {  	s29 =	simm.s32 $0x0;
	[sflag:s0] =	ssyncadd.s32 $0xFFFFFDE0  }
0x2c8: {  	v0 =	vld.msk [tilespmem:s29+$0x3658], $0x1;
	_ =	sdelay $0x1  }
0x2c9: {  	s30 =	simm.s32 $0x1  }
0x2ca: {  	v1 =	vld.msk [tilespmem:s30+$0x3658], $0x1;
	_ =	sdelay $0x1  }
0x2cb: {  	(v2sf) =	vpush v0, $0x0;
	_ =	sdelay $0x2  }
0x2cc: {  	(v2sf) =	vpush v1, $0x0;
	_ =	sdelay $0x2  }
0x2cd: {  	s31 =	simm.s32 $0x2  }
0x2ce: {  	v0 =	vld.msk [tilespmem:s31+$0x3658], $0x1;
	_ =	sdelay $0x2  }
0x2cf: {  	s6 =	simm.s32 $0xFFFFFFFF;
	s1 =	simm.s32 $0xFFFFFFFF;
	s0 =	simm.s32 $0xC  }
.LBB2_23:
0x2d0: {  	s2 =	smov.u32 s6;
	s4 =	smov.u32 s1  }
0x2d1: {  	s1 =	sshra.s32 s0, $0x2;
	p1 =	sne.s32 s0, $0x7C;
	s0 =	sadd.s32 $0x4, s0;
	(v2sf) =	vpush v0, $0x0  }
0x2d2: {  	v0 =	vld.msk [tilespmem:s1+$0x3658], $0x1  }
.Ltmp19:
0x2d3: {  	(pc) =	sbr.rel @p1 .LBB2_23-.Ltmp19, $4  }
0x2d4: {  	s6 =	spop (v2sf)  }
0x2d5: {  	p2 =	sne.s32 s4, $0xFFFFFFFF;
	s1 =	smov.u32 s6  }
0x2d6: {  	p3 =	seq.s32 s6, $0xFFFFFFFF;
	s1 =	smov.u32 @p2 s4  }
0x2d7: {  	s6 =	smov.u32 @p3 s2;
	s1 =	smov.u32 @p3 s4  }
0x2d8: {  	(v2sf) =	vpush v0, $0x0;
	_ =	sdelay $0x8  }
0x2d9: {  	s0 =	spop (v2sf)  }
0x2da: {  	p1 =	sne.s32 s1, $0xFFFFFFFF;
	s2 =	smov.u32 s0  }
0x2db: {  	s9 =	simm.s32 $0x6;
	p2 =	seq.s32 s0, $0xFFFFFFFF;
	s2 =	smov.u32 @p1 s1  }
0x2dc: {  	s10 =	simm.s32 $0x3638;
	s2 =	smov.u32 @p2 s1;
	s1 =	spop (v2sf)  }
0x2dd: {  	s0 =	smov.u32 @p2 s6;
	p1 =	sne.s32 s2, $0xFFFFFFFF;
	s4 =	smov.u32 s1  }
.Ltmp20:
0x2de: {  	p2 =	seq.s32 s1, $0xFFFFFFFF;
	s4 =	smov.u32 @p1 s2;
	(pc) =	sbr.rel .LBB2_25-.Ltmp20, $4  }
0x2df: {  	s11 =	simm.s32 $0x0;
	s4 =	smov.u32 @p2 s2;
	s7 =	spop (v2sf)  }
0x2e0: {  	[sflag:s9] =	ssyncpa.u1 $0x0;
	p1 =	sne.s32 s4, $0xFFFFFFFF;
	s8 =	smov.u32 s7  }
0x2e1: {  	s1 =	smov.u32 @p2 s0;
	p2 =	seq.s32 s7, $0xFFFFFFFF;
	s8 =	smov.u32 @p1 s4  }
0x2e2: {  	s6 =	simm.s32 $0x0;
	s7 =	smov.u32 @p2 s1;
	s8 =	smov.u32 @p2 s4  }
.LBB2_30:
0x2e3: {  	p1 =	sgt.u32 s12, $0x7FFFFF  }
0x2e4: {  	p2 =	seq.s32 @!p1 s12, s8  }
0x2e5: {  	p1 =	por p1, p2  }
0x2e6: {  	p2 =	sne.s32 @!p1 s12, s7  }
0x2e7: {  	p1 =	por p1, !p2  }
0x2e8: {  	s0 =	sshll.u32 @p1 s11, $0x6  }
0x2e9: {  	s0 =	sand.u32 @!p1 $0x7FFFF8, s12  }
0x2ea: {  	s1 =	sand.u32 @!p1 $0x7, s12;
	s0 =	sadd.s32 @!p1 s3, s0  }
0x2eb: {  	[tilespmem:s10], [sflag:$0x6] =	stream.linear.gather @!p1 [hbm4b:s0+s1], $0x4, $0x38;
	[tilespmem:$0x1F0F8] =	vst v63  }
0x2ec: {  	_ =	swait.ge @!p1 [sflag:s9], $0x4  }
0x2ed: {  	[sflag:s9] =	ssyncset.done @!p1 $0x0  }
0x2ee: {  	[sflag:s9] =	ssyncadd.s32 @!p1 $0xFFFFFFFC  }
0x2ef: {  	v1 =	vld @!p1 [tilespmem:$0x3638];
	_ =	sdelay $0x2  }
0x2f0: {  	s0 =	sshll.u32 @!p1 s11, $0x6  }
0x2f1: {  	s1 =	sshrl.u32 @!p1 s0, $0x2  }
0x2f2: {  	[tilespmem:s1+$0x3678] =	vst.add.f32.msk @!p1 $0xffff, v1  }
0x2f3: {  	s0 =	sshrl.u32 s0, $0x2;
	[tilespmem:s6+$0x3658] =	vst.msk $0x1, v0  }
0x2f4: {  	v0 =	vld [tilespmem:s0+$0x3678];
	_ =	sdelay $0x2  }
0x2f5: {  	s31 =	sshll.u32 s6, $0x6  }
0x2f6: {  	s0 =	sshra.s32 s31, $0x2  }
0x2f7: {  	s6 =	sadd.s32 $0x1, s6;
	[tilespmem:s0+$0x3678] =	vst v0  }
.LBB2_32:
0x2f8: {  	s11 =	sadd.s32 $0x1, s11  }
0x2f9: {  	p1 =	sne.s32 s11, $0x20  }
.Ltmp21:
0x2fa: {  	_ = 	snop;
	(pc) =	sbr.rel @!p1 .LBB2_33-.Ltmp21, $1  }
0x2fb: {  	_ =	sdelay $0x3  }
.LBB2_25:
0x2fc: {  	v0 =	vld.msk [tilespmem:s11+$0x3658], $0x1;
	_ =	sdelay $0x4  }
0x2fd: {  	(v2sf) =	vpush v0, $0x0;
	_ =	sdelay $0xe  }
0x2fe: {  	s12 =	spop (v2sf)  }
0x2ff: {  	p1 =	seq.s32 s12, $0xFFFFFFFF  }
.Ltmp22:
0x300: {  	_ = 	snop;
	(pc) =	sbr.rel @p1 .LBB2_32-.Ltmp22, $1  }
0x301: {  	_ =	sdelay $0x3  }
0x302: {  	p1 =	slt.s32 s6, $0x1  }
.Ltmp23:
0x303: {  	_ = 	snop;
	(pc) =	sbr.rel @p1 .LBB2_30-.Ltmp23, $1  }
0x304: {  	_ =	sdelay $0x3  }
0x305: {  	s13 =	simm.s32 $0x3658;
	p1 =	por $0x0, $0x0  }
0x306: {  	v1 =	vld.msk @!p1 [tilespmem:s13+$0x0], $0x1;
	_ =	sdelay $0x4  }
0x307: {  	(v2sf) =	vpush @!p1 v1, $0x0;
	_ =	sdelay $0xd  }
0x308: {  	p3 =	sne.s32 s6, $0x1  }
.Ltmp24:
0x309: {  	s0 =	spop @!p1 (v2sf);
	(pc) =	sbr.rel @!p3 .LBB2_29-.Ltmp24, $4  }
0x30a: {  	p2 =	seq.s32 @!p1 s12, s0  }
0x30b: {  	s14 =	simm.s32 $0x0;
	p2 =	por !p2, p1  }
0x30c: {  	s0 =	simm.s32 $0xFFFFFFFF;
	s14 =	simm.s32 @p2 $0xFFFFFFFF  }
0x30d: {  	s15 =	simm.s32 $0x1;
	s14 =	smov.u32 @p1 s0  }
.LBB2_28:
0x30e: {  	s0 =	smov.u32 s14;
	p1 =	sne.s32 s14, $0xFFFFFFFF  }
0x30f: {  	s13 =	sadd.s32 $0x1, s13;
	s14 =	smov.u32 s15;
	s15 =	sadd.s32 $0x1, s15  }
0x310: {  	p2 =	sne.s32 s6, s15;
	v1 =	vld.msk @!p1 [tilespmem:s13+$0x0], $0x1;
	_ =	sdelay $0x4  }
0x311: {  	(v2sf) =	vpush @!p1 v1, $0x0;
	_ =	sdelay $0xe  }
.Ltmp25:
0x312: {  	s1 =	spop @!p1 (v2sf);
	(pc) =	sbr.rel @p2 .LBB2_28-.Ltmp25, $4  }
0x313: {  	p3 =	seq.s32 @!p1 s12, s1  }
0x314: {  	p3 =	por !p3, p1  }
0x315: {  	s14 =	simm.s32 @p3 $0xFFFFFFFF  }
0x316: {  	s14 =	smov.u32 @p1 s0  }
.LBB2_29:
0x317: {  	p1 =	sne.s32 s14, $0xFFFFFFFF  }
.Ltmp26:
0x318: {  	_ = 	snop;
	(pc) =	sbr.rel @!p1 .LBB2_30-.Ltmp26, $1  }
0x319: {  	_ =	sdelay $0x3  }
0x31a: {  	s0 =	sshll.u32 s11, $0x4  }
0x31b: {  	s0 =	sand.u32 $0x3FFFFFF0, s0  }
0x31c: {  	v0 =	vld [tilespmem:s0+$0x3678]  }
.Ltmp27:
0x31d: {  	_ = 	snop;
	(pc) =	sbr.rel .LBB2_32-.Ltmp27, $4  }
0x31e: {  	_ = 	snop  }
0x31f: {  	s31 =	sshll.u32 s14, $0x6  }
0x320: {  	s0 =	sshra.s32 s31, $0x2  }
0x321: {  	[tilespmem:s0+$0x3678] =	vst.add.f32.msk $0xffff, v0  }
.LBB2_33:
0x322: {  	s0 =	simm.s32 $0x6;
	p1 =	seq.s32 s6, $0x0  }
0x323: {  	[sflag:s0] =	ssyncpa.u1 $0x1;
	v0 =	vimm.s32 @p1 $0xFFFFFFFF  }
0x324: {  	s9 =	sadd.s32 $0xFFFFFFFF, s6;
	[tilespmem:$0x3878] =	vst @p1 v0  }
0x325: {  	v0 =	vld.msk @!p1 [tilespmem:s9+$0x3658], $0x1;
	_ =	sdelay $0x1  }
0x326: {  	v1 =	vld.msk @!p1 [tilespmem:$0x3658], $0x1;
	_ =	sdelay $0x2  }
0x327: {  	p2 =	seq.s32 @!p1 s9, $0x0;
	v0 =	vbroadcast @!p1 v0, $0x0  }
0x328: {  	vm0 =	vmmov @!p1 $0x1;
	p2 =	por !p2, p1  }
0x329: {  	v1 =	vnsel @!p1 vm0, $0xFFFFFFFF, v1;
	vm0 =	vcmask @!p1 $0x308;
	v0 =	vpsel !p2, $0xFFFFFFFF, v0  }
0x32a: {  	p2 =	sne.s32 @!p1 s8, s7;
	v0 =	vsel @!p1 vm0, v1, v0  }
0x32b: {  	s0 =	simm.s32 @!p1 $0x3678;
	s1 =	simm.s32 @!p1 $0x0;
	p3 =	por !p2, p1;
	[tilespmem:$0x3878] =	vst @!p1 v0  }
0x32c: {  	[spmem:s1] =	stream.linear.scatter @!p1 [tilespmem:s0], [sflag:$0x1], $0x10, $0x38;
	[tilespmem:$0x1F0F8] =	vst v63  }
0x32d: {  	s0 =	sshll.u32 @!p3 s9, $0x6  }
0x32e: {  	s0 =	sshra.s32 @!p3 s0, $0x2  }
0x32f: {  	s1 =	simm.s32 @!p3 $0x10;
	s0 =	sadd.s32 @!p3 $0x3678, s0  }
0x330: {  	[spmem:s1] =	stream.linear.scatter @!p3 [tilespmem:s0], [sflag:$0x1], $0x10, $0x38;
	[tilespmem:$0x1F0F8] =	vst v63  }
0x331: {  	s0 =	simm.s32 @!p3 $0x1  }
0x332: {  	_ =	swait.ge @!p3 [sflag:s0], $0x20  }
0x333: {  	p1 =	por p2, p1;
	[sflag:s0] =	ssyncset.done @!p3 $0x0  }
0x334: {  	[sflag:s0] =	ssyncadd.s32 @!p3 $0xFFFFFFE0;
	s0 =	simm.s32 @!p1 $0x1  }
0x335: {  	_ =	swait.ge @!p1 [sflag:s0], $0x10  }
0x336: {  	s29 =	simm.s32 $0x3878;
	[sflag:s0] =	ssyncset.done @!p1 $0x0  }
0x337: {  	s30 =	simm.s32 $0x200;
	s31 =	simm.s32 $0x1;
	[sflag:s0] =	ssyncadd.s32 @!p1 $0xFFFFFFF0  }
0x338: {  	[spmem:s30] =	stream.linear.scatter [tilespmem:s29], [sflag:$0x1], $0x10, $0x38;
	[tilespmem:$0x1F0F8] =	vst v63  }
0x339: {  	_ =	swait.ge [sflag:s31], $0x10  }
0x33a: {  	[sflag:s31] =	ssyncset.done $0x0  }
0x33b: {  	p1 =	seq.s32 s17, $0x0;
	s8 =	rddreg [dreg:$0x1];
	[sflag:s31] =	ssyncadd.s32 $0xFFFFFFF0  }
0x33c: {  	s1 =	sshll.u32 @p1 s8, $0xE;
	s7 =	rddreg [dreg:$0x2]  }
0x33d: {  	s0 =	sadd.s32 @p1 $0x15C3C, s1;
	s1 =	sshll.u32 @p1 s7, $0x11  }
0x33e: {  	_ =	sfence.stream.spmem;
	s0 =	sor.u32 @p1 s1, s0  }
0x33f: {  	[sflag:s0] =	ssyncadd.remote.s32 @p1 $0x1;
	s0 =	simm.s32 @p1 $0x4  }
0x340: {  	s2 =	simm.s32 @!p1 $0x3C;
	s1 =	sand.u32 $0xFFFFFFFE, s8;
	_ =	swait.ge @p1 [sflag:s0], $0x6  }
0x341: {  	s4 =	simm.s32 @!p1 $0x0;
	s1 =	sadd.s32 @!p1 $0x4, s1;
	[sflag:s0] =	ssyncset.done @p1 $0x0  }
0x342: {  	s5 =	simm.s32 @!p1 $0x20;
	[sflag:s0] =	ssyncadd.s32 @p1 $0xFFFFFFFA;
	s0 =	sshll.u32 @!p1 s1, $0x1A  }
0x343: {  	s1 =	sshll.u32 @!p1 s1, $0xD;
	s0 =	sor.u32 @!p1 s0, s7;
	_ =	swait.eq @!p1 [sflag:s2], $0x1  }
0x344: {  	s1 =	sor.u32 @!p1 $0x1C04, s1;
	s2 =	simm.s32 @!p1 $0x1C03;
	s0 =	sor.u32 @!p1 $0x80004000, s0  }
0x345: {  	[spmem:s5], [sflag:s1] =	dma.general @!p1 [spmem:s4], [sflag:s2], length:$0x4, [dreg:$0x0], stride_count:$0x0, ici_dest:s0, dma_misc:DstOpCode:WRITE  }
0x346: {  	p2 =	slt.s32 s9, $0x2;
	s4 =	simm.s32 @!p1 $0x40;
	s5 =	simm.s32 @!p1 $0x42  }
0x347: {  	[spmem:s5], [sflag:s1] =	dma.general @!p1 [spmem:s4], [sflag:s2], length:$0x2, [dreg:$0x0], stride_count:$0x0, ici_dest:s0, dma_misc:DstOpCode:WRITE  }
.Ltmp28:
0x348: {  	s0 =	simm.s32 @!p1 $0x3;
	(pc) =	sbr.rel @p2 .LBB2_37-.Ltmp28, $4  }
0x349: {  	s1 =	sshll.u32 @!p1 s8, $0xE;
	_ =	swait.ge @!p1 [sflag:s0], $0x6  }
0x34a: {  	s2 =	sshll.u32 @!p1 s7, $0x11;
	s1 =	sadd.s32 @!p1 $0x11C3C, s1;
	[sflag:s0] =	ssyncset.done @!p1 $0x0  }
0x34b: {  	[sflag:s0] =	ssyncadd.s32 @!p1 $0xFFFFFFFA;
	s0 =	sor.u32 @!p1 s2, s1  }
0x34c: {  	[sflag:s0] =	ssyncadd.remote.s32 @!p1 $0xFFFFFFFF;
	s0 =	simm.s32 $0x0  }
0x34d: {  	s0 =	simm.s32 $0x3659  }
0x34e: {  	v0 =	vld.msk [tilespmem:s0+$0x0], $0x1;
	_ =	sdelay $0x4  }
0x34f: {  	(v2sf) =	vpush v0, $0x0;
	_ =	sdelay $0xd  }
0x350: {  	s2 =	sadd.s32 $0xFFFFFFFE, s6  }
0x351: {  	s2 =	sadd.s32 $0xFFFFFFFF, s2;
	s0 =	spop (v2sf)  }
0x352: {  	p2 =	sne.s32 s2, $0x0;
	p1 =	sgt.u32 s0, $0x7FFFFF  }
.Ltmp29:
0x353: {  	s4 =	sand.u32 @!p1 $0x7FFFF8, s0;
	(pc) =	sbr.rel @!p2 .LBB2_36-.Ltmp29, $4  }
0x354: {  	s1 =	simm.s32 $0x3688;
	s0 =	sand.u32 @!p1 $0x7, s0;
	s4 =	sadd.s32 @!p1 s3, s4  }
0x355: {  	[hbm4b:s4+s0] =	stream.linear.scatter @!p1 [tilespmem:s1], [sflag:$0x5], $0x4, $0x38;
	[tilespmem:$0x1F0F8] =	vst v63  }
0x356: {  	s0 =	simm.s32 $0x0  }
0x357: {  	s6 =	simm.s32 $0x0;
	s7 =	simm.s32 $0x365A;
	s0 =	simm.s32 @!p1 $0x10  }
.LBB2_35:
0x358: {  	v0 =	vld.msk [tilespmem:s7+$0x0], $0x1;
	s2 =	sadd.s32 $0xFFFFFFFF, s2;
	s6 =	sadd.s32 s6, s0  }
0x359: {  	p1 =	sne.s32 s2, $0x0;
	_ =	sdelay $0x3  }
0x35a: {  	(v2sf) =	vpush v0, $0x0;
	_ =	sdelay $0xe  }
.Ltmp30:
0x35b: {  	s4 =	spop (v2sf);
	(pc) =	sbr.rel @p1 .LBB2_35-.Ltmp30, $4  }
0x35c: {  	s0 =	simm.s32 $0x0;
	p2 =	sgt.u32 s4, $0x7FFFFF  }
0x35d: {  	s1 =	sadd.s32 $0x10, s1;
	s0 =	simm.s32 @!p2 $0x10;
	s5 =	sand.u32 @!p2 $0x7FFFF8, s4  }
0x35e: {  	s7 =	sadd.s32 $0x1, s7;
	s4 =	sand.u32 @!p2 $0x7, s4;
	s5 =	sadd.s32 @!p2 s3, s5  }
0x35f: {  	[hbm4b:s5+s4] =	stream.linear.scatter @!p2 [tilespmem:s1], [sflag:$0x5], $0x4, $0x38;
	[tilespmem:$0x1F0F8] =	vst v63  }
.LBB2_36:
0x360: {  	s0 =	sadd.s32 s6, s0  }
0x361: {  	s0 =	sshrl.u32 s0, $0x2  }
.LBB2_37:
0x362: {  	s1 =	simm.s32 $0x5  }
0x363: {  	_ =	swait.ge [sflag:s1], s0  }
0x364: {  	s31 =	ssub.s32 $0x0, s0;
	[sflag:s1] =	ssyncset.done $0x0  }
0x365: {  	[sflag:s1] =	ssyncadd.s32 s31  }
0x366: {  	[sflag:s1] =	ssyncpa.u1 $0x1  }
.LBB2_38:
0x367: {  	s0 =	sor.u32 s17, s16  }
0x368: {  	p1 =	sne.s32 s0, $0x0  }
.Ltmp31:
0x369: {  	_ = 	snop;
	(pc) =	sbr.rel @p1 .LBB2_53-.Ltmp31, $3  }
0x36a: {  	_ =	sdelay $0x1  }
0x36b: {  	[bflag:$0x0] =	sbarrier.arrive $0xFFFF  }
0x36c: {  	_ =	sfence  }
0x36d: {  	s0 =	simm.s32 $0x7  }
0x36e: {  	s1 =	simm.s32 $0x200;
	s2 =	simm.s32 $0x3658;
	[sflag:s0] =	ssyncpa.u1 $0x0  }
0x36f: {  	[tilespmem:s2], [sflag:$0x7] =	stream.linear.gather [spmem:s1], $0x20, $0x38;
	[tilespmem:$0x1F0F8] =	vst v63  }
0x370: {  	s30 =	simm.s32 $0x3678;
	s1 =	simm.s32 $0x0  }
0x371: {  	[tilespmem:s30], [sflag:$0x7] =	stream.linear.gather [spmem:s1], $0x200, $0x38;
	[tilespmem:$0x1F0F8] =	vst v63  }
.Ltmp32:
0x372: {  	_ = 	snop;
	(pc) =	sbr.rel .LBB2_40-.Ltmp32, $4  }
0x373: {  	_ =	swait.ge [sflag:s0], $0x220  }
0x374: {  	[sflag:s0] =	ssyncset.done $0x0  }
0x375: {  	s31 =	simm.s32 $0x8;
	[sflag:s0] =	ssyncadd.s32 $0xFFFFFDE0  }
0x376: {  	s2 =	simm.s32 $0x0;
	[sflag:s31] =	ssyncpa.u1 $0x0  }
.LBB2_45:
0x377: {  	p1 =	slt.u32 s4, $0x800000  }
0x378: {  	s0 =	sand.u32 @p1 $0x7FFFF8, s4  }
0x379: {  	s4 =	sand.u32 @p1 $0x7, s4;
	s5 =	simm.s32 @p1 $0x3638;
	s0 =	sadd.s32 @p1 s3, s0  }
0x37a: {  	[tilespmem:s5], [sflag:$0x8] =	stream.linear.gather @p1 [hbm4b:s0+s4], $0x4, $0x38;
	[tilespmem:$0x1F0F8] =	vst v63  }
0x37b: {  	s0 =	simm.s32 @p1 $0x8  }
0x37c: {  	_ =	swait.ge @p1 [sflag:s0], $0x4  }
0x37d: {  	[sflag:s0] =	ssyncset.done @p1 $0x0  }
0x37e: {  	[sflag:s0] =	ssyncadd.s32 @p1 $0xFFFFFFFC  }
0x37f: {  	v1 =	vld @p1 [tilespmem:$0x3638];
	_ =	sdelay $0x2  }
0x380: {  	s0 =	sshll.u32 @p1 s2, $0x6  }
0x381: {  	s5 =	sshll.u32 @!p1 s2, $0x6;
	s4 =	sshrl.u32 @p1 s0, $0x2  }
0x382: {  	s5 =	smov.u32 @p1 s0;
	[tilespmem:s4+$0x3678] =	vst.add.f32.msk @p1 $0xffff, v1  }
0x383: {  	s0 =	sshrl.u32 s5, $0x2;
	[tilespmem:s1+$0x3658] =	vst.msk $0x1, v0  }
0x384: {  	v0 =	vld [tilespmem:s0+$0x3678];
	_ =	sdelay $0x2  }
0x385: {  	s31 =	sshll.u32 s1, $0x6  }
0x386: {  	s0 =	sshra.s32 s31, $0x2  }
0x387: {  	s1 =	sadd.s32 $0x1, s1;
	[tilespmem:s0+$0x3678] =	vst v0  }
.LBB2_47:
0x388: {  	s2 =	sadd.s32 $0x1, s2  }
0x389: {  	p1 =	sne.s32 s2, $0x20  }
.Ltmp33:
0x38a: {  	_ = 	snop;
	(pc) =	sbr.rel @!p1 .LBB2_48-.Ltmp33, $1  }
0x38b: {  	_ =	sdelay $0x3  }
.LBB2_40:
0x38c: {  	v0 =	vld.msk [tilespmem:s2+$0x3658], $0x1;
	_ =	sdelay $0x4  }
0x38d: {  	(v2sf) =	vpush v0, $0x0;
	_ =	sdelay $0xe  }
0x38e: {  	s4 =	spop (v2sf)  }
0x38f: {  	p1 =	seq.s32 s4, $0xFFFFFFFF  }
.Ltmp34:
0x390: {  	_ = 	snop;
	(pc) =	sbr.rel @p1 .LBB2_47-.Ltmp34, $1  }
0x391: {  	_ =	sdelay $0x3  }
0x392: {  	p1 =	slt.s32 s1, $0x1  }
.Ltmp35:
0x393: {  	_ = 	snop;
	(pc) =	sbr.rel @p1 .LBB2_45-.Ltmp35, $1  }
0x394: {  	_ =	sdelay $0x3  }
0x395: {  	s5 =	simm.s32 $0x3658;
	p1 =	por $0x0, $0x0  }
0x396: {  	v1 =	vld.msk @!p1 [tilespmem:s5+$0x0], $0x1;
	_ =	sdelay $0x4  }
0x397: {  	(v2sf) =	vpush @!p1 v1, $0x0;
	_ =	sdelay $0xd  }
0x398: {  	p3 =	sne.s32 s1, $0x1  }
.Ltmp36:
0x399: {  	s0 =	spop @!p1 (v2sf);
	(pc) =	sbr.rel @!p3 .LBB2_44-.Ltmp36, $4  }
0x39a: {  	p2 =	seq.s32 @!p1 s4, s0  }
0x39b: {  	s6 =	simm.s32 $0x0;
	p2 =	por !p2, p1  }
0x39c: {  	s0 =	simm.s32 $0xFFFFFFFF;
	s6 =	simm.s32 @p2 $0xFFFFFFFF  }
0x39d: {  	s7 =	simm.s32 $0x1;
	s6 =	smov.u32 @p1 s0  }
.LBB2_43:
0x39e: {  	s0 =	smov.u32 s6;
	p1 =	sne.s32 s6, $0xFFFFFFFF  }
0x39f: {  	s5 =	sadd.s32 $0x1, s5;
	s6 =	smov.u32 s7;
	s7 =	sadd.s32 $0x1, s7  }
0x3a0: {  	p2 =	sne.s32 s1, s7;
	v1 =	vld.msk @!p1 [tilespmem:s5+$0x0], $0x1;
	_ =	sdelay $0x4  }
0x3a1: {  	(v2sf) =	vpush @!p1 v1, $0x0;
	_ =	sdelay $0xe  }
.Ltmp37:
0x3a2: {  	s8 =	spop @!p1 (v2sf);
	(pc) =	sbr.rel @p2 .LBB2_43-.Ltmp37, $4  }
0x3a3: {  	p3 =	seq.s32 @!p1 s4, s8  }
0x3a4: {  	p3 =	por !p3, p1  }
0x3a5: {  	s6 =	simm.s32 @p3 $0xFFFFFFFF  }
0x3a6: {  	s6 =	smov.u32 @p1 s0  }
.LBB2_44:
0x3a7: {  	p1 =	sne.s32 s6, $0xFFFFFFFF  }
.Ltmp38:
0x3a8: {  	_ = 	snop;
	(pc) =	sbr.rel @!p1 .LBB2_45-.Ltmp38, $1  }
0x3a9: {  	_ =	sdelay $0x3  }
0x3aa: {  	s0 =	sshll.u32 s2, $0x4  }
0x3ab: {  	s0 =	sand.u32 $0x3FFFFFF0, s0  }
0x3ac: {  	v0 =	vld [tilespmem:s0+$0x3678]  }
.Ltmp39:
0x3ad: {  	_ = 	snop;
	(pc) =	sbr.rel .LBB2_47-.Ltmp39, $4  }
0x3ae: {  	_ = 	snop  }
0x3af: {  	s31 =	sshll.u32 s6, $0x6  }
0x3b0: {  	s0 =	sshra.s32 s31, $0x2  }
0x3b1: {  	[tilespmem:s0+$0x3678] =	vst.add.f32.msk $0xffff, v0  }
.LBB2_48:
0x3b2: {  	p1 =	slt.s32 s1, $0x1  }
.Ltmp40:
0x3b3: {  	_ = 	snop;
	(pc) =	sbr.rel @p1 .LBB2_52-.Ltmp40, $3  }
0x3b4: {  	_ =	sdelay $0x1  }
0x3b5: {  	s0 =	simm.s32 $0x8  }
0x3b6: {  	s2 =	simm.s32 $0x0;
	[sflag:s0] =	ssyncpa.u1 $0x1  }
0x3b7: {  	s0 =	simm.s32 $0x3658  }
0x3b8: {  	v0 =	vld.msk [tilespmem:s0+$0x0], $0x1;
	_ =	sdelay $0x4  }
0x3b9: {  	(v2sf) =	vpush v0, $0x0;
	_ =	sdelay $0xe  }
0x3ba: {  	s1 =	sadd.s32 $0xFFFFFFFF, s1;
	s0 =	spop (v2sf)  }
0x3bb: {  	p2 =	sne.s32 s1, $0x0;
	p1 =	sgt.u32 s0, $0x7FFFFF  }
.Ltmp41:
0x3bc: {  	s5 =	sand.u32 @!p1 $0x7FFFF8, s0;
	(pc) =	sbr.rel @!p2 .LBB2_51-.Ltmp41, $4  }
0x3bd: {  	s4 =	simm.s32 $0x3678;
	s0 =	sand.u32 @!p1 $0x7, s0;
	s5 =	sadd.s32 @!p1 s3, s5  }
0x3be: {  	[hbm4b:s5+s0] =	stream.linear.scatter @!p1 [tilespmem:s4], [sflag:$0x7], $0x4, $0x38;
	[tilespmem:$0x1F0F8] =	vst v63  }
0x3bf: {  	s0 =	simm.s32 $0x0  }
0x3c0: {  	s5 =	simm.s32 $0x3659;
	s0 =	simm.s32 @!p1 $0x10  }
.LBB2_50:
0x3c1: {  	v0 =	vld.msk [tilespmem:s5+$0x0], $0x1;
	s1 =	sadd.s32 $0xFFFFFFFF, s1;
	s2 =	sadd.s32 s2, s0  }
0x3c2: {  	p1 =	sne.s32 s1, $0x0;
	_ =	sdelay $0x3  }
0x3c3: {  	(v2sf) =	vpush v0, $0x0;
	_ =	sdelay $0xe  }
.Ltmp42:
0x3c4: {  	s6 =	spop (v2sf);
	(pc) =	sbr.rel @p1 .LBB2_50-.Ltmp42, $4  }
0x3c5: {  	s0 =	simm.s32 $0x0;
	p2 =	sgt.u32 s6, $0x7FFFFF  }
0x3c6: {  	s4 =	sadd.s32 $0x10, s4;
	s0 =	simm.s32 @!p2 $0x10;
	s7 =	sand.u32 @!p2 $0x7FFFF8, s6  }
0x3c7: {  	s5 =	sadd.s32 $0x1, s5;
	s6 =	sand.u32 @!p2 $0x7, s6;
	s7 =	sadd.s32 @!p2 s3, s7  }
0x3c8: {  	[hbm4b:s7+s6] =	stream.linear.scatter @!p2 [tilespmem:s4], [sflag:$0x7], $0x4, $0x38;
	[tilespmem:$0x1F0F8] =	vst v63  }
.LBB2_51:
0x3c9: {  	s0 =	sadd.s32 s2, s0  }
0x3ca: {  	s2 =	sshrl.u32 s0, $0x2  }
.LBB2_52:
0x3cb: {  	s0 =	simm.s32 $0x7  }
0x3cc: {  	_ =	swait.ge [sflag:s0], s2  }
0x3cd: {  	s1 =	ssub.s32 $0x0, s2;
	[sflag:s0] =	ssyncset.done $0x0  }
0x3ce: {  	[sflag:s0] =	ssyncadd.s32 s1  }
0x3cf: {  	[sflag:s0] =	ssyncpa.u1 $0x1  }
.LBB2_53:
0x3d0: {  	_ =	sfence;
	s0 =	simm.s32 $0x1  }
0x3d1: {  	[sflag:s0] =	ssyncpa.u1 $0x1  }
0x3d2: {  	_ =	strace $0x90000047  }
0x3d3: {  	[bflag:$0x2] =	sbarrier.arrive $0xFFFF  }
0x3d4: {  	s0 =	rddreg [dreg:$0x3]  }
0x3d5: {  	s0 =	sadd.s32 @!p0 $0x100000, s0  }
0x3d6: {  	[sflag:s0] =	ssyncadd.tile.s32 @!p0 $0x1;
	_ =	shalt  }
.Lfunc_end2:
_tile_overlayer_lowered:
.L_overlay_start_2:
0x3d7: {  	(tag) =	ssettag $0x2  }
0x3d8: {  	s0 =	rddreg [dreg:$0x0];
	s2 =	stileid.u32  }
0x3d9: {  	s1 =	rddreg [dreg:$0x1];
	p0 =	sne.s32 s2, $0x0  }
0x3da: {  	s3 =	rddreg [dreg:$0x2];
	[bflag:$0x3] =	sbarrier.arrive $0xFFFF;
	s2 =	simm.s32 @!p0 $0x1C01  }
0x3db: {  	[timem:s3], [sflag:s2] =	dma.local @!p0 [hbm:s0], s1  }
0x3dc: {  	s0 =	simm.s32 @!p0 $0x1  }
0x3dd: {  	_ =	swait.ge @!p0 [sflag:s0], s1  }
0x3de: {  	s1 =	ssub.s32 @!p0 $0x0, s1;
	[sflag:s0] =	ssyncset.done @!p0 $0x0  }
0x3df: {  	[sflag:s0] =	ssyncadd.s32 @!p0 s1  }
0x3e0: {  	[bflag:$0x3] =	sbarrier.arrive $0xFFFF  }
0x3e1: {  	_ =	shalt  }

// kernel: sparse-core-data-format-call.1.cloned.1.call-start
scs
called_computation.3_lowered:
.L_overlay_start_0:
0x0: {  	s2 =	sld [smem:$0x3FD9]  }
0x1: {  	s3 =	sld [smem:$0x3FFE];
	_ =	sdelay $0x1  }
0x2: {  	s1 =	srdreg.scid  }
0x3: {  	s0 =	sand.u32 $0x1, s1  }
0x4: {  	s16 =	sshll.u32 s0, $0xA;
	s2 =	sadd.s32 s3, s2  }
0x5: {  	s2 =	sadd.s32 s2, s16  }
0x6: {  	[smem:$0x3FC2] =	sst s2  }
0x7: {  	_ = 	snop  }
0x8: {  	s2 =	sld [smem:$0x3FD0];
	_ =	sdelay $0x2  }
0x9: {  	s17 =	simm.s32 $0xB;
	s4 =	simm.s32 $0x10  }
0xa: {  	[smem:s4], [sflag:s17] =	dma.local [hbm:s2], $0x1  }
0xb: {  	_ =	swait.eq [sflag:s17], $0x1  }
0xc: {  	[sflag:s17] =	ssyncset.done $0x0  }
0xd: {  	[sflag:s17] =	ssyncadd.s32 $0xFFFFFFFF  }
0xe: {  	s18 =	sld [smem:$0x10];
	(tm) =	ssettm $0x1  }
0xf: {  	s19 =	sld [smem:$0x3FFB];
	_ =	sdelay $0x3  }
0x10: {  	_ =	strace s19  }
0x11: {  	s2 =	sld [smem:$0x3FFC];
	_ =	sdelay $0x3  }
0x12: {  	_ =	strace s2  }
0x13: {  	s2 =	sld [smem:$0x3FFD];
	_ =	sdelay $0x3  }
0x14: {  	_ =	strace s2  }
0x15: {  	_ =	strace $0x8FFFFFFF  }
0x16: {  	s20 =	sld [smem:$0x3FDB];
	_ =	sdelay $0x1  }
0x17: {  	s21 =	simm.s32 $_scs_section_size  }
0x18: {  	s5 =	simm.s32 $_size__tile_overlayer_lowered;
	s6 =	simm.s32 $_tile_overlayer_lowered  }
0x19: {  	s7 =	simm.s32 $0x1BFF;
	s22 =	sshll.u32 s6, $0x1;
	s4 =	sadd.s32 s21, s20  }
0x1a: {  	s23 =	simm.s32 $0x0;
	s5 =	sshll.u32 s5, $0x1;
	s6 =	sadd.s32 s22, s4  }
0x1b: {  	[timem:s23], [sflag:s7] =	dma.local [hbm:s6], s5  }
0x1c: {  	_ =	swait.ge [sflag:s7], s5  }
0x1d: {  	s5 =	ssub.s32 $0x0, s5;
	[sflag:s7] =	ssyncset.done $0x0  }
0x1e: {  	[sflag:s7] =	ssyncadd.s32 s5;
	_ =	sdelay $0x1  }
0x1f: {  	s24 =	simm.s32 $0x1B8B  }
0x20: {  	_ =	swait.ge [sflag:s24], $0x1  }
0x21: {  	[sflag:s24] =	ssyncset.done $0x0  }
0x22: {  	[sflag:s24] =	ssyncadd.s32 $0xFFFFFFFF  }
0x23: {  	s5 =	sld [smem:$0x0]  }
0x24: {  	s6 =	sand.u32 $0xFFFFFFFE, s1  }
0x25: {  	p0 =	sne.s32 s1, s6  }
0x26: {  	s6 =	sshll.u32 @p0 s6, $0xE  }
0x27: {  	s6 =	sadd.s32 @p0 $0x11B8D, s6;
	s7 =	sshll.u32 @p0 s5, $0x11  }
0x28: {  	s6 =	sor.u32 @p0 s7, s6  }
0x29: {  	[sflag:s6] =	ssyncadd.remote.s32 @p0 $0x1;
	_ =	sdelay $0x1  }
0x2a: {  	s6 =	simm.s32 @p0 $0x1B8D  }
0x2b: {  	_ =	swait.eq @p0 [sflag:s6], $0x1  }
0x2c: {  	[sflag:s6] =	ssyncadd.s32 @p0 $0xFFFFFFFF  }
0x2d: {  	s7 =	sshll.u32 @!p0 s1, $0xE  }
0x2e: {  	s7 =	sor.u32 @!p0 $0x4000, s7;
	s6 =	simm.s32 @!p0 $0x1B8D  }
0x2f: {  	s5 =	sshll.u32 @!p0 s5, $0x11;
	s7 =	sadd.s32 @!p0 $0x11B8D, s7;
	_ =	swait.eq @!p0 [sflag:s6], $0x1  }
0x30: {  	s5 =	sor.u32 @!p0 s5, s7;
	[sflag:s6] =	ssyncadd.s32 @!p0 $0xFFFFFFFF  }
0x31: {  	s26 =	simm.s32 $0x1B8E;
	s25 =	sld [smem:$0x3FFE];
	[sflag:s5] =	ssyncadd.remote.s32 @!p0 $0x1  }
0x32: {  	s27 =	simm.s32 $execute0_lowered;
	[smem:$0x3FD2] =	sst s26  }
0x33: {  	s6 =	sshll.u32 s27, $0x1;
	_ =	strace $0x80000058;
	[dreg:$0x1] =	wrdreg $0xFFFFFFFF  }
0x34: {  	s28 =	simm.s32 $_size_execute0_lowered;
	s4 =	sadd.s32 s4, s6;
	[dreg:$0x0] =	wrdreg $0x0  }
0x35: {  	s6 =	sshll.u32 s28, $0x1;
	[dreg:$0x2] =	wrdreg s4  }
0x36: {  	[dreg:$0x3] =	wrdreg s6  }
0x37: {  	[dreg:$0x4] =	wrdreg $0xC0  }
0x38: {  	_ =	task [dreg:s23], $0x5FFFF  }
0x39: {  	[dreg:$0x1] =	wrdreg $0xFFFFFFFF  }
0x3a: {  	[dreg:$0x0] =	wrdreg $0x60  }
0x3b: {  	[dreg:$0x2] =	wrdreg s25  }
0x3c: {  	[dreg:$0x3] =	wrdreg s18  }
0x3d: {  	[dreg:$0x4] =	wrdreg $0xA  }
0x3e: {  	_ =	task.clear_ibuf [dreg:s23], $0x5FFFF;
	_ =	strace $0x90000058  }
0x3f: {  	s29 =	simm.s32 $0xA;
	_ =	strace $0x8000005A  }
0x40: {  	_ =	swait.ge [sflag:s29], $0x1  }
0x41: {  	[sflag:s29] =	ssyncadd.s32 $0xFFFFFFFF  }
0x42: {  	_ =	strace $0x9000005A  }
0x43: {  	_ =	sfence  }
0x44: {  	s30 =	sld [smem:$0x0];
	_ =	sdelay $0x2  }
0x45: {  	s31 =	sshll.u32 s1, $0xD;
	s1 =	sshrl.u32 s1, $0x2  }
0x46: {  	s4 =	sand.u32 $0x4000, s31;
	s1 =	sadd.s32 s1, s30  }
0x47: {  	s0 =	sor.u32 s4, s0;
	s1 =	sshll.u32 s1, $0x11  }
0x48: {  	s0 =	sor.u32 s1, s0  }
0x49: {  	s0 =	sadd.s32 $0x8F2B, s0  }
0x4a: {  	[sflag:s0] =	ssyncadd.remote.s32 $0x1  }
0x4b: {  	_ =	sfence.sel $0xFFFF  }
0x4c: {  	[dreg:$0x0] =	wrdreg $0xFFFFFFFF;
	(pc) =	sbr.abs _section_cstart, $3  }
0x4d: {  	[dreg:$0x1] =	wrdreg $0xFFFFFFFF  }
0x4e: {  	_ =	task.clear_ibuf [dreg:s23], $0x2FFFF;
	_ =	strace $0x9FFFFFFF  }
0x4f: {  	(tm) =	ssettm $0x7FFFFFFF  }
tec
execute0_lowered:
.L_overlay_start_1:
0x0: {  	(tag) =	ssettag $0x1  }
0x1: {  	s0 =	rddreg [dreg:$0x0]  }
0x2: {  	_ =	strace $0x80000059;
	s30 =	srdreg.scid;
	s2 =	stileid.u32  }
0x3: {  	s1 =	simm.s32 $0x1;
	s31 =	simm.s32 $0x2;
	s12 =	simm.s32 $0x0  }
.Ltmp0:
0x4: {  	s11 =	simm.s32 $0x0;
	s13 =	simm.s32 $0x0;
	(pc) =	sbr.rel .LBB1_1-.Ltmp0, $4  }
0x5: {  	s8 =	simm.s32 $0x0;
	s5 =	sadd.s32 $0x1200, s0;
	s0 =	sshll.u32 s30, $0x4  }
0x6: {  	s9 =	simm.s32 $0x0;
	s7 =	simm.s32 $0x0;
	s0 =	sand.u32 $0x10, s0  }
0x7: {  	[sflag:s1] =	ssyncpa.u1 $0x0;
	[dreg:$0x3] =	wrdreg s5;
	s6 =	sor.u32 s2, s0  }
0x8: {  	[sflag:s31] =	ssyncpa.u1 $0x0;
	s10 =	smov.u32 s6;
	[dreg:$0x4] =	wrdreg s6  }
.LBB1_5:
0x9: {  	s0 =	sadd.s32 $0x20, s8  }
0xa: {  	s1 =	simm.s32 $0x1;
	p1 =	sgt.s32 s0, $0x1FF  }
0xb: {  	s1 =	simm.s32 @!p1 $0x0  }
0xc: {  	s1 =	sadd.s32 s1, s9  }
0xd: {  	s3 =	sadd.s32 $0x20, s10;
	s4 =	smov.u32 s10;
	p2 =	sgt.s32 s1, $0x1  }
0xe: {  	p0 =	slt.u32 s7, $0x2;
	s4 =	smov.u32 @p2 s3  }
0xf: {  	s7 =	sadd.s32 $0x1, s7;
	s0 =	simm.s32 @p1 $0x0;
	p1 =	sgt.s32 s4, $0x3F  }
0x10: {  	s4 =	smov.u32 @p1 s6;
	p1 =	sne.s32 s7, $0x42  }
.Ltmp1:
0x11: {  	_ = 	snop;
	(pc) =	sbr.rel @!p1 .LBB1_6-.Ltmp1, $4  }
0x12: {  	s12 =	smov.u32 s8;
	s2 =	simm.s32 @!p0 $0x2  }
0x13: {  	s11 =	smov.u32 s9;
	s13 =	smov.u32 s10;
	_ =	swait.ge @!p0 [sflag:s2], $0x4000  }
0x14: {  	[sflag:s2] =	ssyncset.done @!p0 $0x0;
	s8 =	smov.u32 s0;
	s1 =	simm.s32 @p2 $0x0  }
0x15: {  	[sflag:s2] =	ssyncadd.s32 @!p0 $0xFFFFC000;
	s9 =	smov.u32 s1;
	s10 =	smov.u32 s4  }
.LBB1_1:
0x16: {  	p0 =	sgt.u32 s7, $0x3F  }
0x17: {  	s0 =	sxor.u32 @!p0 $0xFFFFFFFF, s7;
	s1 =	sshll.u32 @!p0 s8, $0x9;
	s2 =	sshll.u32 @!p0 s8, $0x7  }
0x18: {  	s3 =	sshll.u32 @!p0 s10, $0x10;
	s1 =	sand.u32 @!p0 $0x3F000, s1;
	s2 =	sand.u32 @!p0 $0x380, s2  }
0x19: {  	s4 =	sshll.u32 @!p0 s9, $0xF;
	s1 =	sor.u32 @!p0 s2, s1;
	s2 =	sadd.s32 @!p0 s5, s3  }
0x1a: {  	s0 =	sshll.u32 @!p0 s0, $0xE;
	s1 =	sshrl.u32 @!p0 s1, $0x3;
	s2 =	sadd.s32 @!p0 s4, s2  }
0x1b: {  	s0 =	sand.u32 @!p0 $0x4000, s0;
	s1 =	sadd.s32 @!p0 s1, s2;
	s2 =	simm.s32 @!p0 $0x0  }
0x1c: {  	[tilespmem:s0], [sflag:$0x1] =	stream.linear.gather @!p0 [hbm4b:s1+s2], $0x4000, $0x38;
	[tilespmem:$0x10000] =	vst v63  }
0x1d: {  	p0 =	seq.s32 s7, $0x0  }
0x1e: {  	p1 =	seq.s32 @!p0 s7, $0x41  }
0x1f: {  	p0 =	por p0, p1  }
.Ltmp2:
0x20: {  	_ = 	snop;
	(pc) =	sbr.rel @p0 .LBB1_5-.Ltmp2, $1  }
0x21: {  	_ =	sdelay $0x3  }
0x22: {  	[dreg:$0xb] =	wrdreg s13  }
0x23: {  	[dreg:$0xa] =	wrdreg s12  }
0x24: {  	[dreg:$0x9] =	wrdreg s11  }
0x25: {  	[dreg:$0x8] =	wrdreg s10  }
0x26: {  	[dreg:$0x7] =	wrdreg s9;
	s0 =	sshll.u32 s7, $0xE  }
0x27: {  	[dreg:$0x6] =	wrdreg s8;
	s0 =	sand.u32 $0x4000, s0  }
0x28: {  	[dreg:$0x5] =	wrdreg s7;
	s4 =	simm.s32 $0x1;
	v1 =	vmov s0  }
0x29: {  	s1 =	simm.s32 $0x0;
	_ =	swait.ge [sflag:s4], $0x4000  }
0x2a: {  	s2 =	sand.u32 $0x3000, s1;
	s3 =	sand.u32 $0x380, s1;
	s1 =	sand.u32 $0x180, s1  }
0x2b: {  	[sflag:s4] =	ssyncset.done $0x0;
	s15 =	sor.u32 s3, s2;
	s9 =	sor.u32 $0x8000, s0  }
0x2c: {  	[sflag:s4] =	ssyncadd.s32 $0xFFFFC000;
	s2 =	sand.u32 $0x3200, s15;
	s3 =	sor.u32 $0x410, s15  }
0x2d: {  	s10 =	sor.u32 s1, s2;
	v2 =	vld.idx.msk [tilespmem:v1+s3+$0x0 ss:$0x1], $0xffff;
	[dreg:$0xc] =	wrdreg s9  }
0x2e: {  	v0 =	vmov s9;
	s1 =	sor.u32 $0xC00, s10;
	v3 =	vld.idx.msk [tilespmem:v1+s10+$0x0 ss:$0x1], $0xffff  }
0x2f: {  	s2 =	sor.u32 $0x10, s10;
	v4 =	vld.idx.msk [tilespmem:v1+s1+$0x0 ss:$0x1], $0xffff  }
0x30: {  	s11 =	sor.u32 $0x20, s10;
	v5 =	vld.idx.msk [tilespmem:v1+s2+$0x0 ss:$0x1], $0xffff  }
0x31: {  	s6 =	sor.u32 $0x30, s10;
	v6 =	vld.idx.msk [tilespmem:v1+s11+$0x0 ss:$0x1], $0xffff  }
0x32: {  	s16 =	sor.u32 $0x40, s10;
	v7 =	vld.idx.msk [tilespmem:v1+s6+$0x0 ss:$0x1], $0xffff  }
0x33: {  	s29 =	sor.u32 $0x840, s15;
	v8 =	vld.idx.msk [tilespmem:v1+s16+$0x0 ss:$0x1], $0xffff;
	[tilespmem:v0+s3+$0x0 ss:$0x1] =	vst.idx.msk $0xffff, v2  }
0x34: {  	s17 =	sor.u32 $0x50, s10;
	v9 =	vld.idx.msk [tilespmem:v1+s29+$0x0 ss:$0x1], $0xffff;
	[tilespmem:v0+s10+$0x0 ss:$0x1] =	vst.idx.msk $0xffff, v3  }
0x35: {  	s12 =	sor.u32 $0x60, s10;
	v2 =	vld.idx.msk [tilespmem:v1+s17+$0x0 ss:$0x1], $0xffff;
	[tilespmem:v0+s1+$0x0 ss:$0x1] =	vst.idx.msk $0xffff, v4  }
0x36: {  	s18 =	sor.u32 $0x70, s10;
	v3 =	vld.idx.msk [tilespmem:v1+s12+$0x0 ss:$0x1], $0xffff;
	[tilespmem:v0+s2+$0x0 ss:$0x1] =	vst.idx.msk $0xffff, v5  }
0x37: {  	s13 =	sor.u32 $0x400, s10;
	v4 =	vld.idx.msk [tilespmem:v1+s18+$0x0 ss:$0x1], $0xffff;
	[tilespmem:v0+s11+$0x0 ss:$0x1] =	vst.idx.msk $0xffff, v6  }
0x38: {  	s0 =	sor.u32 $0x800, s10;
	v5 =	vld.idx.msk [tilespmem:v1+s13+$0x0 ss:$0x1], $0xffff;
	[tilespmem:v0+s6+$0x0 ss:$0x1] =	vst.idx.msk $0xffff, v7  }
0x39: {  	s14 =	sor.u32 $0x420, s15;
	v6 =	vld.idx.msk [tilespmem:v1+s0+$0x0 ss:$0x1], $0xffff;
	[tilespmem:v0+s16+$0x0 ss:$0x1] =	vst.idx.msk $0xffff, v8  }
0x3a: {  	s23 =	sor.u32 $0x470, s15;
	v7 =	vld.idx.msk [tilespmem:v1+s14+$0x0 ss:$0x1], $0xffff;
	[tilespmem:v0+s29+$0x0 ss:$0x1] =	vst.idx.msk $0xffff, v9  }
0x3b: {  	s19 =	sor.u32 $0x430, s15;
	v8 =	vld.idx.msk [tilespmem:v1+s23+$0x0 ss:$0x1], $0xffff;
	[tilespmem:v0+s17+$0x0 ss:$0x1] =	vst.idx.msk $0xffff, v2  }
0x3c: {  	s20 =	sor.u32 $0x440, s15;
	v2 =	vld.idx.msk [tilespmem:v1+s19+$0x0 ss:$0x1], $0xffff;
	[tilespmem:v0+s12+$0x0 ss:$0x1] =	vst.idx.msk $0xffff, v3  }
0x3d: {  	s21 =	sor.u32 $0x450, s15;
	v3 =	vld.idx.msk [tilespmem:v1+s20+$0x0 ss:$0x1], $0xffff;
	[tilespmem:v0+s18+$0x0 ss:$0x1] =	vst.idx.msk $0xffff, v4  }
0x3e: {  	s22 =	sor.u32 $0x460, s15;
	v4 =	vld.idx.msk [tilespmem:v1+s21+$0x0 ss:$0x1], $0xffff;
	[tilespmem:v0+s13+$0x0 ss:$0x1] =	vst.idx.msk $0xffff, v5  }
0x3f: {  	s26 =	sor.u32 $0x810, s15;
	v5 =	vld.idx.msk [tilespmem:v1+s22+$0x0 ss:$0x1], $0xffff;
	[tilespmem:v0+s0+$0x0 ss:$0x1] =	vst.idx.msk $0xffff, v6  }
0x40: {  	s25 =	sor.u32 $0x860, s15;
	[tilespmem:v0+s14+$0x0 ss:$0x1] =	vst.idx.msk $0xffff, v7;
	v6 =	vld.idx.msk [tilespmem:v1+s26+$0x0 ss:$0x1], $0xffff  }
0x41: {  	s24 =	sor.u32 $0x870, s15;
	[tilespmem:v0+s23+$0x0 ss:$0x1] =	vst.idx.msk $0xffff, v8;
	v8 =	vld.idx.msk [tilespmem:v1+s25+$0x0 ss:$0x1], $0xffff  }
0x42: {  	s27 =	sor.u32 $0x820, s15;
	v7 =	vld.idx.msk [tilespmem:v1+s24+$0x0 ss:$0x1], $0xffff;
	[tilespmem:v0+s19+$0x0 ss:$0x1] =	vst.idx.msk $0xffff, v2  }
0x43: {  	s28 =	sor.u32 $0x830, s15;
	v2 =	vld.idx.msk [tilespmem:v1+s27+$0x0 ss:$0x1], $0xffff;
	[tilespmem:v0+s20+$0x0 ss:$0x1] =	vst.idx.msk $0xffff, v3  }
0x44: {  	s30 =	sor.u32 $0x850, s15;
	v3 =	vld.idx.msk [tilespmem:v1+s28+$0x0 ss:$0x1], $0xffff;
	[tilespmem:v0+s21+$0x0 ss:$0x1] =	vst.idx.msk $0xffff, v4  }
0x45: {  	s23 =	sor.u32 $0xC10, s15;
	[tilespmem:v0+s22+$0x0 ss:$0x1] =	vst.idx.msk $0xffff, v5;
	v5 =	vld.idx.msk [tilespmem:v1+s30+$0x0 ss:$0x1], $0xffff  }
0x46: {  	[tilespmem:v0+s26+$0x0 ss:$0x1] =	vst.idx.msk $0xffff, v6;
	s22 =	sor.u32 $0xC20, s15;
	v6 =	vld.idx.msk [tilespmem:v1+s23+$0x0 ss:$0x1], $0xffff  }
0x47: {  	s21 =	sor.u32 $0xC40, s15;
	[tilespmem:v0+s25+$0x0 ss:$0x1] =	vst.idx.msk $0xffff, v8;
	v4 =	vld.idx.msk [tilespmem:v1+s22+$0x0 ss:$0x1], $0xffff  }
0x48: {  	s31 =	simm.s32 $0x200;
	s16 =	sor.u32 $0xC70, s15;
	s20 =	sor.u32 $0xC30, s15;
	[tilespmem:v0+s27+$0x0 ss:$0x1] =	vst.idx.msk $0xffff, v2;
	v2 =	vld.idx.msk [tilespmem:v1+s21+$0x0 ss:$0x1], $0xffff  }
0x49: {  	s18 =	sor.u32 $0xC60, s15;
	s19 =	sor.u32 $0xC50, s15;
	s15 =	simm.s32 $0x80;
	[tilespmem:v0+s28+$0x0 ss:$0x1] =	vst.idx.msk $0xffff, v3;
	v3 =	vld.idx.msk [tilespmem:v1+s20+$0x0 ss:$0x1], $0xffff  }
0x4a: {  	s17 =	simm.s32 $0x400;
	s0 =	sand.u32 $0x3000, s31;
	s1 =	sand.u32 $0x380, s15;
	[tilespmem:v0+s30+$0x0 ss:$0x1] =	vst.idx.msk $0xffff, v5;
	v5 =	vld.idx.msk [tilespmem:v1+s19+$0x0 ss:$0x1], $0xffff  }
.LBB1_3:
0x4b: {  	p0 =	sne.s32 s17, $0x3E00;
	s28 =	sor.u32 s1, s0;
	[tilespmem:v0+s24+$0x0 ss:$0x1] =	vst.idx.msk $0xffff, v7;
	v7 =	vld.idx.msk [tilespmem:v1+s18+$0x0 ss:$0x1], $0xffff  }
0x4c: {  	s0 =	sand.u32 $0x180, s15;
	s1 =	sand.u32 $0x3200, s28;
	s6 =	sor.u32 $0x410, s28;
	[tilespmem:v0+s23+$0x0 ss:$0x1] =	vst.idx.msk $0xffff, v6;
	v6 =	vld.idx.msk [tilespmem:v1+s16+$0x0 ss:$0x1], $0xffff  }
0x4d: {  	s26 =	sor.u32 $0x420, s28;
	s25 =	sor.u32 $0x430, s28;
	s23 =	sor.u32 s0, s1;
	v8 =	vld.idx.msk [tilespmem:v1+s6+$0x0 ss:$0x1], $0xffff;
	[tilespmem:v0+s22+$0x0 ss:$0x1] =	vst.idx.msk $0xffff, v4  }
0x4e: {  	v4 =	vld.idx.msk [tilespmem:v1+s23+$0x0 ss:$0x1], $0xffff;
	s5 =	sor.u32 $0x10, s23;
	s14 =	sor.u32 $0x20, s23;
	s22 =	sor.u32 $0xC00, s23;
	[tilespmem:v0+s20+$0x0 ss:$0x1] =	vst.idx.msk $0xffff, v3  }
0x4f: {  	s11 =	sor.u32 $0x30, s23;
	s13 =	sor.u32 $0x40, s23;
	s12 =	sor.u32 $0x50, s23;
	v3 =	vld.idx.msk [tilespmem:v1+s22+$0x0 ss:$0x1], $0xffff;
	[tilespmem:v0+s21+$0x0 ss:$0x1] =	vst.idx.msk $0xffff, v2  }
0x50: {  	s9 =	sor.u32 $0x60, s23;
	s8 =	sor.u32 $0x70, s23;
	s10 =	sor.u32 $0x400, s23;
	v2 =	vld.idx.msk [tilespmem:v1+s5+$0x0 ss:$0x1], $0xffff;
	[tilespmem:v0+s19+$0x0 ss:$0x1] =	vst.idx.msk $0xffff, v5  }
0x51: {  	s4 =	sor.u32 $0x440, s28;
	s1 =	sor.u32 $0x450, s28;
	s7 =	sor.u32 $0x800, s23;
	v5 =	vld.idx.msk [tilespmem:v1+s14+$0x0 ss:$0x1], $0xffff;
	[tilespmem:v0+s18+$0x0 ss:$0x1] =	vst.idx.msk $0xffff, v7  }
0x52: {  	s3 =	sor.u32 $0x460, s28;
	s2 =	sor.u32 $0x470, s28;
	s31 =	sor.u32 $0x810, s28;
	v7 =	vld.idx.msk [tilespmem:v1+s11+$0x0 ss:$0x1], $0xffff;
	[tilespmem:v0+s16+$0x0 ss:$0x1] =	vst.idx.msk $0xffff, v6  }
0x53: {  	s29 =	sor.u32 $0x840, s28;
	s0 =	sor.u32 $0x830, s28;
	v6 =	vld.idx.msk [tilespmem:v1+s13+$0x0 ss:$0x1], $0xffff;
	[tilespmem:v0+s6+$0x0 ss:$0x1] =	vst.idx.msk $0xffff, v8;
	s6 =	sor.u32 $0x820, s28  }
0x54: {  	s30 =	sor.u32 $0x850, s28;
	s27 =	sor.u32 $0x860, s28;
	s24 =	sor.u32 $0x870, s28;
	[tilespmem:v0+s23+$0x0 ss:$0x1] =	vst.idx.msk $0xffff, v4;
	v4 =	vld.idx.msk [tilespmem:v1+s12+$0x0 ss:$0x1], $0xffff  }
0x55: {  	s20 =	sor.u32 $0xC30, s28;
	s23 =	sor.u32 $0xC10, s28;
	v8 =	vld.idx.msk [tilespmem:v1+s9+$0x0 ss:$0x1], $0xffff;
	[tilespmem:v0+s22+$0x0 ss:$0x1] =	vst.idx.msk $0xffff, v3;
	s22 =	sor.u32 $0xC20, s28  }
0x56: {  	s21 =	sor.u32 $0xC40, s28;
	s19 =	sor.u32 $0xC50, s28;
	s18 =	sor.u32 $0xC60, s28;
	[tilespmem:v0+s5+$0x0 ss:$0x1] =	vst.idx.msk $0xffff, v2;
	v2 =	vld.idx.msk [tilespmem:v1+s8+$0x0 ss:$0x1], $0xffff  }
0x57: {  	s16 =	sor.u32 $0xC70, s28;
	[tilespmem:v0+s14+$0x0 ss:$0x1] =	vst.idx.msk $0xffff, v5;
	v3 =	vld.idx.msk [tilespmem:v1+s10+$0x0 ss:$0x1], $0xffff  }
0x58: {  	[tilespmem:v0+s11+$0x0 ss:$0x1] =	vst.idx.msk $0xffff, v7;
	v5 =	vld.idx.msk [tilespmem:v1+s7+$0x0 ss:$0x1], $0xffff  }
0x59: {  	[tilespmem:v0+s13+$0x0 ss:$0x1] =	vst.idx.msk $0xffff, v6;
	v6 =	vld.idx.msk [tilespmem:v1+s26+$0x0 ss:$0x1], $0xffff  }
0x5a: {  	[tilespmem:v0+s12+$0x0 ss:$0x1] =	vst.idx.msk $0xffff, v4;
	v4 =	vld.idx.msk [tilespmem:v1+s25+$0x0 ss:$0x1], $0xffff  }
0x5b: {  	[tilespmem:v0+s9+$0x0 ss:$0x1] =	vst.idx.msk $0xffff, v8;
	v7 =	vld.idx.msk [tilespmem:v1+s4+$0x0 ss:$0x1], $0xffff  }
0x5c: {  	[tilespmem:v0+s8+$0x0 ss:$0x1] =	vst.idx.msk $0xffff, v2;
	v2 =	vld.idx.msk [tilespmem:v1+s1+$0x0 ss:$0x1], $0xffff  }
0x5d: {  	[tilespmem:v0+s10+$0x0 ss:$0x1] =	vst.idx.msk $0xffff, v3;
	v3 =	vld.idx.msk [tilespmem:v1+s3+$0x0 ss:$0x1], $0xffff  }
0x5e: {  	v8 =	vld.idx.msk [tilespmem:v1+s2+$0x0 ss:$0x1], $0xffff;
	[tilespmem:v0+s7+$0x0 ss:$0x1] =	vst.idx.msk $0xffff, v5  }
0x5f: {  	[tilespmem:v0+s26+$0x0 ss:$0x1] =	vst.idx.msk $0xffff, v6;
	v5 =	vld.idx.msk [tilespmem:v1+s31+$0x0 ss:$0x1], $0xffff  }
0x60: {  	[tilespmem:v0+s25+$0x0 ss:$0x1] =	vst.idx.msk $0xffff, v4;
	v4 =	vld.idx.msk [tilespmem:v1+s6+$0x0 ss:$0x1], $0xffff  }
0x61: {  	[tilespmem:v0+s4+$0x0 ss:$0x1] =	vst.idx.msk $0xffff, v7;
	v9 =	vld.idx.msk [tilespmem:v1+s0+$0x0 ss:$0x1], $0xffff  }
0x62: {  	[tilespmem:v0+s1+$0x0 ss:$0x1] =	vst.idx.msk $0xffff, v2;
	v2 =	vld.idx.msk [tilespmem:v1+s29+$0x0 ss:$0x1], $0xffff  }
0x63: {  	[tilespmem:v0+s3+$0x0 ss:$0x1] =	vst.idx.msk $0xffff, v3;
	v10 =	vld.idx.msk [tilespmem:v1+s30+$0x0 ss:$0x1], $0xffff  }
0x64: {  	[tilespmem:v0+s2+$0x0 ss:$0x1] =	vst.idx.msk $0xffff, v8;
	v8 =	vld.idx.msk [tilespmem:v1+s27+$0x0 ss:$0x1], $0xffff  }
0x65: {  	[tilespmem:v0+s31+$0x0 ss:$0x1] =	vst.idx.msk $0xffff, v5;
	v7 =	vld.idx.msk [tilespmem:v1+s24+$0x0 ss:$0x1], $0xffff  }
.Ltmp3:
0x66: {  	[tilespmem:v0+s6+$0x0 ss:$0x1] =	vst.idx.msk $0xffff, v4;
	v6 =	vld.idx.msk [tilespmem:v1+s23+$0x0 ss:$0x1], $0xffff;
	(pc) =	sbr.rel @p0 .LBB1_3-.Ltmp3, $4  }
0x67: {  	[tilespmem:v0+s0+$0x0 ss:$0x1] =	vst.idx.msk $0xffff, v9;
	v4 =	vld.idx.msk [tilespmem:v1+s22+$0x0 ss:$0x1], $0xffff  }
0x68: {  	[tilespmem:v0+s29+$0x0 ss:$0x1] =	vst.idx.msk $0xffff, v2;
	v3 =	vld.idx.msk [tilespmem:v1+s20+$0x0 ss:$0x1], $0xffff  }
0x69: {  	s15 =	sadd.s32 $0x80, s15;
	[tilespmem:v0+s30+$0x0 ss:$0x1] =	vst.idx.msk $0xffff, v10;
	v2 =	vld.idx.msk [tilespmem:v1+s21+$0x0 ss:$0x1], $0xffff  }
0x6a: {  	s1 =	sand.u32 $0x380, s15;
	s0 =	sand.u32 $0x3000, s17;
	s17 =	sadd.s32 $0x200, s17;
	[tilespmem:v0+s27+$0x0 ss:$0x1] =	vst.idx.msk $0xffff, v8;
	v5 =	vld.idx.msk [tilespmem:v1+s19+$0x0 ss:$0x1], $0xffff  }
0x6b: {  	_ =	sdelay $0x3  }
0x6c: {  	[tilespmem:v0+s24+$0x0 ss:$0x1] =	vst.idx.msk $0xffff, v7  }
0x6d: {  	s17 =	sor.u32 s1, s0;
	v30 =	vld.idx.msk [tilespmem:v1+s18+$0x0 ss:$0x1], $0xffff;
	[tilespmem:v0+s23+$0x0 ss:$0x1] =	vst.idx.msk $0xffff, v6  }
0x6e: {  	v31 =	vld.idx.msk [tilespmem:v1+s16+$0x0 ss:$0x1], $0xffff;
	[tilespmem:v0+s22+$0x0 ss:$0x1] =	vst.idx.msk $0xffff, v4;
	s25 =	sor.u32 $0x410, s17  }
0x6f: {  	s31 =	sor.u32 $0x420, s17;
	v32 =	vld.idx.msk [tilespmem:v1+s25+$0x0 ss:$0x1], $0xffff;
	[tilespmem:v0+s20+$0x0 ss:$0x1] =	vst.idx.msk $0xffff, v3  }
0x70: {  	s6 =	sor.u32 $0x430, s17;
	v44 =	vld.idx.msk [tilespmem:v1+s31+$0x0 ss:$0x1], $0xffff;
	[tilespmem:v0+s21+$0x0 ss:$0x1] =	vst.idx.msk $0xffff, v2  }
0x71: {  	s7 =	sor.u32 $0x440, s17;
	v45 =	vld.idx.msk [tilespmem:v1+s6+$0x0 ss:$0x1], $0xffff;
	[tilespmem:v0+s19+$0x0 ss:$0x1] =	vst.idx.msk $0xffff, v5  }
0x72: {  	s8 =	sor.u32 $0x450, s17;
	v46 =	vld.idx.msk [tilespmem:v1+s7+$0x0 ss:$0x1], $0xffff;
	[tilespmem:v0+s18+$0x0 ss:$0x1] =	vst.idx.msk $0xffff, v30  }
0x73: {  	s9 =	sor.u32 $0x460, s17;
	v47 =	vld.idx.msk [tilespmem:v1+s8+$0x0 ss:$0x1], $0xffff;
	[tilespmem:v0+s16+$0x0 ss:$0x1] =	vst.idx.msk $0xffff, v31  }
0x74: {  	s10 =	sor.u32 $0x470, s17;
	v48 =	vld.idx.msk [tilespmem:v1+s9+$0x0 ss:$0x1], $0xffff;
	[tilespmem:v0+s25+$0x0 ss:$0x1] =	vst.idx.msk $0xffff, v32  }
0x75: {  	s11 =	sor.u32 $0x810, s17;
	v49 =	vld.idx.msk [tilespmem:v1+s10+$0x0 ss:$0x1], $0xffff;
	[tilespmem:v0+s31+$0x0 ss:$0x1] =	vst.idx.msk $0xffff, v44  }
0x76: {  	s12 =	sor.u32 $0x820, s17;
	v50 =	vld.idx.msk [tilespmem:v1+s11+$0x0 ss:$0x1], $0xffff;
	[tilespmem:v0+s6+$0x0 ss:$0x1] =	vst.idx.msk $0xffff, v45  }
0x77: {  	s13 =	sor.u32 $0x830, s17;
	v51 =	vld.idx.msk [tilespmem:v1+s12+$0x0 ss:$0x1], $0xffff;
	[tilespmem:v0+s7+$0x0 ss:$0x1] =	vst.idx.msk $0xffff, v46  }
0x78: {  	s14 =	sor.u32 $0x840, s17;
	v52 =	vld.idx.msk [tilespmem:v1+s13+$0x0 ss:$0x1], $0xffff;
	[tilespmem:v0+s8+$0x0 ss:$0x1] =	vst.idx.msk $0xffff, v47  }
0x79: {  	s24 =	sand.u32 $0x180, s15;
	s1 =	sand.u32 $0x3200, s17;
	s15 =	sor.u32 $0x850, s17;
	v53 =	vld.idx.msk [tilespmem:v1+s14+$0x0 ss:$0x1], $0xffff;
	[tilespmem:v0+s9+$0x0 ss:$0x1] =	vst.idx.msk $0xffff, v48  }
0x7a: {  	s0 =	sor.u32 s24, s1;
	v54 =	vld.idx.msk [tilespmem:v1+s15+$0x0 ss:$0x1], $0xffff;
	[tilespmem:v0+s10+$0x0 ss:$0x1] =	vst.idx.msk $0xffff, v49  }
0x7b: {  	s20 =	sor.u32 $0xC20, s17;
	v37 =	vld.idx.msk [tilespmem:v1+s0+$0x0 ss:$0x1], $0xffff;
	[tilespmem:v0+s11+$0x0 ss:$0x1] =	vst.idx.msk $0xffff, v50  }
0x7c: {  	s2 =	sor.u32 $0xC00, s0;
	v58 =	vld.idx.msk [tilespmem:v1+s20+$0x0 ss:$0x1], $0xffff;
	[tilespmem:v0+s12+$0x0 ss:$0x1] =	vst.idx.msk $0xffff, v51  }
0x7d: {  	s3 =	sor.u32 $0x10, s0;
	v33 =	vld.idx.msk [tilespmem:v1+s2+$0x0 ss:$0x1], $0xffff;
	[tilespmem:v0+s13+$0x0 ss:$0x1] =	vst.idx.msk $0xffff, v52  }
0x7e: {  	s4 =	sor.u32 $0x20, s0;
	v34 =	vld.idx.msk [tilespmem:v1+s3+$0x0 ss:$0x1], $0xffff;
	[tilespmem:v0+s14+$0x0 ss:$0x1] =	vst.idx.msk $0xffff, v53  }
0x7f: {  	s5 =	sor.u32 $0x30, s0;
	v35 =	vld.idx.msk [tilespmem:v1+s4+$0x0 ss:$0x1], $0xffff;
	[tilespmem:v0+s15+$0x0 ss:$0x1] =	vst.idx.msk $0xffff, v54  }
0x80: {  	s26 =	sor.u32 $0x40, s0;
	v36 =	vld.idx.msk [tilespmem:v1+s5+$0x0 ss:$0x1], $0xffff;
	[tilespmem:v0+s0+$0x0 ss:$0x1] =	vst.idx.msk $0xffff, v37  }
0x81: {  	s27 =	sor.u32 $0x50, s0;
	v38 =	vld.idx.msk [tilespmem:v1+s26+$0x0 ss:$0x1], $0xffff;
	[tilespmem:v0+s20+$0x0 ss:$0x1] =	vst.idx.msk $0xffff, v58  }
0x82: {  	s28 =	sor.u32 $0x60, s0;
	v39 =	vld.idx.msk [tilespmem:v1+s27+$0x0 ss:$0x1], $0xffff;
	[tilespmem:v0+s2+$0x0 ss:$0x1] =	vst.idx.msk $0xffff, v33  }
0x83: {  	s29 =	sor.u32 $0x70, s0;
	v40 =	vld.idx.msk [tilespmem:v1+s28+$0x0 ss:$0x1], $0xffff;
	[tilespmem:v0+s3+$0x0 ss:$0x1] =	vst.idx.msk $0xffff, v34  }
0x84: {  	s30 =	sor.u32 $0x400, s0;
	v41 =	vld.idx.msk [tilespmem:v1+s29+$0x0 ss:$0x1], $0xffff;
	[tilespmem:v0+s4+$0x0 ss:$0x1] =	vst.idx.msk $0xffff, v35  }
0x85: {  	s21 =	sor.u32 $0xC30, s17;
	v42 =	vld.idx.msk [tilespmem:v1+s30+$0x0 ss:$0x1], $0xffff;
	[tilespmem:v0+s5+$0x0 ss:$0x1] =	vst.idx.msk $0xffff, v36  }
0x86: {  	s19 =	sor.u32 $0xC10, s17;
	v59 =	vld.idx.msk [tilespmem:v1+s21+$0x0 ss:$0x1], $0xffff;
	[tilespmem:v0+s26+$0x0 ss:$0x1] =	vst.idx.msk $0xffff, v38  }
0x87: {  	s16 =	sor.u32 $0x860, s17;
	v57 =	vld.idx.msk [tilespmem:v1+s19+$0x0 ss:$0x1], $0xffff;
	[tilespmem:v0+s27+$0x0 ss:$0x1] =	vst.idx.msk $0xffff, v39  }
0x88: {  	s18 =	sor.u32 $0x870, s17;
	v55 =	vld.idx.msk [tilespmem:v1+s16+$0x0 ss:$0x1], $0xffff;
	[tilespmem:v0+s28+$0x0 ss:$0x1] =	vst.idx.msk $0xffff, v40  }
0x89: {  	v56 =	vld.idx.msk [tilespmem:v1+s18+$0x0 ss:$0x1], $0xffff;
	s0 =	sor.u32 $0x800, s0;
	[tilespmem:v0+s29+$0x0 ss:$0x1] =	vst.idx.msk $0xffff, v41  }
0x8a: {  	s22 =	sor.u32 $0xC40, s17;
	v43 =	vld.idx.msk [tilespmem:v1+s0+$0x0 ss:$0x1], $0xffff;
	[tilespmem:v0+s30+$0x0 ss:$0x1] =	vst.idx.msk $0xffff, v42  }
0x8b: {  	s23 =	sor.u32 $0xC50, s17;
	v60 =	vld.idx.msk [tilespmem:v1+s22+$0x0 ss:$0x1], $0xffff;
	[tilespmem:v0+s21+$0x0 ss:$0x1] =	vst.idx.msk $0xffff, v59  }
0x8c: {  	s24 =	sor.u32 $0xC60, s17;
	v61 =	vld.idx.msk [tilespmem:v1+s23+$0x0 ss:$0x1], $0xffff;
	[tilespmem:v0+s19+$0x0 ss:$0x1] =	vst.idx.msk $0xffff, v57  }
0x8d: {  	v62 =	vld.idx.msk [tilespmem:v1+s24+$0x0 ss:$0x1], $0xffff;
	s25 =	sor.u32 $0xC70, s17;
	[tilespmem:v0+s16+$0x0 ss:$0x1] =	vst.idx.msk $0xffff, v55  }
0x8e: {  	v63 =	vld.idx.msk [tilespmem:v1+s25+$0x0 ss:$0x1], $0xffff;
	[tilespmem:v0+s18+$0x0 ss:$0x1] =	vst.idx.msk $0xffff, v56  }
0x8f: {  	[tilespmem:v0+s0+$0x0 ss:$0x1] =	vst.idx.msk $0xffff, v43  }
0x90: {  	s4 =	rddreg [dreg:$0xa];
	[tilespmem:v0+s22+$0x0 ss:$0x1] =	vst.idx.msk $0xffff, v60  }
0x91: {  	s5 =	rddreg [dreg:$0xb];
	[tilespmem:v0+s23+$0x0 ss:$0x1] =	vst.idx.msk $0xffff, v61  }
0x92: {  	s26 =	sshll.u32 s4, $0x9;
	s28 =	rddreg [dreg:$0x9];
	[tilespmem:v0+s24+$0x0 ss:$0x1] =	vst.idx.msk $0xffff, v62  }
0x93: {  	s29 =	rddreg [dreg:$0x1];
	s4 =	sshll.u32 s4, $0x7;
	s3 =	sand.u32 $0x3F000, s26;
	[tilespmem:v0+s25+$0x0 ss:$0x1] =	vst.idx.msk $0xffff, v63  }
0x94: {  	s5 =	sshll.u32 s5, $0xF;
	s4 =	sand.u32 $0x380, s4;
	s2 =	rddreg [dreg:$0xc]  }
0x95: {  	s27 =	sor.u32 s4, s3;
	s4 =	sadd.s32 s29, s5;
	s5 =	rddreg [dreg:$0x3]  }
0x96: {  	s6 =	rddreg [dreg:$0x4]  }
.Ltmp4:
0x97: {  	s7 =	rddreg [dreg:$0x5];
	(pc) =	sbr.rel .LBB1_5-.Ltmp4, $4  }
0x98: {  	s3 =	sshll.u32 s28, $0x15;
	s8 =	rddreg [dreg:$0x6]  }
0x99: {  	s9 =	rddreg [dreg:$0x7];
	s30 =	sadd.s32 s3, s4;
	s0 =	sshrl.u32 s27, $0x3  }
0x9a: {  	s31 =	simm.s32 $0x0;
	s10 =	rddreg [dreg:$0x8];
	s0 =	sadd.s32 s0, s30  }
0x9b: {  	[hbm4b:s0+s31] =	stream.linear.scatter [tilespmem:s2], [sflag:$0x2], $0x4000, $0x38;
	[tilespmem:$0x10000] =	vst v63  }
.LBB1_6:
0x9c: {  	_ =	sfence.sel $0x180000  }
0x9d: {  	s0 =	simm.s32 $0x1;
	[bflag:$0x0] =	sbarrier.arrive $0xFFFF  }
0x9e: {  	s30 =	simm.s32 $0x2;
	[sflag:s0] =	ssyncpa.u1 $0x1  }
0x9f: {  	[sflag:s30] =	ssyncpa.u1 $0x1  }
0xa0: {  	_ =	strace $0x90000059  }
0xa1: {  	s31 =	stileid.u32;
	[bflag:$0x2] =	sbarrier.arrive $0xFFFF  }
0xa2: {  	p0 =	sne.s32 s31, $0x0;
	s0 =	rddreg [dreg:$0x2]  }
0xa3: {  	s0 =	sadd.s32 @!p0 $0x100000, s0  }
0xa4: {  	[sflag:s0] =	ssyncadd.tile.s32 @!p0 $0x1;
	_ =	shalt  }
.Lfunc_end1:
_tile_overlayer_lowered:
.L_overlay_start_2:
0xa5: {  	(tag) =	ssettag $0x2  }
0xa6: {  	s0 =	rddreg [dreg:$0x0];
	s2 =	stileid.u32  }
0xa7: {  	s1 =	rddreg [dreg:$0x1];
	p0 =	sne.s32 s2, $0x0  }
0xa8: {  	s3 =	rddreg [dreg:$0x2];
	[bflag:$0x3] =	sbarrier.arrive $0xFFFF;
	s2 =	simm.s32 @!p0 $0x1C01  }
0xa9: {  	[timem:s3], [sflag:s2] =	dma.local @!p0 [hbm:s0], s1  }
0xaa: {  	s0 =	simm.s32 @!p0 $0x1  }
0xab: {  	_ =	swait.ge @!p0 [sflag:s0], s1  }
0xac: {  	s1 =	ssub.s32 @!p0 $0x0, s1;
	[sflag:s0] =	ssyncset.done @!p0 $0x0  }
0xad: {  	[sflag:s0] =	ssyncadd.s32 @!p0 s1  }
0xae: {  	[bflag:$0x3] =	sbarrier.arrive $0xFFFF  }
0xaf: {  	_ =	shalt  }

// kernel: sparse-core-data-format-call.2.cloned.1.call-start
scs
called_computation.4_lowered:
.L_overlay_start_0:
0x0: {  	s2 =	sld [smem:$0x3FD9]  }
0x1: {  	s3 =	sld [smem:$0x3FFE];
	_ =	sdelay $0x1  }
0x2: {  	s1 =	srdreg.scid  }
0x3: {  	s0 =	sand.u32 $0x1, s1  }
0x4: {  	s15 =	sshll.u32 s0, $0xA;
	s2 =	sadd.s32 s3, s2  }
0x5: {  	s2 =	sadd.s32 s2, s15  }
0x6: {  	[smem:$0x3FC2] =	sst s2  }
0x7: {  	_ = 	snop  }
0x8: {  	s2 =	sld [smem:$0x3FD0];
	_ =	sdelay $0x2  }
0x9: {  	s16 =	simm.s32 $0xB;
	s4 =	simm.s32 $0x10  }
0xa: {  	[smem:s4], [sflag:s16] =	dma.local [hbm:s2], $0x1  }
0xb: {  	_ =	swait.eq [sflag:s16], $0x1  }
0xc: {  	[sflag:s16] =	ssyncset.done $0x0  }
0xd: {  	[sflag:s16] =	ssyncadd.s32 $0xFFFFFFFF  }
0xe: {  	s17 =	sld [smem:$0x10];
	(tm) =	ssettm $0x1  }
0xf: {  	s18 =	sld [smem:$0x3FFB];
	_ =	sdelay $0x3  }
0x10: {  	_ =	strace s18  }
0x11: {  	s3 =	sld [smem:$0x3FFC];
	_ =	sdelay $0x3  }
0x12: {  	_ =	strace s3  }
0x13: {  	s3 =	sld [smem:$0x3FFD];
	_ =	sdelay $0x3  }
0x14: {  	_ =	strace s3  }
0x15: {  	_ =	strace $0x8FFFFFFF  }
0x16: {  	s19 =	sld [smem:$0x3FDB];
	_ =	sdelay $0x1  }
0x17: {  	s20 =	simm.s32 $_scs_section_size  }
0x18: {  	s5 =	simm.s32 $_size__tile_overlayer_lowered;
	s6 =	simm.s32 $_tile_overlayer_lowered  }
0x19: {  	s23 =	simm.s32 $0x1BFF;
	s22 =	sshll.u32 s6, $0x1;
	s3 =	sadd.s32 s20, s19  }
0x1a: {  	s7 =	simm.s32 $0x0;
	s21 =	sshll.u32 s5, $0x1;
	s5 =	sadd.s32 s22, s3  }
0x1b: {  	[timem:s7], [sflag:s23] =	dma.local [hbm:s5], s21  }
0x1c: {  	_ =	swait.ge [sflag:s23], s21  }
0x1d: {  	s4 =	ssub.s32 $0x0, s21;
	[sflag:s23] =	ssyncset.done $0x0  }
0x1e: {  	[sflag:s23] =	ssyncadd.s32 s4;
	_ =	sdelay $0x1  }
0x1f: {  	s24 =	simm.s32 $0x1B8B  }
0x20: {  	_ =	swait.ge [sflag:s24], $0x1  }
0x21: {  	[sflag:s24] =	ssyncset.done $0x0  }
0x22: {  	s26 =	simm.s32 $0x1B8E;
	s25 =	sld [smem:$0x3FFE];
	[sflag:s24] =	ssyncadd.s32 $0xFFFFFFFF  }
0x23: {  	s27 =	simm.s32 $execute0_lowered;
	[smem:$0x3FD2] =	sst s26  }
0x24: {  	s5 =	sshll.u32 s27, $0x1;
	_ =	strace $0x80000052;
	[dreg:$0x1] =	wrdreg $0xFFFFFFFF  }
0x25: {  	s28 =	simm.s32 $_size_execute0_lowered;
	s3 =	sadd.s32 s3, s5;
	[dreg:$0x0] =	wrdreg $0x0  }
0x26: {  	s5 =	sshll.u32 s28, $0x1;
	[dreg:$0x2] =	wrdreg s3  }
0x27: {  	[dreg:$0x3] =	wrdreg s5  }
0x28: {  	[dreg:$0x4] =	wrdreg $0xC0  }
0x29: {  	_ =	task [dreg:s7], $0x5FFFF  }
0x2a: {  	[dreg:$0x1] =	wrdreg $0xFFFFFFFF  }
0x2b: {  	[dreg:$0x0] =	wrdreg $0x60  }
0x2c: {  	[dreg:$0x2] =	wrdreg s25  }
0x2d: {  	[dreg:$0x3] =	wrdreg s17  }
0x2e: {  	[dreg:$0x4] =	wrdreg $0xA  }
0x2f: {  	_ =	task.clear_ibuf [dreg:s7], $0x5FFFF;
	_ =	strace $0x90000052  }
0x30: {  	s29 =	simm.s32 $0xA;
	_ =	strace $0x80000054  }
0x31: {  	_ =	swait.ge [sflag:s29], $0x1  }
0x32: {  	[sflag:s29] =	ssyncadd.s32 $0xFFFFFFFF  }
0x33: {  	_ =	strace $0x90000054  }
0x34: {  	_ =	sfence  }
0x35: {  	s30 =	sld [smem:$0x0];
	_ =	sdelay $0x2  }
0x36: {  	s31 =	sshll.u32 s1, $0xD;
	s1 =	sshrl.u32 s1, $0x2  }
0x37: {  	s3 =	sand.u32 $0x4000, s31;
	s1 =	sadd.s32 s1, s30  }
0x38: {  	s0 =	sor.u32 s3, s0;
	s1 =	sshll.u32 s1, $0x11  }
0x39: {  	s0 =	sor.u32 s1, s0  }
0x3a: {  	s0 =	sadd.s32 $0x8F2B, s0  }
0x3b: {  	[sflag:s0] =	ssyncadd.remote.s32 $0x1  }
0x3c: {  	_ =	sfence.sel $0xFFFF  }
0x3d: {  	[dreg:$0x0] =	wrdreg $0xFFFFFFFF;
	(pc) =	sbr.abs _section_cstart, $3  }
0x3e: {  	[dreg:$0x1] =	wrdreg $0xFFFFFFFF  }
0x3f: {  	_ =	task.clear_ibuf [dreg:s7], $0x2FFFF;
	_ =	strace $0x9FFFFFFF  }
0x40: {  	(tm) =	ssettm $0x7FFFFFFF  }
0x41: {  	_ =	shalt  }
tec
execute0_lowered:
.L_overlay_start_1:
0x0: {  	(tag) =	ssettag $0x1  }
0x1: {  	s0 =	srdreg.scid;
	s7 =	rddreg [dreg:$0x0]  }
0x2: {  	s2 =	rddreg [dreg:$0x1];
	s8 =	simm.s32 $0x1;
	s1 =	sshll.u32 s0, $0x4  }
0x3: {  	s9 =	simm.s32 $0x2;
	s0 =	stileid.u32;
	s1 =	sand.u32 $0x10, s1  }
0x4: {  	s13 =	simm.s32 $0x0;
	s14 =	simm.s32 $0x0;
	s1 =	sor.u32 s0, s1  }
0x5: {  	s11 =	simm.s32 $0x0;
	s12 =	simm.s32 $0x0;
	s3 =	sshll.u32 s1, $0x7  }
0x6: {  	s4 =	sadd.s32 $0xD600, s7;
	s7 =	sadd.s32 $0x40D600, s7;
	s6 =	ssub.s32 $0x40000, s3  }
.Ltmp0:
0x7: {  	s1 =	rddreg [dreg:$0x2];
	s5 =	sand.u32 $0xF80, s6;
	(pc) =	sbr.rel .LBB1_1-.Ltmp0, $4  }
0x8: {  	_ =	strace $0x80000053;
	s10 =	smov.u32 s3;
	p0 =	sne.s32 s5, $0x0  }
0x9: {  	s6 =	sshrl.u32 s6, $0xC;
	s5 =	simm.s32 $0x1;
	s8 =	simm.s32 @!p0 $0x0  }
0xa: {  	[sflag:s5] =	ssyncpa.u1 $0x0;
	p0 =	por $0x0, $0x0;
	s6 =	sadd.s32 s8, s6  }
0xb: {  	[sflag:s9] =	ssyncpa.u1 $0x0;
	s9 =	simm.s32 $0x80000;
	s8 =	sadd.s32 $0x1, s6  }
.LBB1_7:
0xc: {  	s15 =	sadd.s32 $0x1000, s10  }
0xd: {  	s13 =	sadd.s32 $0x2, s11;
	s17 =	smov.u32 s11;
	p2 =	sgt.s32 s15, $0x3FFFF  }
0xe: {  	s17 =	smov.u32 @p2 s13  }
0xf: {  	s15 =	smov.u32 @p2 s3;
	p2 =	sgt.s32 s17, $0x1  }
0x10: {  	s17 =	simm.s32 @p2 $0x0;
	p2 =	sne.s32 s12, s8  }
.Ltmp1:
0x11: {  	p1 =	slt.u32 s12, $0x2;
	(pc) =	sbr.rel @!p2 .LBB1_8-.Ltmp1, $4  }
0x12: {  	s16 =	simm.s32 @!p1 $0x2  }
0x13: {  	s14 =	smov.u32 s11;
	p0 =	por !p0, !p0;
	_ =	swait.ge @!p1 [sflag:s16], $0x4000  }
0x14: {  	s13 =	smov.u32 s10;
	[sflag:s16] =	ssyncset.done @!p1 $0x0;
	s10 =	smov.u32 s15  }
0x15: {  	s12 =	sadd.s32 $0x1, s12;
	[sflag:s16] =	ssyncadd.s32 @!p1 $0xFFFFC000;
	s11 =	smov.u32 s17  }
.LBB1_1:
0x16: {  	p1 =	sge.u32 s12, s6  }
0x17: {  	s15 =	sxor.u32 @!p1 $0xFFFFFFFF, s12;
	s16 =	sshll.u32 @!p1 s11, $0x16  }
0x18: {  	s17 =	sshll.u32 @!p1 s10, $0x4;
	s19 =	simm.s32 @!p1 $0x40;
	s20 =	simm.s32 @!p1 $0x80  }
0x19: {  	s15 =	sshll.u32 @!p1 s15, $0xE;
	s17 =	sand.u32 @!p1 $0x3FFFF0, s17;
	s18 =	sadd.s32 @!p1 s4, s16  }
0x1a: {  	s16 =	sadd.s32 @!p1 s16, s7;
	s15 =	sand.u32 @!p1 $0x4000, s15;
	s18 =	sadd.s32 @!p1 s17, s18  }
0x1b: {  	[tilespmem:s15], [sflag:$0x1] =	stream.strided.gather @!p1 [hbm4b:s18+s19], $0x2000, s20, s19, $0x38;
	[tilespmem:$0x10100] =	vst v63  }
0x1c: {  	s31 =	sadd.s32 $0xFFFFFFFF, s12;
	s16 =	sadd.s32 @!p1 s17, s16;
	s15 =	sor.u32 @!p1 $0x2000, s15  }
0x1d: {  	[tilespmem:s15], [sflag:$0x1] =	stream.strided.gather @!p1 [hbm4b:s16+s19], $0x2000, s20, s19, $0x38;
	[tilespmem:$0x10100] =	vst v63  }
0x1e: {  	p1 =	sge.u32 s31, s6  }
.Ltmp2:
0x1f: {  	_ = 	snop;
	(pc) =	sbr.rel @p1 .LBB1_7-.Ltmp2, $1  }
0x20: {  	_ =	sdelay $0x3  }
0x21: {  	s15 =	simm.s32 $0x1;
	s17 =	sand.u32 $0x1, s12  }
0x22: {  	_ =	swait.ge [sflag:s5], $0x4000;
	s15 =	simm.s32 @!p0 $0x0;
	s17 =	smul.u32 $0x10200, s17  }
0x23: {  	p2 =	por $0x1, $0x1;
	[sflag:s5] =	ssyncset.done $0x0;
	s16 =	smul.u32 $0x10200, s15  }
0x24: {  	s18 =	sshll.u32 s15, $0x10;
	[sflag:s5] =	ssyncadd.s32 $0xFFFFC000;
	s30 =	sshrl.u32 s17, $0x2  }
0x25: {  	s31 =	sshrl.u32 s18, $0x2;
	s18 =	simm.s32 $0x0;
	s16 =	sshrl.u32 s16, $0x2  }
0x26: {  	s15 =	sor.u32 $0x8000, s30;
	s17 =	sadd.s32 $0x20, s31;
	s16 =	sor.u32 $0x8000, s16  }
.LBB1_3:
0x27: {  	s19 =	sshll.u32 s18, $0xD  }
0x28: {  	s19 =	sand.u32 $0x3FFFE000, s19  }
0x29: {  	s21 =	sadd.s32 s19, s17  }
0x2a: {  	s31 =	sand.u32 $0x1, s18;
	v3 =	vld [tilespmem:s21+$0x10]  }
0x2b: {  	s18 =	simm.s32 $0x81;
	p1 =	seq.s32 s31, $0x1;
	v1 =	vld [tilespmem:s21+$0xFFFFFFF0]  }
0x2c: {  	s18 =	simm.s32 @!p1 $0x0;
	v0 =	vld [tilespmem:s21+$0x0]  }
0x2d: {  	s18 =	sadd.s32 s18, s16;
	v2 =	vld [tilespmem:s21+$0xFFFFFFE0]  }
0x2e: {  	s19 =	sadd.s32 $0x0, s18  }
0x2f: {  	s20 =	simm.s32 $0x4;
	p1 =	por p2, p2;
	s21 =	sadd.s32 $0x40, s21;
	[tilespmem:s19+$0x3060 ss:$0x102] =	vst.msk $0xffff, v3  }
.LBB1_4:
0x30: {  	v3 =	vld [tilespmem:s21+$0x10];
	p2 =	sne.s32 s20, $0x1FC;
	[tilespmem:s19+$0x1020 ss:$0x102] =	vst.msk $0xffff, v1;
	s22 =	smov.u32 s20;
	s20 =	sadd.s32 $0x4, s20  }
.Ltmp3:
0x31: {  	v1 =	vld [tilespmem:s21+$0xFFFFFFF0];
	[tilespmem:s19+$0x2040 ss:$0x102] =	vst.msk $0xffff, v0;
	(pc) =	sbr.rel @p2 .LBB1_4-.Ltmp3, $4  }
0x32: {  	v0 =	vld [tilespmem:s21+$0x0];
	[tilespmem:s19+$0x0 ss:$0x102] =	vst.msk $0xffff, v2  }
0x33: {  	s19 =	sshra.s32 s22, $0x2;
	v2 =	vld [tilespmem:s21+$0xFFFFFFE0]  }
0x34: {  	s19 =	sadd.s32 s19, s18  }
0x35: {  	s21 =	sadd.s32 $0x40, s21;
	[tilespmem:s19+$0x3060 ss:$0x102] =	vst.msk $0xffff, v3  }
.Ltmp4:
0x36: {  	(pc) =	sbr.rel @p1 .LBB1_3-.Ltmp4, $4  }
0x37: {  	_ = 	snop  }
0x38: {  	[tilespmem:s19+$0x1020 ss:$0x102] =	vst.msk $0xffff, v1  }
0x39: {  	[tilespmem:s19+$0x2040 ss:$0x102] =	vst.msk $0xffff, v0  }
0x3a: {  	s18 =	simm.s32 $0x1;
	p2 =	por $0x0, $0x0;
	[tilespmem:s19+$0x0 ss:$0x102] =	vst.msk $0xffff, v2  }
0x3b: {  	s14 =	sshll.u32 s14, $0x7  }
0x3c: {  	s16 =	sand.u32 $0x78, s13;
	s17 =	sshll.u32 s13, $0x1;
	s14 =	sand.u32 $0x80, s14  }
.Ltmp5:
0x3d: {  	s17 =	sand.u32 $0x7FF00, s17;
	s14 =	sor.u32 s14, s16;
	(pc) =	sbr.rel .LBB1_7-.Ltmp5, $4  }
0x3e: {  	s31 =	sand.u32 $0x7, s13;
	s14 =	sor.u32 s17, s14  }
0x3f: {  	s13 =	sshll.u32 s31, $0x12;
	s14 =	sshrl.u32 s14, $0x3  }
0x40: {  	s13 =	sor.u32 $0x100, s13;
	s14 =	sadd.s32 s2, s14  }
0x41: {  	[hbm4b:s14+s13] =	stream.strided.scatter [tilespmem:s15], [sflag:$0x2], $0x4000, s9, s13, $0x20;
	[tilespmem:$0x10100] =	vst v63  }
.LBB1_8:
0x42: {  	_ =	sfence.sel $0x180000  }
0x43: {  	s2 =	simm.s32 $0x1;
	[bflag:$0x0] =	sbarrier.arrive $0xFFFF  }
0x44: {  	s31 =	simm.s32 $0x2;
	[sflag:s2] =	ssyncpa.u1 $0x1  }
0x45: {  	[sflag:s31] =	ssyncpa.u1 $0x1  }
0x46: {  	p0 =	sne.s32 s0, $0x0;
	_ =	strace $0x90000053  }
0x47: {  	s0 =	sadd.s32 @!p0 $0x100000, s1;
	[bflag:$0x2] =	sbarrier.arrive $0xFFFF  }
0x48: {  	[sflag:s0] =	ssyncadd.tile.s32 @!p0 $0x1;
	_ =	shalt  }
.Lfunc_end1:
_tile_overlayer_lowered:
.L_overlay_start_2:
0x49: {  	(tag) =	ssettag $0x2  }
0x4a: {  	s0 =	rddreg [dreg:$0x0];
	s2 =	stileid.u32  }
0x4b: {  	s1 =	rddreg [dreg:$0x1];
	p0 =	sne.s32 s2, $0x0  }
0x4c: {  	s3 =	rddreg [dreg:$0x2];
	[bflag:$0x3] =	sbarrier.arrive $0xFFFF;
	s2 =	simm.s32 @!p0 $0x1C01  }
0x4d: {  	[timem:s3], [sflag:s2] =	dma.local @!p0 [hbm:s0], s1  }
0x4e: {  	s0 =	simm.s32 @!p0 $0x1  }
0x4f: {  	_ =	swait.ge @!p0 [sflag:s0], s1  }
0x50: {  	s1 =	ssub.s32 @!p0 $0x0, s1;
	[sflag:s0] =	ssyncset.done @!p0 $0x0  }
0x51: {  	[sflag:s0] =	ssyncadd.s32 @!p0 s1  }
0x52: {  	[bflag:$0x3] =	sbarrier.arrive $0xFFFF  }
0x53: {  	_ =	shalt  }

// kernel: sparse-core-data-format-call.3.cloned.1.call-start
scs
called_computation.5_lowered:
.L_overlay_start_0:
0x0: {  	s2 =	sld [smem:$0x3FD9]  }
0x1: {  	s3 =	sld [smem:$0x3FFE];
	_ =	sdelay $0x1  }
0x2: {  	s1 =	srdreg.scid  }
0x3: {  	s0 =	sand.u32 $0x1, s1  }
0x4: {  	s16 =	sshll.u32 s0, $0xA;
	s2 =	sadd.s32 s3, s2  }
0x5: {  	s2 =	sadd.s32 s2, s16  }
0x6: {  	[smem:$0x3FC2] =	sst s2  }
0x7: {  	_ = 	snop  }
0x8: {  	s2 =	sld [smem:$0x3FD0];
	_ =	sdelay $0x2  }
0x9: {  	s17 =	simm.s32 $0xB;
	s4 =	simm.s32 $0x10  }
0xa: {  	[smem:s4], [sflag:s17] =	dma.local [hbm:s2], $0x1  }
0xb: {  	_ =	swait.eq [sflag:s17], $0x1  }
0xc: {  	[sflag:s17] =	ssyncset.done $0x0  }
0xd: {  	s18 =	sld [smem:$0x10];
	[sflag:s17] =	ssyncadd.s32 $0xFFFFFFFF  }
0xe: {  	s19 =	sld [smem:$0x11];
	(tm) =	ssettm $0x1  }
0xf: {  	s20 =	sld [smem:$0x3FFB];
	_ =	sdelay $0x3  }
0x10: {  	_ =	strace s20  }
0x11: {  	s4 =	sld [smem:$0x3FFC];
	_ =	sdelay $0x3  }
0x12: {  	_ =	strace s4  }
0x13: {  	s4 =	sld [smem:$0x3FFD];
	_ =	sdelay $0x3  }
0x14: {  	_ =	strace s4  }
0x15: {  	_ =	strace $0x8FFFFFFF  }
0x16: {  	s21 =	sld [smem:$0x3FDB];
	_ =	sdelay $0x1  }
0x17: {  	s5 =	simm.s32 $_scs_section_size  }
0x18: {  	s6 =	simm.s32 $_size__tile_overlayer_lowered;
	s7 =	simm.s32 $_tile_overlayer_lowered  }
0x19: {  	s24 =	simm.s32 $0x1BFF;
	s23 =	sshll.u32 s7, $0x1;
	s4 =	sadd.s32 s5, s21  }
0x1a: {  	s8 =	simm.s32 $0x0;
	s22 =	sshll.u32 s6, $0x1;
	s6 =	sadd.s32 s23, s4  }
0x1b: {  	[timem:s8], [sflag:s24] =	dma.local [hbm:s6], s22  }
0x1c: {  	_ =	swait.ge [sflag:s24], s22  }
0x1d: {  	s5 =	ssub.s32 $0x0, s22;
	[sflag:s24] =	ssyncset.done $0x0  }
0x1e: {  	[sflag:s24] =	ssyncadd.s32 s5;
	_ =	sdelay $0x1  }
0x1f: {  	s25 =	simm.s32 $0x1B8B  }
0x20: {  	_ =	swait.ge [sflag:s25], $0x1  }
0x21: {  	[sflag:s25] =	ssyncset.done $0x0  }
0x22: {  	s26 =	simm.s32 $0x1B8E;
	[sflag:s25] =	ssyncadd.s32 $0xFFFFFFFF  }
0x23: {  	s27 =	simm.s32 $execute0_lowered;
	[smem:$0x3FD2] =	sst s26  }
0x24: {  	s5 =	sshll.u32 s27, $0x1;
	_ =	strace $0x8000004C;
	[dreg:$0x1] =	wrdreg $0xFFFFFFFF  }
0x25: {  	s28 =	simm.s32 $_size_execute0_lowered;
	s4 =	sadd.s32 s4, s5;
	[dreg:$0x0] =	wrdreg $0x0  }
0x26: {  	s5 =	sshll.u32 s28, $0x1;
	[dreg:$0x2] =	wrdreg s4  }
0x27: {  	[dreg:$0x3] =	wrdreg s5  }
0x28: {  	[dreg:$0x4] =	wrdreg $0xC0  }
0x29: {  	_ =	task [dreg:s8], $0x5FFFF  }
0x2a: {  	[dreg:$0x1] =	wrdreg $0xFFFFFFFF  }
0x2b: {  	[dreg:$0x0] =	wrdreg $0x60  }
0x2c: {  	[dreg:$0x2] =	wrdreg s19  }
0x2d: {  	[dreg:$0x3] =	wrdreg s18  }
0x2e: {  	[dreg:$0x4] =	wrdreg $0x9  }
0x2f: {  	_ =	task.clear_ibuf [dreg:s8], $0x5FFFF;
	_ =	strace $0x9000004C  }
0x30: {  	s29 =	simm.s32 $0x9;
	_ =	strace $0x8000004E  }
0x31: {  	_ =	swait.ge [sflag:s29], $0x1  }
0x32: {  	[sflag:s29] =	ssyncadd.s32 $0xFFFFFFFF  }
0x33: {  	_ =	strace $0x9000004E  }
0x34: {  	_ =	sfence  }
0x35: {  	s30 =	sld [smem:$0x0];
	_ =	sdelay $0x2  }
0x36: {  	s31 =	sshll.u32 s1, $0xD;
	s1 =	sshrl.u32 s1, $0x2  }
0x37: {  	s3 =	sand.u32 $0x4000, s31;
	s1 =	sadd.s32 s1, s30  }
0x38: {  	s0 =	sor.u32 s3, s0;
	s1 =	sshll.u32 s1, $0x11  }
0x39: {  	s0 =	sor.u32 s1, s0  }
0x3a: {  	s0 =	sadd.s32 $0x8F2B, s0  }
0x3b: {  	[sflag:s0] =	ssyncadd.remote.s32 $0x1  }
0x3c: {  	_ =	sfence.sel $0xFFFF  }
0x3d: {  	[dreg:$0x0] =	wrdreg $0xFFFFFFFF;
	(pc) =	sbr.abs _section_cstart, $3  }
0x3e: {  	[dreg:$0x1] =	wrdreg $0xFFFFFFFF  }
0x3f: {  	_ =	task.clear_ibuf [dreg:s8], $0x2FFFF;
	_ =	strace $0x9FFFFFFF  }
0x40: {  	(tm) =	ssettm $0x7FFFFFFF  }
0x41: {  	_ =	shalt  }
tec
execute0_lowered:
.L_overlay_start_1:
0x0: {  	(tag) =	ssettag $0x1  }
0x1: {  	s0 =	stileid.u32  }
0x2: {  	s1 =	srdreg.scid;
	s5 =	rddreg [dreg:$0x1];
	s31 =	simm.s32 $0x2  }
0x3: {  	s17 =	simm.s32 $0x0;
	p0 =	por $0x0, $0x0;
	s9 =	simm.s32 $0x80  }
0x4: {  	s18 =	simm.s32 $0x0;
	s19 =	simm.s32 $0x0;
	s10 =	simm.s32 $0x0  }
0x5: {  	s11 =	simm.s32 $0x0;
	s2 =	sshll.u32 s0, $0x7;
	s1 =	sshll.u32 s1, $0xB  }
0x6: {  	s12 =	simm.s32 $0x0;
	s3 =	sand.u32 $0x1, s0;
	s1 =	sor.u32 s2, s1  }
0x7: {  	s14 =	simm.s32 $0x0;
	s29 =	ssub.s32 $0x2, s3;
	s4 =	sand.u32 $0xF00, s1  }
0x8: {  	s2 =	rddreg [dreg:$0x0];
	s7 =	sshrl.u32 s29, $0x1;
	s6 =	ssub.s32 $0x18600, s4  }
.Ltmp0:
0x9: {  	s8 =	sand.u32 $0x1, s29;
	s6 =	sshrl.u32 s6, $0xC;
	(pc) =	sbr.rel .LBB1_1-.Ltmp0, $4  }
0xa: {  	s1 =	rddreg [dreg:$0x2];
	s7 =	sadd.s32 s8, s7;
	s30 =	sadd.s32 $0x1, s6  }
0xb: {  	_ =	strace $0x8000004D;
	s6 =	simm.s32 $0x1;
	s7 =	smul.u32 s7, s30  }
0xc: {  	s16 =	simm.s32 $0x0;
	s15 =	smov.u32 s3;
	[sflag:s6] =	ssyncpa.u1 $0x0  }
0xd: {  	s13 =	smov.u32 s4;
	[sflag:s31] =	ssyncpa.u1 $0x0;
	s8 =	sadd.s32 $0x1, s7  }
.LBB1_4:
0xe: {  	_ =	sdelay $0x3  }
0xf: {  	s26 =	sor.u32 s30, s29;
	v47 =	vld.idx.msk [tilespmem:v0+s24+$0x470 ss:$0x1], $0xffff  }
0x10: {  	v57 =	vld.idx.msk [tilespmem:v0+s26+$0x410 ss:$0x1], $0xffff  }
0x11: {  	v58 =	vld.idx.msk [tilespmem:v0+s26+$0x420 ss:$0x1], $0xffff  }
0x12: {  	[tilespmem:s23+$0x1860 ss:$0x41] =	vst.msk $0xffff, v8;
	v59 =	vld.idx.msk [tilespmem:v0+s26+$0x430 ss:$0x1], $0xffff  }
0x13: {  	[tilespmem:s23+$0x1C70 ss:$0x41] =	vst.msk $0xffff, v7;
	v60 =	vld.idx.msk [tilespmem:v0+s26+$0x440 ss:$0x1], $0xffff  }
0x14: {  	[tilespmem:s23+$0x2490 ss:$0x41] =	vst.msk $0xffff, v1;
	s28 =	sand.u32 $0x3B00, s26;
	v61 =	vld.idx.msk [tilespmem:v0+s26+$0x450 ss:$0x1], $0xffff  }
0x15: {  	s27 =	sand.u32 $0x80, s27;
	[tilespmem:s23+$0x28A0 ss:$0x41] =	vst.msk $0xffff, v2;
	v62 =	vld.idx.msk [tilespmem:v0+s26+$0x460 ss:$0x1], $0xffff;
	s21 =	sadd.s32 s28, s21  }
0x16: {  	[tilespmem:s23+$0x2CB0 ss:$0x41] =	vst.msk $0xffff, v3;
	v63 =	vld.idx.msk [tilespmem:v0+s26+$0x470 ss:$0x1], $0xffff;
	s24 =	sadd.s32 s27, s21  }
0x17: {  	s29 =	sshll.u32 s10, $0x7;
	s30 =	sshll.u32 s11, $0x3;
	[tilespmem:s23+$0x30C0 ss:$0x41] =	vst.msk $0xffff, v5;
	v48 =	vld [tilespmem:s24+$0x400]  }
0x18: {  	[tilespmem:s23+$0x34D0 ss:$0x41] =	vst.msk $0xffff, v4;
	s31 =	sand.u32 $0xFFFFFC00, s29;
	s27 =	sand.u32 $0xFFFFFC00, s30;
	v49 =	vld [tilespmem:s24+$0x0]  }
0x19: {  	s25 =	sshra.s32 s25, $0x2;
	[tilespmem:s23+$0x38E0 ss:$0x41] =	vst.msk $0xffff, v6;
	s21 =	sand.u32 $0x380, s29;
	v50 =	vld [tilespmem:s24+$0x10];
	s27 =	sadd.s32 s27, s31  }
0x1a: {  	v51 =	vld [tilespmem:s24+$0x20];
	s27 =	sor.u32 s21, s27;
	s21 =	sadd.s32 s25, s22;
	[tilespmem:s23+$0x3CF0 ss:$0x41] =	vst.msk $0xffff, v47  }
0x1b: {  	p1 =	sgt.s32 s12, $0x1;
	s29 =	sshra.s32 s12, $0x1F;
	v52 =	vld [tilespmem:s24+$0x30];
	s25 =	smov.u32 s12;
	[tilespmem:s21+$0x2490 ss:$0x41] =	vst.msk $0xffff, v57  }
0x1c: {  	v53 =	vld [tilespmem:s24+$0x40];
	s31 =	sshra.s32 s11, $0x1F;
	s22 =	sshrl.u32 s27, $0x7;
	s25 =	simm.s32 @!p1 $0x1;
	[tilespmem:s21+$0x28A0 ss:$0x41] =	vst.msk $0xffff, v58  }
0x1d: {  	v54 =	vld [tilespmem:s24+$0x50];
	s27 =	sand.u32 s29, s12;
	p1 =	sgt.s32 s11, $0x40;
	s29 =	sand.u32 s31, s11;
	[tilespmem:s21+$0x2CB0 ss:$0x41] =	vst.msk $0xffff, v59  }
0x1e: {  	v55 =	vld [tilespmem:s24+$0x60];
	[tilespmem:s21+$0x30C0 ss:$0x41] =	vst.msk $0xffff, v60;
	s28 =	smulhi.u32 $0x14F8B59, s22;
	s30 =	sxor.u32 $0xFFFFFFFF, s27;
	s27 =	smov.u32 s11  }
0x1f: {  	v56 =	vld [tilespmem:s24+$0x70];
	[tilespmem:s21+$0x34D0 ss:$0x41] =	vst.msk $0xffff, v61;
	s24 =	sadd.s32 s30, s25;
	s27 =	simm.s32 @!p1 $0x40;
	p1 =	sgt.s32 s10, $0x185A0  }
0x20: {  	[tilespmem:s21+$0x38E0 ss:$0x41] =	vst.msk $0xffff, v62;
	s30 =	sshra.s32 s10, $0x1F;
	s23 =	sshrl.u32 s28, $0x9;
	s28 =	smov.u32 s10  }
0x21: {  	[tilespmem:s21+$0x3CF0 ss:$0x41] =	vst.msk $0xffff, v63;
	s25 =	ssub.s32 s27, s29;
	s27 =	sand.u32 s30, s10;
	s30 =	smul.u32 $0x186A00, s12  }
0x22: {  	[tilespmem:s21+$0x2080 ss:$0x41] =	vst.msk $0xffff, v48;
	s28 =	simm.s32 @!p1 $0x185A0;
	p1 =	sgt.s32 s24, $0x0;
	s24 =	ssub.s32 $0x1, s24  }
0x23: {  	[tilespmem:s21+$0x0 ss:$0x41] =	vst.msk $0xffff, v49;
	s31 =	sadd.s32 $0xFFFFFFC0, s25;
	s25 =	ssub.s32 $0x80, s25;
	s23 =	smul.u32 $0x186A0, s23  }
0x24: {  	[tilespmem:s21+$0x410 ss:$0x41] =	vst.msk $0xffff, v50;
	s27 =	ssub.s32 s28, s27;
	s24 =	simm.s32 @p1 $0x0;
	p1 =	sgt.s32 s31, $0x3F  }
0x25: {  	[tilespmem:s21+$0x820 ss:$0x41] =	vst.msk $0xffff, v51;
	s28 =	sand.u32 $0x7, s11;
	s29 =	sadd.s32 $0xFFFE7A60, s27;
	s25 =	simm.s32 @p1 $0x0  }
0x26: {  	[tilespmem:s21+$0xC30 ss:$0x41] =	vst.msk $0xffff, v52;
	s26 =	ssub.s32 $0x186A0, s27;
	p1 =	sgt.s32 s29, $0xFF;
	s24 =	smul.u32 s24, s25  }
0x27: {  	[tilespmem:s21+$0x1040 ss:$0x41] =	vst.msk $0xffff, v53;
	s22 =	ssub.s32 s22, s23;
	s27 =	sshrl.u32 s11, $0x3;
	s26 =	simm.s32 @p1 $0x0  }
0x28: {  	[tilespmem:s21+$0x1450 ss:$0x41] =	vst.msk $0xffff, v54;
	s25 =	sadd.s32 s5, s30;
	s31 =	smul.u32 s26, s24;
	s24 =	sand.u32 $0xF, s27  }
0x29: {  	[tilespmem:s21+$0x1860 ss:$0x41] =	vst.msk $0xffff, v55;
	s22 =	sshll.u32 s22, $0x4;
	s29 =	sshll.u32 s28, $0x12;
	s24 =	sadd.s32 s24, s25  }
0x2a: {  	[tilespmem:s21+$0x1C70 ss:$0x41] =	vst.msk $0xffff, v56;
	s30 =	sand.u32 $0x3FFFFFFF, s31;
	s22 =	sadd.s32 s22, s24;
	s31 =	sor.u32 $0x40, s29  }
0x2b: {  	[hbm4b:s22+s31] =	stream.strided.scatter [tilespmem:s20], [sflag:$0x2], s30, s9, s31, $0x18;
	[tilespmem:$0x10200] =	vst v63  }
.LBB1_5:
0x2c: {  	p1 =	slt.u32 s16, $0x2  }
0x2d: {  	s21 =	smov.u32 s19;
	p2 =	sgt.s32 @!p1 s19, $0x1  }
0x2e: {  	s20 =	sshra.s32 @!p1 s19, $0x1F;
	p3 =	sgt.s32 @!p1 s18, $0x40;
	p2 =	por !p2, p1  }
0x2f: {  	s19 =	sand.u32 @!p1 s20, s19;
	p3 =	por !p3, p1;
	s20 =	smov.u32 s18  }
0x30: {  	s21 =	simm.s32 @p2 $0x1;
	s19 =	sxor.u32 @!p1 $0xFFFFFFFF, s19;
	s20 =	simm.s32 @p3 $0x40  }
0x31: {  	p3 =	sgt.s32 @!p1 s17, $0x185A0;
	s19 =	sadd.s32 @!p1 s19, s21;
	s21 =	sshra.s32 @!p1 s18, $0x1F  }
0x32: {  	p3 =	por !p3, p1;
	p2 =	sgt.s32 @!p1 s19, $0x0;
	s19 =	ssub.s32 @!p1 $0x1, s19  }
0x33: {  	s18 =	sand.u32 @!p1 s21, s18;
	s21 =	smov.u32 s17;
	p2 =	por !p2, p1  }
0x34: {  	s18 =	ssub.s32 @!p1 s20, s18;
	s20 =	sshra.s32 @!p1 s17, $0x1F;
	s21 =	simm.s32 @p3 $0x185A0  }
0x35: {  	s17 =	sand.u32 @!p1 s20, s17;
	s20 =	sadd.s32 @!p1 $0xFFFFFFC0, s18;
	s19 =	simm.s32 @!p2 $0x0  }
0x36: {  	s18 =	ssub.s32 @!p1 $0x80, s18;
	s17 =	ssub.s32 @!p1 s21, s17;
	p2 =	sgt.s32 @!p1 s20, $0x3F  }
0x37: {  	s21 =	smov.u32 s14;
	s20 =	sadd.s32 @!p1 $0xFFFE7A60, s17;
	p2 =	por !p2, p1  }
0x38: {  	s17 =	ssub.s32 @!p1 $0x186A0, s17;
	p3 =	sgt.s32 @!p1 s20, $0xFF;
	s18 =	simm.s32 @!p2 $0x0  }
0x39: {  	s20 =	sadd.s32 $0x1000, s13;
	p2 =	por !p3, p1;
	s18 =	smul.u32 @!p1 s19, s18  }
0x3a: {  	s19 =	sadd.s32 $0x40, s14;
	s17 =	simm.s32 @!p2 $0x0;
	p2 =	sgt.s32 s20, $0x1869F  }
0x3b: {  	s22 =	smov.u32 s15;
	s21 =	smov.u32 @p2 s19  }
0x3c: {  	s17 =	smul.u32 @!p1 s17, s18;
	s18 =	sadd.s32 $0x2, s15;
	p3 =	sgt.s32 s21, $0x3F  }
0x3d: {  	p0 =	por !p0, !p0;
	s23 =	simm.s32 @!p1 $0x2;
	s22 =	smov.u32 @p3 s18  }
0x3e: {  	s20 =	smov.u32 @p2 s4;
	s19 =	smov.u32 s12;
	p2 =	sgt.s32 s22, $0x1  }
0x3f: {  	s12 =	smov.u32 s15;
	s22 =	smov.u32 @p2 s3;
	p2 =	sne.s32 s16, s8  }
.Ltmp1:
0x40: {  	s17 =	sand.u32 @!p1 $0x3FFFFFFF, s17;
	s21 =	simm.s32 @p3 $0x0;
	(pc) =	sbr.rel @!p2 .LBB1_6-.Ltmp1, $4  }
0x41: {  	s18 =	smov.u32 s11;
	s11 =	smov.u32 s14;
	_ =	swait.ge @!p1 [sflag:s23], s17  }
0x42: {  	s24 =	ssub.s32 @!p1 $0x0, s17;
	s17 =	smov.u32 s10;
	s10 =	smov.u32 s13  }
0x43: {  	s13 =	smov.u32 s20;
	s14 =	smov.u32 s21;
	[sflag:s23] =	ssyncset.done @!p1 $0x0  }
0x44: {  	s16 =	sadd.s32 $0x1, s16;
	[sflag:s23] =	ssyncadd.s32 @!p1 s24;
	s15 =	smov.u32 s22  }
.LBB1_1:
0x45: {  	p1 =	sge.u32 s16, s7  }
0x46: {  	s20 =	sshrl.u32 @!p1 s14, $0x3  }
0x47: {  	s21 =	sshll.u32 @!p1 s13, $0x3;
	s20 =	smul.u32 @!p1 $0xC3800, s20  }
0x48: {  	s22 =	sshll.u32 @!p1 s14, $0x7;
	s21 =	sand.u32 @!p1 $0xFFFFFC00, s21  }
0x49: {  	s20 =	sadd.s32 @!p1 s20, s21;
	s21 =	sand.u32 @!p1 $0x380, s22  }
0x4a: {  	s22 =	sand.u32 @!p1 $0x7F, s13;
	s20 =	sor.u32 @!p1 s21, s20  }
0x4b: {  	s21 =	sor.u32 @!p1 s22, s20  }
0x4c: {  	s22 =	smulhi.u32 @!p1 $0xA79C7B17, s21  }
0x4d: {  	s20 =	smulhi.u32 @!p1 $0xA79C7B17, s20  }
0x4e: {  	s22 =	sshrl.u32 @!p1 s22, $0x10  }
0x4f: {  	s31 =	sadd.s32 $0xFFFFFFFF, s16;
	s20 =	sshrl.u32 @!p1 s20, $0x10;
	s22 =	smul.u32 @!p1 $0x18700, s22  }
0x50: {  	s23 =	sxor.u32 @!p1 $0xFFFFFFFF, s16;
	s24 =	smul.u32 @!p1 $0xC3800, s15;
	s20 =	sand.u32 @!p1 $0x3F, s20  }
0x51: {  	s23 =	sshll.u32 @!p1 s23, $0xE;
	s20 =	smul.u32 @!p1 $0x30E0, s20;
	s21 =	ssub.s32 @!p1 s21, s22  }
0x52: {  	s22 =	sand.u32 @!p1 $0x4000, s23;
	s23 =	sadd.s32 @!p1 s2, s24;
	s24 =	sand.u32 @!p1 $0x7, s21  }
0x53: {  	s21 =	sshrl.u32 @!p1 s21, $0x3;
	s20 =	sadd.s32 @!p1 s20, s23;
	s23 =	sshll.u32 @!p1 s24, $0x12  }
0x54: {  	s20 =	sadd.s32 @!p1 s21, s20;
	s21 =	sor.u32 @!p1 $0x800, s23;
	s23 =	simm.s32 @!p1 $0xC3800  }
0x55: {  	[tilespmem:s22], [sflag:$0x1] =	stream.strided.gather @!p1 [hbm4b:s20+s21], $0x4000, s23, s21, $0x38;
	[tilespmem:$0x10200] =	vst v63  }
0x56: {  	p1 =	sge.u32 s31, s7  }
.Ltmp2:
0x57: {  	_ = 	snop;
	(pc) =	sbr.rel @p1 .LBB1_5-.Ltmp2, $1  }
0x58: {  	_ =	sdelay $0x3  }
0x59: {  	s22 =	simm.s32 $0x0  }
0x5a: {  	s23 =	sand.u32 $0x3800, s22;
	s24 =	sand.u32 $0x380, s22  }
0x5b: {  	s20 =	sand.u32 $0x1, s16;
	s24 =	sor.u32 s24, s23  }
0x5c: {  	_ =	swait.ge [sflag:s6], $0x4000;
	s21 =	sshll.u32 s20, $0xE;
	s23 =	sand.u32 $0x3B00, s24  }
0x5d: {  	[sflag:s6] =	ssyncset.done $0x0;
	s22 =	sand.u32 $0x80, s22;
	s23 =	sadd.s32 s23, s21  }
0x5e: {  	[sflag:s6] =	ssyncadd.s32 $0xFFFFC000;
	s26 =	sadd.s32 s22, s23  }
0x5f: {  	v4 =	vld [tilespmem:s26+$0x400]  }
0x60: {  	s25 =	simm.s32 $0x1;
	v5 =	vld [tilespmem:s26+$0x0]  }
0x61: {  	s25 =	simm.s32 @!p0 $0x0;
	v6 =	vld [tilespmem:s26+$0x10]  }
0x62: {  	v0 =	vmov s21;
	s31 =	smul.u32 $0x10400, s25;
	v7 =	vld [tilespmem:s26+$0x20]  }
0x63: {  	v9 =	vld [tilespmem:s26+$0x30]  }
0x64: {  	s22 =	sshrl.u32 s31, $0x2;
	v10 =	vld [tilespmem:s26+$0x40]  }
0x65: {  	s22 =	sor.u32 $0x8000, s22;
	v11 =	vld [tilespmem:s26+$0x50]  }
0x66: {  	v8 =	vld [tilespmem:s26+$0x60];
	s23 =	sadd.s32 $0x0, s22  }
0x67: {  	v1 =	vld.idx.msk [tilespmem:v0+s24+$0x410 ss:$0x1], $0xffff;
	[tilespmem:s23+$0x2080 ss:$0x41] =	vst.msk $0xffff, v4  }
0x68: {  	v2 =	vld.idx.msk [tilespmem:v0+s24+$0x420 ss:$0x1], $0xffff;
	[tilespmem:s23+$0x0 ss:$0x41] =	vst.msk $0xffff, v5  }
0x69: {  	v3 =	vld.idx.msk [tilespmem:v0+s24+$0x430 ss:$0x1], $0xffff;
	[tilespmem:s23+$0x410 ss:$0x41] =	vst.msk $0xffff, v6  }
0x6a: {  	s20 =	smul.u32 $0x10400, s20;
	[tilespmem:s23+$0x820 ss:$0x41] =	vst.msk $0xffff, v7;
	v7 =	vld [tilespmem:s26+$0x70]  }
0x6b: {  	s27 =	simm.s32 $0x80;
	s28 =	simm.s32 $0x8;
	[tilespmem:s23+$0xC30 ss:$0x41] =	vst.msk $0xffff, v9;
	v5 =	vld.idx.msk [tilespmem:v0+s24+$0x440 ss:$0x1], $0xffff  }
0x6c: {  	s30 =	sand.u32 $0x380, s27;
	s20 =	sshrl.u32 s20, $0x2;
	[tilespmem:s23+$0x1040 ss:$0x41] =	vst.msk $0xffff, v10;
	v4 =	vld.idx.msk [tilespmem:v0+s24+$0x450 ss:$0x1], $0xffff;
	s26 =	simm.s32 $0x100  }
0x6d: {  	s25 =	simm.s32 $0x4;
	s20 =	sor.u32 $0x8000, s20;
	[tilespmem:s23+$0x1450 ss:$0x41] =	vst.msk $0xffff, v11;
	v6 =	vld.idx.msk [tilespmem:v0+s24+$0x460 ss:$0x1], $0xffff;
	s29 =	sand.u32 $0x3800, s26  }
.LBB1_3:
0x6e: {  	p1 =	sne.s32 s28, $0xFC;
	[tilespmem:s23+$0x1860 ss:$0x41] =	vst.msk $0xffff, v8;
	v8 =	vld.idx.msk [tilespmem:v0+s24+$0x470 ss:$0x1], $0xffff;
	s24 =	sor.u32 s30, s29  }
0x6f: {  	s29 =	sand.u32 $0x3B00, s24;
	v9 =	vld.idx.msk [tilespmem:v0+s24+$0x410 ss:$0x1], $0xffff;
	[tilespmem:s23+$0x1C70 ss:$0x41] =	vst.msk $0xffff, v7  }
0x70: {  	s30 =	sand.u32 $0x80, s27;
	s29 =	sadd.s32 s29, s21;
	v7 =	vld.idx.msk [tilespmem:v0+s24+$0x420 ss:$0x1], $0xffff;
	[tilespmem:s23+$0x2490 ss:$0x41] =	vst.msk $0xffff, v1  }
0x71: {  	s29 =	sadd.s32 s30, s29;
	v10 =	vld.idx.msk [tilespmem:v0+s24+$0x430 ss:$0x1], $0xffff;
	[tilespmem:s23+$0x28A0 ss:$0x41] =	vst.msk $0xffff, v2  }
0x72: {  	v11 =	vld [tilespmem:s29+$0x400];
	[tilespmem:s23+$0x2CB0 ss:$0x41] =	vst.msk $0xffff, v3  }
0x73: {  	v12 =	vld [tilespmem:s29+$0x0];
	[tilespmem:s23+$0x30C0 ss:$0x41] =	vst.msk $0xffff, v5  }
0x74: {  	v5 =	vld [tilespmem:s29+$0x10];
	[tilespmem:s23+$0x34D0 ss:$0x41] =	vst.msk $0xffff, v4  }
0x75: {  	s30 =	sshra.s32 s25, $0x2;
	s25 =	smov.u32 s28;
	v1 =	vmov v9;
	v4 =	vld [tilespmem:s29+$0x20];
	[tilespmem:s23+$0x38E0 ss:$0x41] =	vst.msk $0xffff, v6  }
0x76: {  	v2 =	vmov v7;
	v6 =	vld [tilespmem:s29+$0x30];
	[tilespmem:s23+$0x3CF0 ss:$0x41] =	vst.msk $0xffff, v8;
	s23 =	sadd.s32 s30, s22  }
0x77: {  	v3 =	vmov v10;
	v9 =	vld [tilespmem:s29+$0x40];
	[tilespmem:s23+$0x2080 ss:$0x41] =	vst.msk $0xffff, v11  }
0x78: {  	[tilespmem:s23+$0x0 ss:$0x41] =	vst.msk $0xffff, v12;
	v10 =	vld [tilespmem:s29+$0x50]  }
.Ltmp3:
0x79: {  	[tilespmem:s23+$0x410 ss:$0x41] =	vst.msk $0xffff, v5;
	v8 =	vld [tilespmem:s29+$0x60];
	(pc) =	sbr.rel @p1 .LBB1_3-.Ltmp3, $4  }
0x7a: {  	[tilespmem:s23+$0x820 ss:$0x41] =	vst.msk $0xffff, v4;
	v7 =	vld [tilespmem:s29+$0x70]  }
0x7b: {  	[tilespmem:s23+$0xC30 ss:$0x41] =	vst.msk $0xffff, v6;
	v5 =	vld.idx.msk [tilespmem:v0+s24+$0x440 ss:$0x1], $0xffff  }
0x7c: {  	s27 =	sadd.s32 $0x80, s27;
	s26 =	sadd.s32 $0x100, s26;
	[tilespmem:s23+$0x1040 ss:$0x41] =	vst.msk $0xffff, v9;
	v4 =	vld.idx.msk [tilespmem:v0+s24+$0x450 ss:$0x1], $0xffff  }
0x7d: {  	s28 =	sadd.s32 $0x4, s28;
	s30 =	sand.u32 $0x380, s27;
	s29 =	sand.u32 $0x3800, s26;
	[tilespmem:s23+$0x1450 ss:$0x41] =	vst.msk $0xffff, v10;
	v6 =	vld.idx.msk [tilespmem:v0+s24+$0x460 ss:$0x1], $0xffff  }
.Ltmp4:
0x7e: {  	_ = 	snop;
	(pc) =	sbr.rel .LBB1_4-.Ltmp4, $1  }
0x7f: {  	_ =	sdelay $0x3  }
.LBB1_6:
0x80: {  	_ =	sfence.sel $0x180000  }
0x81: {  	s2 =	simm.s32 $0x1;
	[bflag:$0x0] =	sbarrier.arrive $0xFFFF  }
0x82: {  	s31 =	simm.s32 $0x2;
	[sflag:s2] =	ssyncpa.u1 $0x1  }
0x83: {  	[sflag:s31] =	ssyncpa.u1 $0x1  }
0x84: {  	p0 =	sne.s32 s0, $0x0;
	_ =	strace $0x9000004D  }
0x85: {  	s0 =	sadd.s32 @!p0 $0x100000, s1;
	[bflag:$0x2] =	sbarrier.arrive $0xFFFF  }
0x86: {  	[sflag:s0] =	ssyncadd.tile.s32 @!p0 $0x1;
	_ =	shalt  }
.Lfunc_end1:
_tile_overlayer_lowered:
.L_overlay_start_2:
0x87: {  	(tag) =	ssettag $0x2  }
0x88: {  	s0 =	rddreg [dreg:$0x0];
	s2 =	stileid.u32  }
0x89: {  	s1 =	rddreg [dreg:$0x1];
	p0 =	sne.s32 s2, $0x0  }
0x8a: {  	s3 =	rddreg [dreg:$0x2];
	[bflag:$0x3] =	sbarrier.arrive $0xFFFF;
	s2 =	simm.s32 @!p0 $0x1C01  }
0x8b: {  	[timem:s3], [sflag:s2] =	dma.local @!p0 [hbm:s0], s1  }
0x8c: {  	s0 =	simm.s32 @!p0 $0x1  }
0x8d: {  	_ =	swait.ge @!p0 [sflag:s0], s1  }
0x8e: {  	s1 =	ssub.s32 @!p0 $0x0, s1;
	[sflag:s0] =	ssyncset.done @!p0 $0x0  }
0x8f: {  	[sflag:s0] =	ssyncadd.s32 @!p0 s1  }
0x90: {  	[bflag:$0x3] =	sbarrier.arrive $0xFFFF  }
0x91: {  	_ =	shalt  }

// kernel: sparse-core-data-format-call.cloned.1.call-start
scs
called_computation.2_lowered:
.L_overlay_start_0:
0x0: {  	s2 =	sld [smem:$0x3FD9]  }
0x1: {  	s3 =	sld [smem:$0x3FFE];
	_ =	sdelay $0x1  }
0x2: {  	s1 =	srdreg.scid  }
0x3: {  	s0 =	sand.u32 $0x1, s1  }
0x4: {  	s16 =	sshll.u32 s0, $0xA;
	s2 =	sadd.s32 s3, s2  }
0x5: {  	s2 =	sadd.s32 s2, s16  }
0x6: {  	[smem:$0x3FC2] =	sst s2  }
0x7: {  	_ = 	snop  }
0x8: {  	s2 =	sld [smem:$0x3FD0];
	_ =	sdelay $0x2  }
0x9: {  	s17 =	simm.s32 $0xB;
	s4 =	simm.s32 $0x10  }
0xa: {  	[smem:s4], [sflag:s17] =	dma.local [hbm:s2], $0x1  }
0xb: {  	_ =	swait.eq [sflag:s17], $0x1  }
0xc: {  	[sflag:s17] =	ssyncset.done $0x0  }
0xd: {  	[sflag:s17] =	ssyncadd.s32 $0xFFFFFFFF  }
0xe: {  	s18 =	sld [smem:$0x11];
	(tm) =	ssettm $0x1  }
0xf: {  	s19 =	sld [smem:$0x3FFB];
	_ =	sdelay $0x3  }
0x10: {  	_ =	strace s19  }
0x11: {  	s2 =	sld [smem:$0x3FFC];
	_ =	sdelay $0x3  }
0x12: {  	_ =	strace s2  }
0x13: {  	s2 =	sld [smem:$0x3FFD];
	_ =	sdelay $0x3  }
0x14: {  	_ =	strace s2  }
0x15: {  	_ =	strace $0x8FFFFFFF  }
0x16: {  	s20 =	sld [smem:$0x3FDB];
	_ =	sdelay $0x1  }
0x17: {  	s21 =	simm.s32 $_scs_section_size  }
0x18: {  	s5 =	simm.s32 $_size__tile_overlayer_lowered;
	s6 =	simm.s32 $_tile_overlayer_lowered  }
0x19: {  	s7 =	simm.s32 $0x1BFF;
	s22 =	sshll.u32 s6, $0x1;
	s4 =	sadd.s32 s21, s20  }
0x1a: {  	s23 =	simm.s32 $0x0;
	s5 =	sshll.u32 s5, $0x1;
	s6 =	sadd.s32 s22, s4  }
0x1b: {  	[timem:s23], [sflag:s7] =	dma.local [hbm:s6], s5  }
0x1c: {  	_ =	swait.ge [sflag:s7], s5  }
0x1d: {  	s5 =	ssub.s32 $0x0, s5;
	[sflag:s7] =	ssyncset.done $0x0  }
0x1e: {  	[sflag:s7] =	ssyncadd.s32 s5;
	_ =	sdelay $0x1  }
0x1f: {  	s24 =	simm.s32 $0x1B8B  }
0x20: {  	_ =	swait.ge [sflag:s24], $0x1  }
0x21: {  	[sflag:s24] =	ssyncset.done $0x0  }
0x22: {  	[sflag:s24] =	ssyncadd.s32 $0xFFFFFFFF  }
0x23: {  	s5 =	sld [smem:$0x0]  }
0x24: {  	s6 =	sand.u32 $0xFFFFFFFE, s1  }
0x25: {  	p0 =	sne.s32 s1, s6  }
0x26: {  	s6 =	sshll.u32 @p0 s6, $0xE  }
0x27: {  	s6 =	sadd.s32 @p0 $0x11B8D, s6;
	s7 =	sshll.u32 @p0 s5, $0x11  }
0x28: {  	s6 =	sor.u32 @p0 s7, s6  }
0x29: {  	[sflag:s6] =	ssyncadd.remote.s32 @p0 $0x1;
	_ =	sdelay $0x1  }
0x2a: {  	s6 =	simm.s32 @p0 $0x1B8D  }
0x2b: {  	_ =	swait.eq @p0 [sflag:s6], $0x1  }
0x2c: {  	[sflag:s6] =	ssyncadd.s32 @p0 $0xFFFFFFFF  }
0x2d: {  	s7 =	sshll.u32 @!p0 s1, $0xE  }
0x2e: {  	s7 =	sor.u32 @!p0 $0x4000, s7;
	s6 =	simm.s32 @!p0 $0x1B8D  }
0x2f: {  	s5 =	sshll.u32 @!p0 s5, $0x11;
	s7 =	sadd.s32 @!p0 $0x11B8D, s7;
	_ =	swait.eq @!p0 [sflag:s6], $0x1  }
0x30: {  	s5 =	sor.u32 @!p0 s5, s7;
	[sflag:s6] =	ssyncadd.s32 @!p0 $0xFFFFFFFF  }
0x31: {  	s26 =	simm.s32 $0x1B8E;
	s25 =	sld [smem:$0x3FFE];
	[sflag:s5] =	ssyncadd.remote.s32 @!p0 $0x1  }
0x32: {  	s27 =	simm.s32 $execute0_lowered;
	[smem:$0x3FD2] =	sst s26  }
0x33: {  	s6 =	sshll.u32 s27, $0x1;
	_ =	strace $0x80000055;
	[dreg:$0x1] =	wrdreg $0xFFFFFFFF  }
0x34: {  	s28 =	simm.s32 $_size_execute0_lowered;
	s4 =	sadd.s32 s4, s6;
	[dreg:$0x0] =	wrdreg $0x0  }
0x35: {  	s6 =	sshll.u32 s28, $0x1;
	[dreg:$0x2] =	wrdreg s4  }
0x36: {  	[dreg:$0x3] =	wrdreg s6  }
0x37: {  	[dreg:$0x4] =	wrdreg $0xC0  }
0x38: {  	_ =	task [dreg:s23], $0x5FFFF  }
0x39: {  	[dreg:$0x1] =	wrdreg $0xFFFFFFFF  }
0x3a: {  	[dreg:$0x0] =	wrdreg $0x60  }
0x3b: {  	[dreg:$0x2] =	wrdreg s25  }
0x3c: {  	[dreg:$0x3] =	wrdreg s18  }
0x3d: {  	[dreg:$0x4] =	wrdreg $0x9  }
0x3e: {  	_ =	task.clear_ibuf [dreg:s23], $0x5FFFF;
	_ =	strace $0x90000055  }
0x3f: {  	s29 =	simm.s32 $0x9;
	_ =	strace $0x80000057  }
0x40: {  	_ =	swait.ge [sflag:s29], $0x1  }
0x41: {  	[sflag:s29] =	ssyncadd.s32 $0xFFFFFFFF  }
0x42: {  	_ =	strace $0x90000057  }
0x43: {  	_ =	sfence  }
0x44: {  	s30 =	sld [smem:$0x0];
	_ =	sdelay $0x2  }
0x45: {  	s31 =	sshll.u32 s1, $0xD;
	s1 =	sshrl.u32 s1, $0x2  }
0x46: {  	s4 =	sand.u32 $0x4000, s31;
	s1 =	sadd.s32 s1, s30  }
0x47: {  	s0 =	sor.u32 s4, s0;
	s1 =	sshll.u32 s1, $0x11  }
0x48: {  	s0 =	sor.u32 s1, s0  }
0x49: {  	s0 =	sadd.s32 $0x8F2B, s0  }
0x4a: {  	[sflag:s0] =	ssyncadd.remote.s32 $0x1  }
0x4b: {  	_ =	sfence.sel $0xFFFF  }
0x4c: {  	[dreg:$0x0] =	wrdreg $0xFFFFFFFF;
	(pc) =	sbr.abs _section_cstart, $3  }
0x4d: {  	[dreg:$0x1] =	wrdreg $0xFFFFFFFF  }
0x4e: {  	_ =	task.clear_ibuf [dreg:s23], $0x2FFFF;
	_ =	strace $0x9FFFFFFF  }
0x4f: {  	(tm) =	ssettm $0x7FFFFFFF  }
tec
execute0_lowered:
.L_overlay_start_1:
0x0: {  	(tag) =	ssettag $0x1  }
0x1: {  	s0 =	stileid.u32  }
0x2: {  	s1 =	srdreg.scid;
	s7 =	rddreg [dreg:$0x0]  }
0x3: {  	s2 =	rddreg [dreg:$0x1];
	s31 =	simm.s32 $0x2;
	s14 =	simm.s32 $0x0  }
0x4: {  	p0 =	por $0x0, $0x0;
	s3 =	sshll.u32 s0, $0x6;
	s1 =	sshll.u32 s1, $0xA  }
0x5: {  	s13 =	simm.s32 $0x0;
	s4 =	sor.u32 s3, s1;
	s3 =	sand.u32 $0x1, s0  }
0x6: {  	s12 =	simm.s32 $0x0;
	s4 =	sand.u32 $0x780, s4;
	s5 =	ssub.s32 $0x2, s3  }
0x7: {  	s7 =	sadd.s32 $0xC93A00, s7;
	s6 =	ssub.s32 $0x18680, s4;
	s8 =	sshrl.u32 s5, $0x1  }
.Ltmp0:
0x8: {  	s9 =	sand.u32 $0x1, s5;
	s6 =	sshrl.u32 s6, $0xB;
	(pc) =	sbr.rel .LBB1_1-.Ltmp0, $4  }
0x9: {  	s1 =	rddreg [dreg:$0x2];
	s8 =	sadd.s32 s9, s8;
	s6 =	sadd.s32 $0x1, s6  }
0xa: {  	_ =	strace $0x80000056;
	s5 =	simm.s32 $0x1;
	s6 =	smul.u32 s8, s6  }
0xb: {  	s11 =	smov.u32 s3;
	s10 =	smov.u32 s4;
	[sflag:s5] =	ssyncpa.u1 $0x0  }
0xc: {  	s9 =	simm.s32 $0xC3800;
	[sflag:s31] =	ssyncpa.u1 $0x0;
	s8 =	sadd.s32 $0x1, s6  }
.LBB1_4:
0xd: {  	s17 =	sshll.u32 s14, $0x3  }
0xe: {  	s29 =	sand.u32 $0x7F, s14;
	s17 =	sand.u32 $0xFFFFFC00, s17  }
0xf: {  	s14 =	sor.u32 s29, s17  }
0x10: {  	s18 =	smulhi.u32 $0xA79C7B17, s14  }
0x11: {  	s17 =	smulhi.u32 $0xA79C7B17, s17  }
0x12: {  	s18 =	sshrl.u32 s18, $0x10  }
0x13: {  	s17 =	sshrl.u32 s17, $0x10;
	s18 =	smul.u32 $0x18700, s18  }
0x14: {  	s13 =	smul.u32 $0xC3800, s13;
	s17 =	sand.u32 $0x3F, s17  }
0x15: {  	s17 =	smul.u32 $0x30E0, s17;
	s14 =	ssub.s32 s14, s18  }
0x16: {  	[tilespmem:s16+$0x810 ss:$0x81] =	vst.msk $0xffff, v2;
	s13 =	sadd.s32 s2, s13;
	s18 =	sand.u32 $0x7, s14  }
0x17: {  	[tilespmem:s16+$0x1020 ss:$0x81] =	vst.msk $0xffff, v0;
	s13 =	sadd.s32 s17, s13;
	s14 =	sshrl.u32 s14, $0x3;
	s30 =	sshll.u32 s18, $0x12  }
0x18: {  	[tilespmem:s16+$0x0 ss:$0x81] =	vst.msk $0xffff, v1;
	s13 =	sadd.s32 s14, s13;
	s31 =	sor.u32 $0x400, s30  }
0x19: {  	[hbm4b:s13+s31] =	stream.strided.scatter [tilespmem:s15], [sflag:$0x2], $0x2000, s9, s31, $0x20;
	[tilespmem:$0x8080] =	vst v63  }
.LBB1_5:
0x1a: {  	s15 =	sadd.s32 $0x800, s10  }
0x1b: {  	s13 =	sadd.s32 $0x2, s11;
	s17 =	smov.u32 s11;
	p2 =	sgt.s32 s15, $0x1869F  }
0x1c: {  	s17 =	smov.u32 @p2 s13  }
0x1d: {  	s15 =	smov.u32 @p2 s4;
	p2 =	sgt.s32 s17, $0x1  }
0x1e: {  	s17 =	smov.u32 @p2 s3;
	p2 =	sne.s32 s12, s8  }
.Ltmp1:
0x1f: {  	p1 =	slt.u32 s12, $0x2;
	(pc) =	sbr.rel @!p2 .LBB1_6-.Ltmp1, $4  }
0x20: {  	s16 =	simm.s32 @!p1 $0x2  }
0x21: {  	s14 =	smov.u32 s10;
	p0 =	por !p0, !p0;
	_ =	swait.ge @!p1 [sflag:s16], $0x2000  }
0x22: {  	s13 =	smov.u32 s11;
	[sflag:s16] =	ssyncset.done @!p1 $0x0;
	s10 =	smov.u32 s15  }
0x23: {  	s12 =	sadd.s32 $0x1, s12;
	[sflag:s16] =	ssyncadd.s32 @!p1 $0xFFFFE000;
	s11 =	smov.u32 s17  }
.LBB1_1:
0x24: {  	p1 =	sge.u32 s12, s6  }
0x25: {  	s17 =	smov.u32 s11;
	p2 =	sgt.s32 @!p1 s11, $0x1  }
0x26: {  	s19 =	smov.u32 s10;
	s15 =	sand.u32 @!p1 $0x1FFFFFF, s10;
	p2 =	por !p2, p1  }
0x27: {  	s18 =	sshra.s32 @!p1 s11, $0x1F;
	s17 =	simm.s32 @p2 $0x1;
	p2 =	sgt.s32 @!p1 s10, $0x18620  }
0x28: {  	s20 =	sshra.s32 @!p1 s10, $0x1F;
	s18 =	sand.u32 @!p1 s18, s11;
	p2 =	por !p2, p1  }
0x29: {  	s20 =	sand.u32 @!p1 s20, s10;
	s18 =	sxor.u32 @!p1 $0xFFFFFFFF, s18;
	s19 =	simm.s32 @p2 $0x18620  }
0x2a: {  	s16 =	smulhi.u32 @!p1 $0x14F8B59, s15;
	s17 =	sadd.s32 @!p1 s18, s17;
	s18 =	ssub.s32 @!p1 s19, s20  }
0x2b: {  	p2 =	sgt.s32 @!p1 s17, $0x0;
	s17 =	sshll.u32 @!p1 s17, $0x6;
	s19 =	sadd.s32 @!p1 $0xFFFE79E0, s18  }
0x2c: {  	s16 =	sshrl.u32 @!p1 s16, $0x9;
	s17 =	ssub.s32 @!p1 $0x40, s17;
	p3 =	sgt.s32 @!p1 s19, $0x7F  }
0x2d: {  	p2 =	por !p2, p1;
	s18 =	ssub.s32 @!p1 $0x186A0, s18;
	p3 =	por !p3, p1  }
0x2e: {  	s16 =	smul.u32 @!p1 $0x186A0, s16;
	s17 =	simm.s32 @!p2 $0x0;
	s18 =	simm.s32 @!p3 $0x0  }
0x2f: {  	s19 =	sxor.u32 @!p1 $0xFFFFFFFF, s12;
	s17 =	smul.u32 @!p1 s18, s17  }
0x30: {  	s15 =	ssub.s32 @!p1 s15, s16;
	s18 =	sshll.u32 @!p1 s19, $0xD;
	s19 =	smul.u32 @!p1 $0x186A00, s11  }
0x31: {  	s31 =	sadd.s32 $0xFFFFFFFF, s12;
	s15 =	sshll.u32 @!p1 s15, $0x4  }
0x32: {  	s18 =	sand.u32 @!p1 $0x2000, s18;
	s16 =	sand.u32 @!p1 $0x3FFFFFC0, s17;
	s17 =	sadd.s32 @!p1 s7, s19  }
0x33: {  	s19 =	simm.s32 @!p1 $0x80;
	s15 =	sadd.s32 @!p1 s15, s17;
	s17 =	simm.s32 @!p1 $0x40  }
0x34: {  	[tilespmem:s18], [sflag:$0x1] =	stream.strided.gather @!p1 [hbm4b:s15+s17], s16, s19, s17, $0x38;
	[tilespmem:$0x8080] =	vst v63  }
0x35: {  	p1 =	sge.u32 s31, s6  }
.Ltmp2:
0x36: {  	_ = 	snop;
	(pc) =	sbr.rel @p1 .LBB1_5-.Ltmp2, $1  }
0x37: {  	_ =	sdelay $0x3  }
0x38: {  	p1 =	sgt.s32 s13, $0x1;
	s15 =	smov.u32 s13  }
0x39: {  	s16 =	sshra.s32 s13, $0x1F;
	s17 =	smov.u32 s14;
	s18 =	sshra.s32 s14, $0x1F  }
0x3a: {  	s15 =	simm.s32 @!p1 $0x1;
	s16 =	sand.u32 s16, s13;
	p1 =	sgt.s32 s14, $0x18620  }
0x3b: {  	s18 =	sand.u32 s18, s14;
	s16 =	sxor.u32 $0xFFFFFFFF, s16;
	s17 =	simm.s32 @!p1 $0x18620  }
0x3c: {  	s15 =	sadd.s32 s16, s15;
	s27 =	ssub.s32 s17, s18  }
0x3d: {  	p1 =	sgt.s32 s15, $0x0;
	s17 =	sadd.s32 $0xFFFE79E0, s27;
	s15 =	sshll.u32 s15, $0x6  }
0x3e: {  	s16 =	ssub.s32 $0x186A0, s27;
	p2 =	sgt.s32 s17, $0x7F;
	s15 =	ssub.s32 $0x40, s15  }
0x3f: {  	s16 =	simm.s32 @p2 $0x0;
	s15 =	simm.s32 @p1 $0x0  }
0x40: {  	s15 =	smul.u32 s16, s15;
	_ =	sdelay $0x1  }
0x41: {  	s16 =	simm.s32 $0x1;
	s15 =	sand.u32 $0x3FFFFFC0, s15  }
0x42: {  	s16 =	simm.s32 @!p0 $0x0;
	_ =	swait.ge [sflag:s5], s15  }
0x43: {  	s28 =	sshll.u32 s16, $0xD;
	s15 =	ssub.s32 $0x0, s15;
	[sflag:s5] =	ssyncset.done $0x0  }
0x44: {  	s19 =	sor.u32 $0x20, s28;
	[sflag:s5] =	ssyncadd.s32 s15  }
0x45: {  	s29 =	smul.u32 $0x8100, s16;
	v3 =	vld [tilespmem:s19+$0x10]  }
0x46: {  	s30 =	sand.u32 $0x1, s12;
	v2 =	vld [tilespmem:s19+$0xFFFFFFF0]  }
0x47: {  	s16 =	smul.u32 $0x8100, s30;
	s15 =	sshrl.u32 s29, $0x2;
	v0 =	vld [tilespmem:s19+$0x0]  }
0x48: {  	s17 =	sor.u32 $0x4000, s15;
	v1 =	vld [tilespmem:s19+$0xFFFFFFE0]  }
0x49: {  	s31 =	sshrl.u32 s16, $0x2;
	s16 =	sadd.s32 $0x0, s17  }
0x4a: {  	s18 =	simm.s32 $0x4;
	s15 =	sor.u32 $0x4000, s31;
	s19 =	sadd.s32 $0x40, s19;
	[tilespmem:s16+$0x1830 ss:$0x81] =	vst.msk $0xffff, v3  }
.LBB1_3:
0x4b: {  	v3 =	vld [tilespmem:s19+$0x10];
	p1 =	sne.s32 s18, $0x1FC;
	[tilespmem:s16+$0x810 ss:$0x81] =	vst.msk $0xffff, v2;
	s20 =	smov.u32 s18;
	s18 =	sadd.s32 $0x4, s18  }
.Ltmp3:
0x4c: {  	v2 =	vld [tilespmem:s19+$0xFFFFFFF0];
	[tilespmem:s16+$0x1020 ss:$0x81] =	vst.msk $0xffff, v0;
	(pc) =	sbr.rel @p1 .LBB1_3-.Ltmp3, $4  }
0x4d: {  	v0 =	vld [tilespmem:s19+$0x0];
	[tilespmem:s16+$0x0 ss:$0x81] =	vst.msk $0xffff, v1  }
0x4e: {  	s16 =	sshra.s32 s20, $0x2;
	v1 =	vld [tilespmem:s19+$0xFFFFFFE0]  }
0x4f: {  	s16 =	sadd.s32 s16, s17  }
0x50: {  	s19 =	sadd.s32 $0x40, s19;
	[tilespmem:s16+$0x1830 ss:$0x81] =	vst.msk $0xffff, v3  }
.Ltmp4:
0x51: {  	_ = 	snop;
	(pc) =	sbr.rel .LBB1_4-.Ltmp4, $1  }
0x52: {  	_ =	sdelay $0x3  }
.LBB1_6:
0x53: {  	_ =	sfence.sel $0x180000  }
0x54: {  	s2 =	simm.s32 $0x1;
	[bflag:$0x0] =	sbarrier.arrive $0xFFFF  }
0x55: {  	s31 =	simm.s32 $0x2;
	[sflag:s2] =	ssyncpa.u1 $0x1  }
0x56: {  	[sflag:s31] =	ssyncpa.u1 $0x1  }
0x57: {  	p0 =	sne.s32 s0, $0x0;
	_ =	strace $0x90000056  }
0x58: {  	s0 =	sadd.s32 @!p0 $0x100000, s1;
	[bflag:$0x2] =	sbarrier.arrive $0xFFFF  }
0x59: {  	[sflag:s0] =	ssyncadd.tile.s32 @!p0 $0x1;
	_ =	shalt  }
.Lfunc_end1:
_tile_overlayer_lowered:
.L_overlay_start_2:
0x5a: {  	(tag) =	ssettag $0x2  }
0x5b: {  	s0 =	rddreg [dreg:$0x0];
	s2 =	stileid.u32  }
0x5c: {  	s1 =	rddreg [dreg:$0x1];
	p0 =	sne.s32 s2, $0x0  }
0x5d: {  	s3 =	rddreg [dreg:$0x2];
	[bflag:$0x3] =	sbarrier.arrive $0xFFFF;
	s2 =	simm.s32 @!p0 $0x1C01  }
0x5e: {  	[timem:s3], [sflag:s2] =	dma.local @!p0 [hbm:s0], s1  }
0x5f: {  	s0 =	simm.s32 @!p0 $0x1  }
0x60: {  	_ =	swait.ge @!p0 [sflag:s0], s1  }
0x61: {  	s1 =	ssub.s32 @!p0 $0x0, s1;
	[sflag:s0] =	ssyncset.done @!p0 $0x0  }
0x62: {  	[sflag:s0] =	ssyncadd.s32 @!p0 s1  }
0x63: {  	[bflag:$0x3] =	sbarrier.arrive $0xFFFF  }
0x64: {  	_ =	shalt  }

</sc_bundles>
